<compile_context>
chip_gen: v7x
topology: tpu7x:2x2x1
jax: 0.10.2.dev20260603
libtpu: 0.0.44.dev20260713+nightly
codegen_flags: <defaults>
</compile_context>

<pallas_src>
import functools
import jax
import jax.numpy as jnp
from jax import lax
from jax.experimental import pallas as pl
from jax.experimental.pallas import tpu as pltpu
from jax.experimental.pallas import tpu_sc as plsc

_N_E = 512
_C = 32


def _idx_body(z_ref, emb_ref, idx_ref):
    th = z_ref.shape[2]
    ts = th * z_ref.shape[3]
    zb = z_ref[0].reshape(_C, ts)
    emb = emb_ref[...]
    e_sq = jnp.sum(emb * emb, axis=1)
    z_sq = jnp.sum(zb * zb, axis=0)
    ez2 = jax.lax.dot_general(emb + emb, zb, (((1,), (0,)), ((), ())),
                              preferred_element_type=jnp.float32)
    dist = (z_sq[None, :] + e_sq[:, None]) - ez2
    m = jnp.min(dist, axis=0)
    eqf = (dist == m[None, :]).astype(jnp.float32)
    r8 = jax.lax.broadcasted_iota(jnp.int32, (8, _N_E), 0)
    c8 = jax.lax.broadcasted_iota(jnp.int32, (8, _N_E), 1)
    hi, lo = c8 >> 4, c8 & 15
    hi2, hl = hi * hi, hi * lo
    rows = jnp.where(r8 == 1, hi,
           jnp.where(r8 == 2, lo,
           jnp.where(r8 == 3, hi2 >> 2,
           jnp.where(r8 == 4, hi2 & 3,
           jnp.where(r8 == 5, hl >> 1,
           jnp.where(r8 == 6, hl & 1,
           jnp.where(r8 == 7, lo * lo, 1)))))))
    stats = jax.lax.dot_general(rows.astype(jnp.float32), eqf,
                                (((1,), (0,)), ((), ())),
                                preferred_element_type=jnp.float32)
    cnt = stats[0]
    si = 16.0 * stats[1] + stats[2]
    qi = (256.0 * (4.0 * stats[3] + stats[4])
          + 32.0 * (2.0 * stats[5] + stats[6]) + stats[7])
    delta = jnp.sqrt(jnp.maximum(qi + qi - si * si, 0.0))
    idx = jnp.where(cnt == 1.0, si, (si - delta) * 0.5).astype(jnp.int32)
    idx_ref[...] = idx.reshape(ts // 128, 128)


def _tc_indices(z, emb_weight):
    bs, c, h, w = z.shape
    th = 64
    ts = th * w
    return pl.pallas_call(
        _idx_body,
        grid=(bs,),
        in_specs=[pl.BlockSpec((1, c, th, w), lambda i: (i, 0, 0, 0)),
                  pl.BlockSpec((_N_E, _C), lambda i: (0, 0))],
        out_specs=pl.BlockSpec((ts // 128, 128), lambda i: (i, 0)),
        out_shape=jax.ShapeDtypeStruct((bs * h * w // 128, 128), jnp.int32),
    )(z, emb_weight)


def _make_sc_gather(bs, h, w):
    tok_per_worker = bs * h * w // 32
    groups = tok_per_worker // 16
    mesh = plsc.VectorSubcoreMesh(core_axis_name="c", subcore_axis_name="s")

    @functools.partial(
        pl.kernel, mesh=mesh,
        out_type=jax.ShapeDtypeStruct((bs, _C, h, 128), jnp.float32),
        scratch_types=[
            pltpu.VMEM((tok_per_worker,), jnp.int32),
            pltpu.VMEM((_C * _N_E,), jnp.float32),
            pltpu.VMEM((16, h // 2, 128), jnp.float32),
        ],
        compiler_params=pltpu.CompilerParams(use_tc_tiling_on_sc=False, needs_layout_passes=False),
    )
    def sc_gather(idx_hbm, embf_hbm, out_hbm, idx_v, emb_v, out_v):
        wid = lax.axis_index("s") * 2 + lax.axis_index("c")
        b = wid // 2
        half = wid % 2
        pltpu.sync_copy(idx_hbm.at[pl.ds(wid * tok_per_worker, tok_per_worker)],
                        idx_v)
        pltpu.sync_copy(embf_hbm, emb_v)
        for cg in range(2):
            def g_body(g, carry):
                idx16 = idx_v[pl.ds(g * 16, 16)]
                h_rel = g // 4
                lc = (g % 4) * 16
                for c_rel in range(16):
                    c = cg * 16 + c_rel
                    vals = plsc.load_gather(emb_v, [idx16 + c * _N_E])
                    out_v[c_rel, h_rel, pl.ds(lc, 16)] = vals
                return carry
            lax.fori_loop(0, groups, g_body, 0)
            for c_rel in range(16):
                c = cg * 16 + c_rel
                pltpu.sync_copy(out_v.at[c_rel],
                                out_hbm.at[b, c, pl.ds(half * (h // 2), h // 2), :])

    return sc_gather


def kernel(z, emb_weight):
    bs, c, h, w = z.shape
    idx = _tc_indices(z, emb_weight)
    idx_flat = idx.reshape(-1)
    emb_flat = emb_weight.T.reshape(-1)
    out_wide = _make_sc_gather(bs, h, w)(idx_flat, emb_flat)
    return out_wide[..., :w]

# --- scband reference (transcript-rebuilt; emitter-appended) ---
"""Pipeline reference for scband-vector-quantizer-26551487824163 (READ-ONLY COPY).

The authoritative reference and input builder live on the scoring server;
editing this copy changes nothing except your own understanding.
"""

import jax, jax.numpy as jnp
import numpy as np

N_EMB = 512
LATENT_DIM = 32

def setup_inputs(seed: int = 0) -> dict:
    key = jax.random.key(seed)
    k1, k2 = jax.random.split(key)
    z = jax.random.normal(k1, (16, 32, 64, 64), dtype=jnp.float32)
    emb_weight = jax.random.uniform(k2, (N_EMB, LATENT_DIM), dtype=jnp.float32,
                                    minval=-1.0 / LATENT_DIM, maxval=1.0 / LATENT_DIM)
    return {"z": z, "emb_weight": emb_weight}

def reference(z, emb_weight):
    bs, c, h, w = z.shape
    # rearrange 'b c h w -> (b h w) c'
    z_flat = jnp.transpose(z, (0, 2, 3, 1)).reshape(bs * h * w, c)
    z_sq = jnp.sum(z_flat ** 2, axis=1, keepdims=True)
    e_sq = jnp.sum(emb_weight ** 2, axis=1)
    e_z = jnp.matmul(z_flat, emb_weight.T)
    distances = z_sq + e_sq - 2.0 * e_z
    argmin_inds = jnp.argmin(distances, axis=1)
    argmin_one_hot = jax.nn.one_hot(argmin_inds, N_EMB, dtype=jnp.float32)
    z_q = jnp.matmul(argmin_one_hot, emb_weight)
    # rearrange '(b h w) c -> b c h w'
    z_q = z_q.reshape(bs, h, w, c)
    z_q = jnp.transpose(z_q, (0, 3, 1, 2))
    return z_q

if __name__ == "__main__":
    import jax
    _d = setup_inputs()
    print(jax.jit(kernel)(*tuple(_d.values())))

</pallas_src>

<mosaic_0001>
#map = affine_map<(d0, d1) -> (0)>
#map1 = affine_map<(d0, d1) -> (0, 0, 0, 0)>
module attributes {stable_mosaic.version = 14 : i64} {
  func.func @sc_gather(%arg0: i32, %arg1: i32, %arg2: memref<65536xi32, #tpu.memory_space<hbm>>, %arg3: memref<16384xf32, #tpu.memory_space<hbm>>, %arg4: memref<16x32x64x128xf32, #tpu.memory_space<hbm>>, %arg5: memref<2048xi32, #tpu.memory_space<vmem>>, %arg6: memref<16384xf32, #tpu.memory_space<vmem>>, %arg7: memref<16x32x128xf32, #tpu.memory_space<vmem>>) attributes {dimension_semantics = [#tpu.dimension_semantics<core_parallel>, #tpu.dimension_semantics<subcore_parallel>], iteration_bounds = array<i64: 2, 16>, scalar_prefetch = 0 : i64, scratch_operands = 3 : i64, tpu.core_type = #tpu.core_type<sc_vector_subcore>, window_params = [{transform_indices = #map}, {transform_indices = #map}, {transform_indices = #map1}]} {
    %mul3A = arith.constant 2 : i32
    %mul3A_0 = arith.muli %arg1, %mul3A : i32
    %add3A = arith.addi %mul3A_0, %arg0 : i32
    %jit3A = arith.constant 2 : i32
    %div3A = arith.divsi %add3A, %jit3A : i32
    %sign3A = arith.constant 0 : i32
    %sign3A_1 = arith.cmpi sgt, %add3A, %sign3A : i32
    %sign3A_2 = arith.extui %sign3A_1 : i1 to i32
    %sign3A_3 = arith.constant 0 : i32
    %sign3A_4 = arith.cmpi slt, %add3A, %sign3A_3 : i32
    %sign3A_5 = arith.extui %sign3A_4 : i1 to i32
    %sign3A_6 = arith.subi %sign3A_2, %sign3A_5 : i32
    %sign3A_7 = arith.constant 0 : i32
    %sign3A_8 = arith.cmpi sgt, %jit3A, %sign3A_7 : i32
    %sign3A_9 = arith.extui %sign3A_8 : i1 to i32
    %sign3A_10 = arith.constant 0 : i32
    %sign3A_11 = arith.cmpi slt, %jit3A, %sign3A_10 : i32
    %sign3A_12 = arith.extui %sign3A_11 : i1 to i32
    %sign3A_13 = arith.subi %sign3A_9, %sign3A_12 : i32
    %ne3A = arith.cmpi ne, %sign3A_6, %sign3A_13 : i32
    %rem3A = arith.remsi %add3A, %jit3A : i32
    %ne3A_14 = arith.constant 0 : i32
    %ne3A_15 = arith.cmpi ne, %rem3A, %ne3A_14 : i32
    %and3A = arith.andi %ne3A, %ne3A_15 : i1
    %sub3A = arith.constant 1 : i32
    %sub3A_16 = arith.subi %div3A, %sub3A : i32
    %select_n3A = arith.select %and3A, %sub3A_16, %div3A : i32
    %jit3A_17 = arith.constant 2 : i32
    %eq3A = arith.constant 0 : i32
    %eq3A_18 = arith.cmpi eq, %jit3A_17, %eq3A : i32
    %jit3A_19 = arith.constant 1 : i32
    %select_n3A_20 = arith.select %eq3A_18, %jit3A_19, %jit3A_17 : i32
    %rem3A_21 = arith.remsi %add3A, %select_n3A_20 : i32
    %ne3A_22 = arith.constant 0 : i32
    %ne3A_23 = arith.cmpi ne, %rem3A_21, %ne3A_22 : i32
    %lt3A = arith.constant 0 : i32
    %lt3A_24 = arith.cmpi slt, %rem3A_21, %lt3A : i32
    %lt3A_25 = arith.constant 0 : i32
    %lt3A_26 = arith.cmpi slt, %select_n3A_20, %lt3A_25 : i32
    %ne3A_27 = arith.xori %lt3A_24, %lt3A_26 : i1
    %and3A_28 = arith.andi %ne3A_27, %ne3A_23 : i1
    %add3A_29 = arith.addi %rem3A_21, %select_n3A_20 : i32
    %select_n3A_30 = arith.select %and3A_28, %add3A_29, %rem3A_21 : i32
    %mul3A_31 = arith.constant 2048 : i32
    %mul3A_32 = arith.muli %add3A, %mul3A_31 : i32
    "tpu.region"() ({
      %run_scoped3A_171 = tpu.sem_alloc : memref<!tpu.dma_semaphore, #tpu.memory_space<semaphore_mem>>
      %dma_start3A = tpu.memref_slice %arg2[%mul3A_32] : memref<65536xi32, #tpu.memory_space<hbm>> -> memref<2048xi32, #tpu.memory_space<hbm>>
      %dma_start3A_172 = tpu.memref_slice %arg2[%mul3A_32] : memref<65536xi32, #tpu.memory_space<hbm>> -> memref<2048xi32, #tpu.memory_space<hbm>>
      tpu.enqueue_dma source(%dma_start3A_172 : memref<2048xi32, #tpu.memory_space<hbm>>) target(%arg5 : memref<2048xi32, #tpu.memory_space<vmem>>) target_semaphore(%run_scoped3A_171 : memref<!tpu.dma_semaphore, #tpu.memory_space<semaphore_mem>>)
      %dma_wait3A = tpu.memref_slice %arg2[%mul3A_32] : memref<65536xi32, #tpu.memory_space<hbm>> -> memref<2048xi32, #tpu.memory_space<hbm>>
      %dma_wait3A_173 = tpu.memref_slice %arg2[%mul3A_32] : memref<65536xi32, #tpu.memory_space<hbm>> -> memref<2048xi32, #tpu.memory_space<hbm>>
      tpu.wait_dma2 semaphore(%run_scoped3A_171 : memref<!tpu.dma_semaphore, #tpu.memory_space<semaphore_mem>>) src(%dma_wait3A_173 : memref<2048xi32, #tpu.memory_space<hbm>>) dst(%arg5 : memref<2048xi32, #tpu.memory_space<vmem>>)
      tpu.yield
    }) : () -> ()
    "tpu.region"() ({
      %run_scoped3A_171 = tpu.sem_alloc : memref<!tpu.dma_semaphore, #tpu.memory_space<semaphore_mem>>
      tpu.enqueue_dma source(%arg3 : memref<16384xf32, #tpu.memory_space<hbm>>) target(%arg6 : memref<16384xf32, #tpu.memory_space<vmem>>) target_semaphore(%run_scoped3A_171 : memref<!tpu.dma_semaphore, #tpu.memory_space<semaphore_mem>>)
      tpu.wait_dma2 semaphore(%run_scoped3A_171 : memref<!tpu.dma_semaphore, #tpu.memory_space<semaphore_mem>>) src(%arg3 : memref<16384xf32, #tpu.memory_space<hbm>>) dst(%arg6 : memref<16384xf32, #tpu.memory_space<vmem>>)
      tpu.yield
    }) : () -> ()
    %scan3A = arith.constant 0 : i32
    %scan3A_33 = arith.constant 0 : i32
    %scan3A_34 = arith.constant 128 : i32
    %scan3A_35 = arith.addi %scan3A_33, %scan3A_34 : i32
    %scan3A_36 = arith.constant 1 : i32
    scf.for %scan3A_171 = %scan3A_33 to %scan3A_35 step %scan3A_36  : i32 {
      %mul3A_172 = arith.constant 16 : i32
      %mul3A_173 = arith.muli %scan3A_171, %mul3A_172 : i32
      %get3A = arith.index_cast %mul3A_173 : i32 to index
      %get3A_174 = tpu.vector_load %arg5[%get3A] {strides = array<i32>} : memref<2048xi32, #tpu.memory_space<vmem>>, vector<16xi32>,
      %jit3A_175 = arith.constant 4 : i32
      %div3A_176 = arith.divsi %scan3A_171, %jit3A_175 : i32
      %sign3A_177 = arith.constant 0 : i32
      %sign3A_178 = arith.cmpi sgt, %scan3A_171, %sign3A_177 : i32
      %sign3A_179 = arith.extui %sign3A_178 : i1 to i32
      %sign3A_180 = arith.constant 0 : i32
      %sign3A_181 = arith.cmpi slt, %scan3A_171, %sign3A_180 : i32
      %sign3A_182 = arith.extui %sign3A_181 : i1 to i32
      %sign3A_183 = arith.subi %sign3A_179, %sign3A_182 : i32
      %sign3A_184 = arith.constant 0 : i32
      %sign3A_185 = arith.cmpi sgt, %jit3A_175, %sign3A_184 : i32
      %sign3A_186 = arith.extui %sign3A_185 : i1 to i32
      %sign3A_187 = arith.constant 0 : i32
      %sign3A_188 = arith.cmpi slt, %jit3A_175, %sign3A_187 : i32
      %sign3A_189 = arith.extui %sign3A_188 : i1 to i32
      %sign3A_190 = arith.subi %sign3A_186, %sign3A_189 : i32
      %ne3A_191 = arith.cmpi ne, %sign3A_183, %sign3A_190 : i32
      %rem3A_192 = arith.remsi %scan3A_171, %jit3A_175 : i32
      %ne3A_193 = arith.constant 0 : i32
      %ne3A_194 = arith.cmpi ne, %rem3A_192, %ne3A_193 : i32
      %and3A_195 = arith.andi %ne3A_191, %ne3A_194 : i1
      %sub3A_196 = arith.constant 1 : i32
      %sub3A_197 = arith.subi %div3A_176, %sub3A_196 : i32
      %select_n3A_198 = arith.select %and3A_195, %sub3A_197, %div3A_176 : i32
      %jit3A_199 = arith.constant 4 : i32
      %eq3A_200 = arith.constant 0 : i32
      %eq3A_201 = arith.cmpi eq, %jit3A_199, %eq3A_200 : i32
      %jit3A_202 = arith.constant 1 : i32
      %select_n3A_203 = arith.select %eq3A_201, %jit3A_202, %jit3A_199 : i32
      %rem3A_204 = arith.remsi %scan3A_171, %select_n3A_203 : i32
      %ne3A_205 = arith.constant 0 : i32
      %ne3A_206 = arith.cmpi ne, %rem3A_204, %ne3A_205 : i32
      %lt3A_207 = arith.constant 0 : i32
      %lt3A_208 = arith.cmpi slt, %rem3A_204, %lt3A_207 : i32
      %lt3A_209 = arith.constant 0 : i32
      %lt3A_210 = arith.cmpi slt, %select_n3A_203, %lt3A_209 : i32
      %ne3A_211 = arith.xori %lt3A_208, %lt3A_210 : i1
      %and3A_212 = arith.andi %ne3A_211, %ne3A_206 : i1
      %add3A_213 = arith.addi %rem3A_204, %select_n3A_203 : i32
      %select_n3A_214 = arith.select %and3A_212, %add3A_213, %rem3A_204 : i32
      %mul3A_215 = arith.constant 16 : i32
      %mul3A_216 = arith.muli %select_n3A_214, %mul3A_215 : i32
      %add3A_217 = arith.constant 0 : i32
      %add3A_218 = vector.broadcast %add3A_217 : i32 to vector<16xi32>
      %add3A_219 = arith.addi %get3A_174, %add3A_218 : vector<16xi32>
      %gather3A = tpu.vector_load_idx %arg6[%add3A_219] : memref<16384xf32, #tpu.memory_space<vmem>>[vector<16xi32>], vector<16xf32>,
      %swap3A = arith.constant 0 : i32
      %swap3A_220 = arith.index_cast %swap3A : i32 to index
      %swap3A_221 = arith.index_cast %select_n3A_198 : i32 to index
      %swap3A_222 = arith.index_cast %mul3A_216 : i32 to index
      %swap3A_223 = tpu.vector_load %arg7[%swap3A_220, %swap3A_221, %swap3A_222] {strides = array<i32>} : memref<16x32x128xf32, #tpu.memory_space<vmem>>, vector<16xf32>,
      tpu.vector_store %arg7[%swap3A_220, %swap3A_221, %swap3A_222], %gather3A {strides = array<i32>} : memref<16x32x128xf32, #tpu.memory_space<vmem>>, vector<16xf32>,
      %add3A_224 = arith.constant 512 : i32
      %add3A_225 = vector.broadcast %add3A_224 : i32 to vector<16xi32>
      %add3A_226 = arith.addi %get3A_174, %add3A_225 : vector<16xi32>
      %gather3A_227 = tpu.vector_load_idx %arg6[%add3A_226] : memref<16384xf32, #tpu.memory_space<vmem>>[vector<16xi32>], vector<16xf32>,
      %swap3A_228 = arith.constant 1 : i32
      %swap3A_229 = arith.index_cast %swap3A_228 : i32 to index
      %swap3A_230 = arith.index_cast %select_n3A_198 : i32 to index
      %swap3A_231 = arith.index_cast %mul3A_216 : i32 to index
      %swap3A_232 = tpu.vector_load %arg7[%swap3A_229, %swap3A_230, %swap3A_231] {strides = array<i32>} : memref<16x32x128xf32, #tpu.memory_space<vmem>>, vector<16xf32>,
      tpu.vector_store %arg7[%swap3A_229, %swap3A_230, %swap3A_231], %gather3A_227 {strides = array<i32>} : memref<16x32x128xf32, #tpu.memory_space<vmem>>, vector<16xf32>,
      %add3A_233 = arith.constant 1024 : i32
      %add3A_234 = vector.broadcast %add3A_233 : i32 to vector<16xi32>
      %add3A_235 = arith.addi %get3A_174, %add3A_234 : vector<16xi32>
      %gather3A_236 = tpu.vector_load_idx %arg6[%add3A_235] : memref<16384xf32, #tpu.memory_space<vmem>>[vector<16xi32>], vector<16xf32>,
      %swap3A_237 = arith.constant 2 : i32
      %swap3A_238 = arith.index_cast %swap3A_237 : i32 to index
      %swap3A_239 = arith.index_cast %select_n3A_198 : i32 to index
      %swap3A_240 = arith.index_cast %mul3A_216 : i32 to index
      %swap3A_241 = tpu.vector_load %arg7[%swap3A_238, %swap3A_239, %swap3A_240] {strides = array<i32>} : memref<16x32x128xf32, #tpu.memory_space<vmem>>, vector<16xf32>,
      tpu.vector_store %arg7[%swap3A_238, %swap3A_239, %swap3A_240], %gather3A_236 {strides = array<i32>} : memref<16x32x128xf32, #tpu.memory_space<vmem>>, vector<16xf32>,
      %add3A_242 = arith.constant 1536 : i32
      %add3A_243 = vector.broadcast %add3A_242 : i32 to vector<16xi32>
      %add3A_244 = arith.addi %get3A_174, %add3A_243 : vector<16xi32>
      %gather3A_245 = tpu.vector_load_idx %arg6[%add3A_244] : memref<16384xf32, #tpu.memory_space<vmem>>[vector<16xi32>], vector<16xf32>,
      %swap3A_246 = arith.constant 3 : i32
      %swap3A_247 = arith.index_cast %swap3A_246 : i32 to index
      %swap3A_248 = arith.index_cast %select_n3A_198 : i32 to index
      %swap3A_249 = arith.index_cast %mul3A_216 : i32 to index
      %swap3A_250 = tpu.vector_load %arg7[%swap3A_247, %swap3A_248, %swap3A_249] {strides = array<i32>} : memref<16x32x128xf32, #tpu.memory_space<vmem>>, vector<16xf32>,
      tpu.vector_store %arg7[%swap3A_247, %swap3A_248, %swap3A_249], %gather3A_245 {strides = array<i32>} : memref<16x32x128xf32, #tpu.memory_space<vmem>>, vector<16xf32>,
      %add3A_251 = arith.constant 2048 : i32
      %add3A_252 = vector.broadcast %add3A_251 : i32 to vector<16xi32>
      %add3A_253 = arith.addi %get3A_174, %add3A_252 : vector<16xi32>
      %gather3A_254 = tpu.vector_load_idx %arg6[%add3A_253] : memref<16384xf32, #tpu.memory_space<vmem>>[vector<16xi32>], vector<16xf32>,
      %swap3A_255 = arith.constant 4 : i32
      %swap3A_256 = arith.index_cast %swap3A_255 : i32 to index
      %swap3A_257 = arith.index_cast %select_n3A_198 : i32 to index
      %swap3A_258 = arith.index_cast %mul3A_216 : i32 to index
      %swap3A_259 = tpu.vector_load %arg7[%swap3A_256, %swap3A_257, %swap3A_258] {strides = array<i32>} : memref<16x32x128xf32, #tpu.memory_space<vmem>>, vector<16xf32>,
      tpu.vector_store %arg7[%swap3A_256, %swap3A_257, %swap3A_258], %gather3A_254 {strides = array<i32>} : memref<16x32x128xf32, #tpu.memory_space<vmem>>, vector<16xf32>,
      %add3A_260 = arith.constant 2560 : i32
      %add3A_261 = vector.broadcast %add3A_260 : i32 to vector<16xi32>
      %add3A_262 = arith.addi %get3A_174, %add3A_261 : vector<16xi32>
      %gather3A_263 = tpu.vector_load_idx %arg6[%add3A_262] : memref<16384xf32, #tpu.memory_space<vmem>>[vector<16xi32>], vector<16xf32>,
      %swap3A_264 = arith.constant 5 : i32
      %swap3A_265 = arith.index_cast %swap3A_264 : i32 to index
      %swap3A_266 = arith.index_cast %select_n3A_198 : i32 to index
      %swap3A_267 = arith.index_cast %mul3A_216 : i32 to index
      %swap3A_268 = tpu.vector_load %arg7[%swap3A_265, %swap3A_266, %swap3A_267] {strides = array<i32>} : memref<16x32x128xf32, #tpu.memory_space<vmem>>, vector<16xf32>,
      tpu.vector_store %arg7[%swap3A_265, %swap3A_266, %swap3A_267], %gather3A_263 {strides = array<i32>} : memref<16x32x128xf32, #tpu.memory_space<vmem>>, vector<16xf32>,
      %add3A_269 = arith.constant 3072 : i32
      %add3A_270 = vector.broadcast %add3A_269 : i32 to vector<16xi32>
      %add3A_271 = arith.addi %get3A_174, %add3A_270 : vector<16xi32>
      %gather3A_272 = tpu.vector_load_idx %arg6[%add3A_271] : memref<16384xf32, #tpu.memory_space<vmem>>[vector<16xi32>], vector<16xf32>,
      %swap3A_273 = arith.constant 6 : i32
      %swap3A_274 = arith.index_cast %swap3A_273 : i32 to index
      %swap3A_275 = arith.index_cast %select_n3A_198 : i32 to index
      %swap3A_276 = arith.index_cast %mul3A_216 : i32 to index
      %swap3A_277 = tpu.vector_load %arg7[%swap3A_274, %swap3A_275, %swap3A_276] {strides = array<i32>} : memref<16x32x128xf32, #tpu.memory_space<vmem>>, vector<16xf32>,
      tpu.vector_store %arg7[%swap3A_274, %swap3A_275, %swap3A_276], %gather3A_272 {strides = array<i32>} : memref<16x32x128xf32, #tpu.memory_space<vmem>>, vector<16xf32>,
      %add3A_278 = arith.constant 3584 : i32
      %add3A_279 = vector.broadcast %add3A_278 : i32 to vector<16xi32>
      %add3A_280 = arith.addi %get3A_174, %add3A_279 : vector<16xi32>
      %gather3A_281 = tpu.vector_load_idx %arg6[%add3A_280] : memref<16384xf32, #tpu.memory_space<vmem>>[vector<16xi32>], vector<16xf32>,
      %swap3A_282 = arith.constant 7 : i32
      %swap3A_283 = arith.index_cast %swap3A_282 : i32 to index
      %swap3A_284 = arith.index_cast %select_n3A_198 : i32 to index
      %swap3A_285 = arith.index_cast %mul3A_216 : i32 to index
      %swap3A_286 = tpu.vector_load %arg7[%swap3A_283, %swap3A_284, %swap3A_285] {strides = array<i32>} : memref<16x32x128xf32, #tpu.memory_space<vmem>>, vector<16xf32>,
      tpu.vector_store %arg7[%swap3A_283, %swap3A_284, %swap3A_285], %gather3A_281 {strides = array<i32>} : memref<16x32x128xf32, #tpu.memory_space<vmem>>, vector<16xf32>,
      %add3A_287 = arith.constant 4096 : i32
      %add3A_288 = vector.broadcast %add3A_287 : i32 to vector<16xi32>
      %add3A_289 = arith.addi %get3A_174, %add3A_288 : vector<16xi32>
      %gather3A_290 = tpu.vector_load_idx %arg6[%add3A_289] : memref<16384xf32, #tpu.memory_space<vmem>>[vector<16xi32>], vector<16xf32>,
      %swap3A_291 = arith.constant 8 : i32
      %swap3A_292 = arith.index_cast %swap3A_291 : i32 to index
      %swap3A_293 = arith.index_cast %select_n3A_198 : i32 to index
      %swap3A_294 = arith.index_cast %mul3A_216 : i32 to index
      %swap3A_295 = tpu.vector_load %arg7[%swap3A_292, %swap3A_293, %swap3A_294] {strides = array<i32>} : memref<16x32x128xf32, #tpu.memory_space<vmem>>, vector<16xf32>,
      tpu.vector_store %arg7[%swap3A_292, %swap3A_293, %swap3A_294], %gather3A_290 {strides = array<i32>} : memref<16x32x128xf32, #tpu.memory_space<vmem>>, vector<16xf32>,
      %add3A_296 = arith.constant 4608 : i32
      %add3A_297 = vector.broadcast %add3A_296 : i32 to vector<16xi32>
      %add3A_298 = arith.addi %get3A_174, %add3A_297 : vector<16xi32>
      %gather3A_299 = tpu.vector_load_idx %arg6[%add3A_298] : memref<16384xf32, #tpu.memory_space<vmem>>[vector<16xi32>], vector<16xf32>,
      %swap3A_300 = arith.constant 9 : i32
      %swap3A_301 = arith.index_cast %swap3A_300 : i32 to index
      %swap3A_302 = arith.index_cast %select_n3A_198 : i32 to index
      %swap3A_303 = arith.index_cast %mul3A_216 : i32 to index
      %swap3A_304 = tpu.vector_load %arg7[%swap3A_301, %swap3A_302, %swap3A_303] {strides = array<i32>} : memref<16x32x128xf32, #tpu.memory_space<vmem>>, vector<16xf32>,
      tpu.vector_store %arg7[%swap3A_301, %swap3A_302, %swap3A_303], %gather3A_299 {strides = array<i32>} : memref<16x32x128xf32, #tpu.memory_space<vmem>>, vector<16xf32>,
      %add3A_305 = arith.constant 5120 : i32
      %add3A_306 = vector.broadcast %add3A_305 : i32 to vector<16xi32>
      %add3A_307 = arith.addi %get3A_174, %add3A_306 : vector<16xi32>
      %gather3A_308 = tpu.vector_load_idx %arg6[%add3A_307] : memref<16384xf32, #tpu.memory_space<vmem>>[vector<16xi32>], vector<16xf32>,
      %swap3A_309 = arith.constant 10 : i32
      %swap3A_310 = arith.index_cast %swap3A_309 : i32 to index
      %swap3A_311 = arith.index_cast %select_n3A_198 : i32 to index
      %swap3A_312 = arith.index_cast %mul3A_216 : i32 to index
      %swap3A_313 = tpu.vector_load %arg7[%swap3A_310, %swap3A_311, %swap3A_312] {strides = array<i32>} : memref<16x32x128xf32, #tpu.memory_space<vmem>>, vector<16xf32>,
      tpu.vector_store %arg7[%swap3A_310, %swap3A_311, %swap3A_312], %gather3A_308 {strides = array<i32>} : memref<16x32x128xf32, #tpu.memory_space<vmem>>, vector<16xf32>,
      %add3A_314 = arith.constant 5632 : i32
      %add3A_315 = vector.broadcast %add3A_314 : i32 to vector<16xi32>
      %add3A_316 = arith.addi %get3A_174, %add3A_315 : vector<16xi32>
      %gather3A_317 = tpu.vector_load_idx %arg6[%add3A_316] : memref<16384xf32, #tpu.memory_space<vmem>>[vector<16xi32>], vector<16xf32>,
      %swap3A_318 = arith.constant 11 : i32
      %swap3A_319 = arith.index_cast %swap3A_318 : i32 to index
      %swap3A_320 = arith.index_cast %select_n3A_198 : i32 to index
      %swap3A_321 = arith.index_cast %mul3A_216 : i32 to index
      %swap3A_322 = tpu.vector_load %arg7[%swap3A_319, %swap3A_320, %swap3A_321] {strides = array<i32>} : memref<16x32x128xf32, #tpu.memory_space<vmem>>, vector<16xf32>,
      tpu.vector_store %arg7[%swap3A_319, %swap3A_320, %swap3A_321], %gather3A_317 {strides = array<i32>} : memref<16x32x128xf32, #tpu.memory_space<vmem>>, vector<16xf32>,
      %add3A_323 = arith.constant 6144 : i32
      %add3A_324 = vector.broadcast %add3A_323 : i32 to vector<16xi32>
      %add3A_325 = arith.addi %get3A_174, %add3A_324 : vector<16xi32>
      %gather3A_326 = tpu.vector_load_idx %arg6[%add3A_325] : memref<16384xf32, #tpu.memory_space<vmem>>[vector<16xi32>], vector<16xf32>,
      %swap3A_327 = arith.constant 12 : i32
      %swap3A_328 = arith.index_cast %swap3A_327 : i32 to index
      %swap3A_329 = arith.index_cast %select_n3A_198 : i32 to index
      %swap3A_330 = arith.index_cast %mul3A_216 : i32 to index
      %swap3A_331 = tpu.vector_load %arg7[%swap3A_328, %swap3A_329, %swap3A_330] {strides = array<i32>} : memref<16x32x128xf32, #tpu.memory_space<vmem>>, vector<16xf32>,
      tpu.vector_store %arg7[%swap3A_328, %swap3A_329, %swap3A_330], %gather3A_326 {strides = array<i32>} : memref<16x32x128xf32, #tpu.memory_space<vmem>>, vector<16xf32>,
      %add3A_332 = arith.constant 6656 : i32
      %add3A_333 = vector.broadcast %add3A_332 : i32 to vector<16xi32>
      %add3A_334 = arith.addi %get3A_174, %add3A_333 : vector<16xi32>
      %gather3A_335 = tpu.vector_load_idx %arg6[%add3A_334] : memref<16384xf32, #tpu.memory_space<vmem>>[vector<16xi32>], vector<16xf32>,
      %swap3A_336 = arith.constant 13 : i32
      %swap3A_337 = arith.index_cast %swap3A_336 : i32 to index
      %swap3A_338 = arith.index_cast %select_n3A_198 : i32 to index
      %swap3A_339 = arith.index_cast %mul3A_216 : i32 to index
      %swap3A_340 = tpu.vector_load %arg7[%swap3A_337, %swap3A_338, %swap3A_339] {strides = array<i32>} : memref<16x32x128xf32, #tpu.memory_space<vmem>>, vector<16xf32>,
      tpu.vector_store %arg7[%swap3A_337, %swap3A_338, %swap3A_339], %gather3A_335 {strides = array<i32>} : memref<16x32x128xf32, #tpu.memory_space<vmem>>, vector<16xf32>,
      %add3A_341 = arith.constant 7168 : i32
      %add3A_342 = vector.broadcast %add3A_341 : i32 to vector<16xi32>
      %add3A_343 = arith.addi %get3A_174, %add3A_342 : vector<16xi32>
      %gather3A_344 = tpu.vector_load_idx %arg6[%add3A_343] : memref<16384xf32, #tpu.memory_space<vmem>>[vector<16xi32>], vector<16xf32>,
      %swap3A_345 = arith.constant 14 : i32
      %swap3A_346 = arith.index_cast %swap3A_345 : i32 to index
      %swap3A_347 = arith.index_cast %select_n3A_198 : i32 to index
      %swap3A_348 = arith.index_cast %mul3A_216 : i32 to index
      %swap3A_349 = tpu.vector_load %arg7[%swap3A_346, %swap3A_347, %swap3A_348] {strides = array<i32>} : memref<16x32x128xf32, #tpu.memory_space<vmem>>, vector<16xf32>,
      tpu.vector_store %arg7[%swap3A_346, %swap3A_347, %swap3A_348], %gather3A_344 {strides = array<i32>} : memref<16x32x128xf32, #tpu.memory_space<vmem>>, vector<16xf32>,
      %add3A_350 = arith.constant 7680 : i32
      %add3A_351 = vector.broadcast %add3A_350 : i32 to vector<16xi32>
      %add3A_352 = arith.addi %get3A_174, %add3A_351 : vector<16xi32>
      %gather3A_353 = tpu.vector_load_idx %arg6[%add3A_352] : memref<16384xf32, #tpu.memory_space<vmem>>[vector<16xi32>], vector<16xf32>,
      %swap3A_354 = arith.constant 15 : i32
      %swap3A_355 = arith.index_cast %swap3A_354 : i32 to index
      %swap3A_356 = arith.index_cast %select_n3A_198 : i32 to index
      %swap3A_357 = arith.index_cast %mul3A_216 : i32 to index
      %swap3A_358 = tpu.vector_load %arg7[%swap3A_355, %swap3A_356, %swap3A_357] {strides = array<i32>} : memref<16x32x128xf32, #tpu.memory_space<vmem>>, vector<16xf32>,
      tpu.vector_store %arg7[%swap3A_355, %swap3A_356, %swap3A_357], %gather3A_353 {strides = array<i32>} : memref<16x32x128xf32, #tpu.memory_space<vmem>>, vector<16xf32>,
    }
    %scan3A_37 = arith.constant 128 : i32
    %mul3A_38 = arith.constant 32 : i32
    %mul3A_39 = arith.muli %select_n3A_30, %mul3A_38 : i32
    %run_scoped3A = arith.constant 0 : i32
    %run_scoped3A_40 = arith.constant 0 : i32
    "tpu.region"() ({
      %run_scoped3A_171 = tpu.sem_alloc : memref<!tpu.dma_semaphore, #tpu.memory_space<semaphore_mem>>
      %dma_start3A = arith.constant 0 : i32
      %dma_start3A_172 = arith.constant 0 : i32
      %dma_start3A_173 = tpu.memref_slice %arg7[%run_scoped3A, %dma_start3A, %dma_start3A_172] : memref<16x32x128xf32, #tpu.memory_space<vmem>> -> memref<1x32x128xf32, #tpu.memory_space<vmem>>
      %dma_start3A_174 = tpu.memref_squeeze %dma_start3A_173 : memref<1x32x128xf32, #tpu.memory_space<vmem>> -> memref<32x128xf32, #tpu.memory_space<vmem>>
      %dma_start3A_175 = arith.constant 0 : i32
      %dma_start3A_176 = tpu.memref_slice %arg4[%select_n3A, %run_scoped3A_40, %mul3A_39, %dma_start3A_175] : memref<16x32x64x128xf32, #tpu.memory_space<hbm>> -> memref<1x1x32x128xf32, #tpu.memory_space<hbm>>
      %dma_start3A_177 = tpu.memref_squeeze %dma_start3A_176 : memref<1x1x32x128xf32, #tpu.memory_space<hbm>> -> memref<32x128xf32, #tpu.memory_space<hbm>>
      %dma_start3A_178 = arith.constant 0 : i32
      %dma_start3A_179 = tpu.memref_slice %arg4[%select_n3A, %run_scoped3A_40, %mul3A_39, %dma_start3A_178] : memref<16x32x64x128xf32, #tpu.memory_space<hbm>> -> memref<1x1x32x128xf32, #tpu.memory_space<hbm>>
      %dma_start3A_180 = tpu.memref_squeeze %dma_start3A_179 : memref<1x1x32x128xf32, #tpu.memory_space<hbm>> -> memref<32x128xf32, #tpu.memory_space<hbm>>
      %dma_start3A_181 = arith.constant 0 : i32
      %dma_start3A_182 = arith.constant 0 : i32
      %dma_start3A_183 = tpu.memref_slice %arg7[%run_scoped3A, %dma_start3A_181, %dma_start3A_182] : memref<16x32x128xf32, #tpu.memory_space<vmem>> -> memref<1x32x128xf32, #tpu.memory_space<vmem>>
      %dma_start3A_184 = tpu.memref_squeeze %dma_start3A_183 : memref<1x32x128xf32, #tpu.memory_space<vmem>> -> memref<32x128xf32, #tpu.memory_space<vmem>>
      tpu.enqueue_dma source(%dma_start3A_184 : memref<32x128xf32, #tpu.memory_space<vmem>>) target(%dma_start3A_180 : memref<32x128xf32, #tpu.memory_space<hbm>>) target_semaphore(%run_scoped3A_171 : memref<!tpu.dma_semaphore, #tpu.memory_space<semaphore_mem>>)
      %dma_wait3A = arith.constant 0 : i32
      %dma_wait3A_185 = arith.constant 0 : i32
      %dma_wait3A_186 = tpu.memref_slice %arg7[%run_scoped3A, %dma_wait3A, %dma_wait3A_185] : memref<16x32x128xf32, #tpu.memory_space<vmem>> -> memref<1x32x128xf32, #tpu.memory_space<vmem>>
      %dma_wait3A_187 = tpu.memref_squeeze %dma_wait3A_186 : memref<1x32x128xf32, #tpu.memory_space<vmem>> -> memref<32x128xf32, #tpu.memory_space<vmem>>
      %dma_wait3A_188 = arith.constant 0 : i32
      %dma_wait3A_189 = tpu.memref_slice %arg4[%select_n3A, %run_scoped3A_40, %mul3A_39, %dma_wait3A_188] : memref<16x32x64x128xf32, #tpu.memory_space<hbm>> -> memref<1x1x32x128xf32, #tpu.memory_space<hbm>>
      %dma_wait3A_190 = tpu.memref_squeeze %dma_wait3A_189 : memref<1x1x32x128xf32, #tpu.memory_space<hbm>> -> memref<32x128xf32, #tpu.memory_space<hbm>>
      %dma_wait3A_191 = arith.constant 0 : i32
      %dma_wait3A_192 = tpu.memref_slice %arg4[%select_n3A, %run_scoped3A_40, %mul3A_39, %dma_wait3A_191] : memref<16x32x64x128xf32, #tpu.memory_space<hbm>> -> memref<1x1x32x128xf32, #tpu.memory_space<hbm>>
      %dma_wait3A_193 = tpu.memref_squeeze %dma_wait3A_192 : memref<1x1x32x128xf32, #tpu.memory_space<hbm>> -> memref<32x128xf32, #tpu.memory_space<hbm>>
      %dma_wait3A_194 = arith.constant 0 : i32
      %dma_wait3A_195 = arith.constant 0 : i32
      %dma_wait3A_196 = tpu.memref_slice %arg7[%run_scoped3A, %dma_wait3A_194, %dma_wait3A_195] : memref<16x32x128xf32, #tpu.memory_space<vmem>> -> memref<1x32x128xf32, #tpu.memory_space<vmem>>
      %dma_wait3A_197 = tpu.memref_squeeze %dma_wait3A_196 : memref<1x32x128xf32, #tpu.memory_space<vmem>> -> memref<32x128xf32, #tpu.memory_space<vmem>>
      tpu.wait_dma2 semaphore(%run_scoped3A_171 : memref<!tpu.dma_semaphore, #tpu.memory_space<semaphore_mem>>) src(%dma_wait3A_197 : memref<32x128xf32, #tpu.memory_space<vmem>>) dst(%dma_wait3A_193 : memref<32x128xf32, #tpu.memory_space<hbm>>)
      tpu.yield
    }) : () -> ()
    %mul3A_41 = arith.constant 32 : i32
    %mul3A_42 = arith.muli %select_n3A_30, %mul3A_41 : i32
    %run_scoped3A_43 = arith.constant 1 : i32
    %run_scoped3A_44 = arith.constant 1 : i32
    "tpu.region"() ({
      %run_scoped3A_171 = tpu.sem_alloc : memref<!tpu.dma_semaphore, #tpu.memory_space<semaphore_mem>>
      %dma_start3A = arith.constant 0 : i32
      %dma_start3A_172 = arith.constant 0 : i32
      %dma_start3A_173 = tpu.memref_slice %arg7[%run_scoped3A_43, %dma_start3A, %dma_start3A_172] : memref<16x32x128xf32, #tpu.memory_space<vmem>> -> memref<1x32x128xf32, #tpu.memory_space<vmem>>
      %dma_start3A_174 = tpu.memref_squeeze %dma_start3A_173 : memref<1x32x128xf32, #tpu.memory_space<vmem>> -> memref<32x128xf32, #tpu.memory_space<vmem>>
      %dma_start3A_175 = arith.constant 0 : i32
      %dma_start3A_176 = tpu.memref_slice %arg4[%select_n3A, %run_scoped3A_44, %mul3A_42, %dma_start3A_175] : memref<16x32x64x128xf32, #tpu.memory_space<hbm>> -> memref<1x1x32x128xf32, #tpu.memory_space<hbm>>
      %dma_start3A_177 = tpu.memref_squeeze %dma_start3A_176 : memref<1x1x32x128xf32, #tpu.memory_space<hbm>> -> memref<32x128xf32, #tpu.memory_space<hbm>>
      %dma_start3A_178 = arith.constant 0 : i32
      %dma_start3A_179 = tpu.memref_slice %arg4[%select_n3A, %run_scoped3A_44, %mul3A_42, %dma_start3A_178] : memref<16x32x64x128xf32, #tpu.memory_space<hbm>> -> memref<1x1x32x128xf32, #tpu.memory_space<hbm>>
      %dma_start3A_180 = tpu.memref_squeeze %dma_start3A_179 : memref<1x1x32x128xf32, #tpu.memory_space<hbm>> -> memref<32x128xf32, #tpu.memory_space<hbm>>
      %dma_start3A_181 = arith.constant 0 : i32
      %dma_start3A_182 = arith.constant 0 : i32
      %dma_start3A_183 = tpu.memref_slice %arg7[%run_scoped3A_43, %dma_start3A_181, %dma_start3A_182] : memref<16x32x128xf32, #tpu.memory_space<vmem>> -> memref<1x32x128xf32, #tpu.memory_space<vmem>>
      %dma_start3A_184 = tpu.memref_squeeze %dma_start3A_183 : memref<1x32x128xf32, #tpu.memory_space<vmem>> -> memref<32x128xf32, #tpu.memory_space<vmem>>
      tpu.enqueue_dma source(%dma_start3A_184 : memref<32x128xf32, #tpu.memory_space<vmem>>) target(%dma_start3A_180 : memref<32x128xf32, #tpu.memory_space<hbm>>) target_semaphore(%run_scoped3A_171 : memref<!tpu.dma_semaphore, #tpu.memory_space<semaphore_mem>>)
      %dma_wait3A = arith.constant 0 : i32
      %dma_wait3A_185 = arith.constant 0 : i32
      %dma_wait3A_186 = tpu.memref_slice %arg7[%run_scoped3A_43, %dma_wait3A, %dma_wait3A_185] : memref<16x32x128xf32, #tpu.memory_space<vmem>> -> memref<1x32x128xf32, #tpu.memory_space<vmem>>
      %dma_wait3A_187 = tpu.memref_squeeze %dma_wait3A_186 : memref<1x32x128xf32, #tpu.memory_space<vmem>> -> memref<32x128xf32, #tpu.memory_space<vmem>>
      %dma_wait3A_188 = arith.constant 0 : i32
      %dma_wait3A_189 = tpu.memref_slice %arg4[%select_n3A, %run_scoped3A_44, %mul3A_42, %dma_wait3A_188] : memref<16x32x64x128xf32, #tpu.memory_space<hbm>> -> memref<1x1x32x128xf32, #tpu.memory_space<hbm>>
      %dma_wait3A_190 = tpu.memref_squeeze %dma_wait3A_189 : memref<1x1x32x128xf32, #tpu.memory_space<hbm>> -> memref<32x128xf32, #tpu.memory_space<hbm>>
      %dma_wait3A_191 = arith.constant 0 : i32
      %dma_wait3A_192 = tpu.memref_slice %arg4[%select_n3A, %run_scoped3A_44, %mul3A_42, %dma_wait3A_191] : memref<16x32x64x128xf32, #tpu.memory_space<hbm>> -> memref<1x1x32x128xf32, #tpu.memory_space<hbm>>
      %dma_wait3A_193 = tpu.memref_squeeze %dma_wait3A_192 : memref<1x1x32x128xf32, #tpu.memory_space<hbm>> -> memref<32x128xf32, #tpu.memory_space<hbm>>
      %dma_wait3A_194 = arith.constant 0 : i32
      %dma_wait3A_195 = arith.constant 0 : i32
      %dma_wait3A_196 = tpu.memref_slice %arg7[%run_scoped3A_43, %dma_wait3A_194, %dma_wait3A_195] : memref<16x32x128xf32, #tpu.memory_space<vmem>> -> memref<1x32x128xf32, #tpu.memory_space<vmem>>
      %dma_wait3A_197 = tpu.memref_squeeze %dma_wait3A_196 : memref<1x32x128xf32, #tpu.memory_space<vmem>> -> memref<32x128xf32, #tpu.memory_space<vmem>>
      tpu.wait_dma2 semaphore(%run_scoped3A_171 : memref<!tpu.dma_semaphore, #tpu.memory_space<semaphore_mem>>) src(%dma_wait3A_197 : memref<32x128xf32, #tpu.memory_space<vmem>>) dst(%dma_wait3A_193 : memref<32x128xf32, #tpu.memory_space<hbm>>)
      tpu.yield
    }) : () -> ()
    %mul3A_45 = arith.constant 32 : i32
    %mul3A_46 = arith.muli %select_n3A_30, %mul3A_45 : i32
    %run_scoped3A_47 = arith.constant 2 : i32
    %run_scoped3A_48 = arith.constant 2 : i32
    "tpu.region"() ({
      %run_scoped3A_171 = tpu.sem_alloc : memref<!tpu.dma_semaphore, #tpu.memory_space<semaphore_mem>>
      %dma_start3A = arith.constant 0 : i32
      %dma_start3A_172 = arith.constant 0 : i32
      %dma_start3A_173 = tpu.memref_slice %arg7[%run_scoped3A_47, %dma_start3A, %dma_start3A_172] : memref<16x32x128xf32, #tpu.memory_space<vmem>> -> memref<1x32x128xf32, #tpu.memory_space<vmem>>
      %dma_start3A_174 = tpu.memref_squeeze %dma_start3A_173 : memref<1x32x128xf32, #tpu.memory_space<vmem>> -> memref<32x128xf32, #tpu.memory_space<vmem>>
      %dma_start3A_175 = arith.constant 0 : i32
      %dma_start3A_176 = tpu.memref_slice %arg4[%select_n3A, %run_scoped3A_48, %mul3A_46, %dma_start3A_175] : memref<16x32x64x128xf32, #tpu.memory_space<hbm>> -> memref<1x1x32x128xf32, #tpu.memory_space<hbm>>
      %dma_start3A_177 = tpu.memref_squeeze %dma_start3A_176 : memref<1x1x32x128xf32, #tpu.memory_space<hbm>> -> memref<32x128xf32, #tpu.memory_space<hbm>>
      %dma_start3A_178 = arith.constant 0 : i32
      %dma_start3A_179 = tpu.memref_slice %arg4[%select_n3A, %run_scoped3A_48, %mul3A_46, %dma_start3A_178] : memref<16x32x64x128xf32, #tpu.memory_space<hbm>> -> memref<1x1x32x128xf32, #tpu.memory_space<hbm>>
      %dma_start3A_180 = tpu.memref_squeeze %dma_start3A_179 : memref<1x1x32x128xf32, #tpu.memory_space<hbm>> -> memref<32x128xf32, #tpu.memory_space<hbm>>
      %dma_start3A_181 = arith.constant 0 : i32
      %dma_start3A_182 = arith.constant 0 : i32
      %dma_start3A_183 = tpu.memref_slice %arg7[%run_scoped3A_47, %dma_start3A_181, %dma_start3A_182] : memref<16x32x128xf32, #tpu.memory_space<vmem>> -> memref<1x32x128xf32, #tpu.memory_space<vmem>>
      %dma_start3A_184 = tpu.memref_squeeze %dma_start3A_183 : memref<1x32x128xf32, #tpu.memory_space<vmem>> -> memref<32x128xf32, #tpu.memory_space<vmem>>
      tpu.enqueue_dma source(%dma_start3A_184 : memref<32x128xf32, #tpu.memory_space<vmem>>) target(%dma_start3A_180 : memref<32x128xf32, #tpu.memory_space<hbm>>) target_semaphore(%run_scoped3A_171 : memref<!tpu.dma_semaphore, #tpu.memory_space<semaphore_mem>>)
      %dma_wait3A = arith.constant 0 : i32
      %dma_wait3A_185 = arith.constant 0 : i32
      %dma_wait3A_186 = tpu.memref_slice %arg7[%run_scoped3A_47, %dma_wait3A, %dma_wait3A_185] : memref<16x32x128xf32, #tpu.memory_space<vmem>> -> memref<1x32x128xf32, #tpu.memory_space<vmem>>
      %dma_wait3A_187 = tpu.memref_squeeze %dma_wait3A_186 : memref<1x32x128xf32, #tpu.memory_space<vmem>> -> memref<32x128xf32, #tpu.memory_space<vmem>>
      %dma_wait3A_188 = arith.constant 0 : i32
      %dma_wait3A_189 = tpu.memref_slice %arg4[%select_n3A, %run_scoped3A_48, %mul3A_46, %dma_wait3A_188] : memref<16x32x64x128xf32, #tpu.memory_space<hbm>> -> memref<1x1x32x128xf32, #tpu.memory_space<hbm>>
      %dma_wait3A_190 = tpu.memref_squeeze %dma_wait3A_189 : memref<1x1x32x128xf32, #tpu.memory_space<hbm>> -> memref<32x128xf32, #tpu.memory_space<hbm>>
      %dma_wait3A_191 = arith.constant 0 : i32
      %dma_wait3A_192 = tpu.memref_slice %arg4[%select_n3A, %run_scoped3A_48, %mul3A_46, %dma_wait3A_191] : memref<16x32x64x128xf32, #tpu.memory_space<hbm>> -> memref<1x1x32x128xf32, #tpu.memory_space<hbm>>
      %dma_wait3A_193 = tpu.memref_squeeze %dma_wait3A_192 : memref<1x1x32x128xf32, #tpu.memory_space<hbm>> -> memref<32x128xf32, #tpu.memory_space<hbm>>
      %dma_wait3A_194 = arith.constant 0 : i32
      %dma_wait3A_195 = arith.constant 0 : i32
      %dma_wait3A_196 = tpu.memref_slice %arg7[%run_scoped3A_47, %dma_wait3A_194, %dma_wait3A_195] : memref<16x32x128xf32, #tpu.memory_space<vmem>> -> memref<1x32x128xf32, #tpu.memory_space<vmem>>
      %dma_wait3A_197 = tpu.memref_squeeze %dma_wait3A_196 : memref<1x32x128xf32, #tpu.memory_space<vmem>> -> memref<32x128xf32, #tpu.memory_space<vmem>>
      tpu.wait_dma2 semaphore(%run_scoped3A_171 : memref<!tpu.dma_semaphore, #tpu.memory_space<semaphore_mem>>) src(%dma_wait3A_197 : memref<32x128xf32, #tpu.memory_space<vmem>>) dst(%dma_wait3A_193 : memref<32x128xf32, #tpu.memory_space<hbm>>)
      tpu.yield
    }) : () -> ()
    %mul3A_49 = arith.constant 32 : i32
    %mul3A_50 = arith.muli %select_n3A_30, %mul3A_49 : i32
    %run_scoped3A_51 = arith.constant 3 : i32
    %run_scoped3A_52 = arith.constant 3 : i32
    "tpu.region"() ({
      %run_scoped3A_171 = tpu.sem_alloc : memref<!tpu.dma_semaphore, #tpu.memory_space<semaphore_mem>>
      %dma_start3A = arith.constant 0 : i32
      %dma_start3A_172 = arith.constant 0 : i32
      %dma_start3A_173 = tpu.memref_slice %arg7[%run_scoped3A_51, %dma_start3A, %dma_start3A_172] : memref<16x32x128xf32, #tpu.memory_space<vmem>> -> memref<1x32x128xf32, #tpu.memory_space<vmem>>
      %dma_start3A_174 = tpu.memref_squeeze %dma_start3A_173 : memref<1x32x128xf32, #tpu.memory_space<vmem>> -> memref<32x128xf32, #tpu.memory_space<vmem>>
      %dma_start3A_175 = arith.constant 0 : i32
      %dma_start3A_176 = tpu.memref_slice %arg4[%select_n3A, %run_scoped3A_52, %mul3A_50, %dma_start3A_175] : memref<16x32x64x128xf32, #tpu.memory_space<hbm>> -> memref<1x1x32x128xf32, #tpu.memory_space<hbm>>
      %dma_start3A_177 = tpu.memref_squeeze %dma_start3A_176 : memref<1x1x32x128xf32, #tpu.memory_space<hbm>> -> memref<32x128xf32, #tpu.memory_space<hbm>>
      %dma_start3A_178 = arith.constant 0 : i32
      %dma_start3A_179 = tpu.memref_slice %arg4[%select_n3A, %run_scoped3A_52, %mul3A_50, %dma_start3A_178] : memref<16x32x64x128xf32, #tpu.memory_space<hbm>> -> memref<1x1x32x128xf32, #tpu.memory_space<hbm>>
      %dma_start3A_180 = tpu.memref_squeeze %dma_start3A_179 : memref<1x1x32x128xf32, #tpu.memory_space<hbm>> -> memref<32x128xf32, #tpu.memory_space<hbm>>
      %dma_start3A_181 = arith.constant 0 : i32
      %dma_start3A_182 = arith.constant 0 : i32
      %dma_start3A_183 = tpu.memref_slice %arg7[%run_scoped3A_51, %dma_start3A_181, %dma_start3A_182] : memref<16x32x128xf32, #tpu.memory_space<vmem>> -> memref<1x32x128xf32, #tpu.memory_space<vmem>>
      %dma_start3A_184 = tpu.memref_squeeze %dma_start3A_183 : memref<1x32x128xf32, #tpu.memory_space<vmem>> -> memref<32x128xf32, #tpu.memory_space<vmem>>
      tpu.enqueue_dma source(%dma_start3A_184 : memref<32x128xf32, #tpu.memory_space<vmem>>) target(%dma_start3A_180 : memref<32x128xf32, #tpu.memory_space<hbm>>) target_semaphore(%run_scoped3A_171 : memref<!tpu.dma_semaphore, #tpu.memory_space<semaphore_mem>>)
      %dma_wait3A = arith.constant 0 : i32
      %dma_wait3A_185 = arith.constant 0 : i32
      %dma_wait3A_186 = tpu.memref_slice %arg7[%run_scoped3A_51, %dma_wait3A, %dma_wait3A_185] : memref<16x32x128xf32, #tpu.memory_space<vmem>> -> memref<1x32x128xf32, #tpu.memory_space<vmem>>
      %dma_wait3A_187 = tpu.memref_squeeze %dma_wait3A_186 : memref<1x32x128xf32, #tpu.memory_space<vmem>> -> memref<32x128xf32, #tpu.memory_space<vmem>>
      %dma_wait3A_188 = arith.constant 0 : i32
      %dma_wait3A_189 = tpu.memref_slice %arg4[%select_n3A, %run_scoped3A_52, %mul3A_50, %dma_wait3A_188] : memref<16x32x64x128xf32, #tpu.memory_space<hbm>> -> memref<1x1x32x128xf32, #tpu.memory_space<hbm>>
      %dma_wait3A_190 = tpu.memref_squeeze %dma_wait3A_189 : memref<1x1x32x128xf32, #tpu.memory_space<hbm>> -> memref<32x128xf32, #tpu.memory_space<hbm>>
      %dma_wait3A_191 = arith.constant 0 : i32
      %dma_wait3A_192 = tpu.memref_slice %arg4[%select_n3A, %run_scoped3A_52, %mul3A_50, %dma_wait3A_191] : memref<16x32x64x128xf32, #tpu.memory_space<hbm>> -> memref<1x1x32x128xf32, #tpu.memory_space<hbm>>
      %dma_wait3A_193 = tpu.memref_squeeze %dma_wait3A_192 : memref<1x1x32x128xf32, #tpu.memory_space<hbm>> -> memref<32x128xf32, #tpu.memory_space<hbm>>
      %dma_wait3A_194 = arith.constant 0 : i32
      %dma_wait3A_195 = arith.constant 0 : i32
      %dma_wait3A_196 = tpu.memref_slice %arg7[%run_scoped3A_51, %dma_wait3A_194, %dma_wait3A_195] : memref<16x32x128xf32, #tpu.memory_space<vmem>> -> memref<1x32x128xf32, #tpu.memory_space<vmem>>
      %dma_wait3A_197 = tpu.memref_squeeze %dma_wait3A_196 : memref<1x32x128xf32, #tpu.memory_space<vmem>> -> memref<32x128xf32, #tpu.memory_space<vmem>>
      tpu.wait_dma2 semaphore(%run_scoped3A_171 : memref<!tpu.dma_semaphore, #tpu.memory_space<semaphore_mem>>) src(%dma_wait3A_197 : memref<32x128xf32, #tpu.memory_space<vmem>>) dst(%dma_wait3A_193 : memref<32x128xf32, #tpu.memory_space<hbm>>)
      tpu.yield
    }) : () -> ()
    %mul3A_53 = arith.constant 32 : i32
    %mul3A_54 = arith.muli %select_n3A_30, %mul3A_53 : i32
    %run_scoped3A_55 = arith.constant 4 : i32
    %run_scoped3A_56 = arith.constant 4 : i32
    "tpu.region"() ({
      %run_scoped3A_171 = tpu.sem_alloc : memref<!tpu.dma_semaphore, #tpu.memory_space<semaphore_mem>>
      %dma_start3A = arith.constant 0 : i32
      %dma_start3A_172 = arith.constant 0 : i32
      %dma_start3A_173 = tpu.memref_slice %arg7[%run_scoped3A_55, %dma_start3A, %dma_start3A_172] : memref<16x32x128xf32, #tpu.memory_space<vmem>> -> memref<1x32x128xf32, #tpu.memory_space<vmem>>
      %dma_start3A_174 = tpu.memref_squeeze %dma_start3A_173 : memref<1x32x128xf32, #tpu.memory_space<vmem>> -> memref<32x128xf32, #tpu.memory_space<vmem>>
      %dma_start3A_175 = arith.constant 0 : i32
      %dma_start3A_176 = tpu.memref_slice %arg4[%select_n3A, %run_scoped3A_56, %mul3A_54, %dma_start3A_175] : memref<16x32x64x128xf32, #tpu.memory_space<hbm>> -> memref<1x1x32x128xf32, #tpu.memory_space<hbm>>
      %dma_start3A_177 = tpu.memref_squeeze %dma_start3A_176 : memref<1x1x32x128xf32, #tpu.memory_space<hbm>> -> memref<32x128xf32, #tpu.memory_space<hbm>>
      %dma_start3A_178 = arith.constant 0 : i32
      %dma_start3A_179 = tpu.memref_slice %arg4[%select_n3A, %run_scoped3A_56, %mul3A_54, %dma_start3A_178] : memref<16x32x64x128xf32, #tpu.memory_space<hbm>> -> memref<1x1x32x128xf32, #tpu.memory_space<hbm>>
      %dma_start3A_180 = tpu.memref_squeeze %dma_start3A_179 : memref<1x1x32x128xf32, #tpu.memory_space<hbm>> -> memref<32x128xf32, #tpu.memory_space<hbm>>
      %dma_start3A_181 = arith.constant 0 : i32
      %dma_start3A_182 = arith.constant 0 : i32
      %dma_start3A_183 = tpu.memref_slice %arg7[%run_scoped3A_55, %dma_start3A_181, %dma_start3A_182] : memref<16x32x128xf32, #tpu.memory_space<vmem>> -> memref<1x32x128xf32, #tpu.memory_space<vmem>>
      %dma_start3A_184 = tpu.memref_squeeze %dma_start3A_183 : memref<1x32x128xf32, #tpu.memory_space<vmem>> -> memref<32x128xf32, #tpu.memory_space<vmem>>
      tpu.enqueue_dma source(%dma_start3A_184 : memref<32x128xf32, #tpu.memory_space<vmem>>) target(%dma_start3A_180 : memref<32x128xf32, #tpu.memory_space<hbm>>) target_semaphore(%run_scoped3A_171 : memref<!tpu.dma_semaphore, #tpu.memory_space<semaphore_mem>>)
      %dma_wait3A = arith.constant 0 : i32
      %dma_wait3A_185 = arith.constant 0 : i32
      %dma_wait3A_186 = tpu.memref_slice %arg7[%run_scoped3A_55, %dma_wait3A, %dma_wait3A_185] : memref<16x32x128xf32, #tpu.memory_space<vmem>> -> memref<1x32x128xf32, #tpu.memory_space<vmem>>
      %dma_wait3A_187 = tpu.memref_squeeze %dma_wait3A_186 : memref<1x32x128xf32, #tpu.memory_space<vmem>> -> memref<32x128xf32, #tpu.memory_space<vmem>>
      %dma_wait3A_188 = arith.constant 0 : i32
      %dma_wait3A_189 = tpu.memref_slice %arg4[%select_n3A, %run_scoped3A_56, %mul3A_54, %dma_wait3A_188] : memref<16x32x64x128xf32, #tpu.memory_space<hbm>> -> memref<1x1x32x128xf32, #tpu.memory_space<hbm>>
      %dma_wait3A_190 = tpu.memref_squeeze %dma_wait3A_189 : memref<1x1x32x128xf32, #tpu.memory_space<hbm>> -> memref<32x128xf32, #tpu.memory_space<hbm>>
      %dma_wait3A_191 = arith.constant 0 : i32
      %dma_wait3A_192 = tpu.memref_slice %arg4[%select_n3A, %run_scoped3A_56, %mul3A_54, %dma_wait3A_191] : memref<16x32x64x128xf32, #tpu.memory_space<hbm>> -> memref<1x1x32x128xf32, #tpu.memory_space<hbm>>
      %dma_wait3A_193 = tpu.memref_squeeze %dma_wait3A_192 : memref<1x1x32x128xf32, #tpu.memory_space<hbm>> -> memref<32x128xf32, #tpu.memory_space<hbm>>
      %dma_wait3A_194 = arith.constant 0 : i32
      %dma_wait3A_195 = arith.constant 0 : i32
      %dma_wait3A_196 = tpu.memref_slice %arg7[%run_scoped3A_55, %dma_wait3A_194, %dma_wait3A_195] : memref<16x32x128xf32, #tpu.memory_space<vmem>> -> memref<1x32x128xf32, #tpu.memory_space<vmem>>
      %dma_wait3A_197 = tpu.memref_squeeze %dma_wait3A_196 : memref<1x32x128xf32, #tpu.memory_space<vmem>> -> memref<32x128xf32, #tpu.memory_space<vmem>>
      tpu.wait_dma2 semaphore(%run_scoped3A_171 : memref<!tpu.dma_semaphore, #tpu.memory_space<semaphore_mem>>) src(%dma_wait3A_197 : memref<32x128xf32, #tpu.memory_space<vmem>>) dst(%dma_wait3A_193 : memref<32x128xf32, #tpu.memory_space<hbm>>)
      tpu.yield
    }) : () -> ()
    %mul3A_57 = arith.constant 32 : i32
    %mul3A_58 = arith.muli %select_n3A_30, %mul3A_57 : i32
    %run_scoped3A_59 = arith.constant 5 : i32
    %run_scoped3A_60 = arith.constant 5 : i32
    "tpu.region"() ({
      %run_scoped3A_171 = tpu.sem_alloc : memref<!tpu.dma_semaphore, #tpu.memory_space<semaphore_mem>>
      %dma_start3A = arith.constant 0 : i32
      %dma_start3A_172 = arith.constant 0 : i32
      %dma_start3A_173 = tpu.memref_slice %arg7[%run_scoped3A_59, %dma_start3A, %dma_start3A_172] : memref<16x32x128xf32, #tpu.memory_space<vmem>> -> memref<1x32x128xf32, #tpu.memory_space<vmem>>
      %dma_start3A_174 = tpu.memref_squeeze %dma_start3A_173 : memref<1x32x128xf32, #tpu.memory_space<vmem>> -> memref<32x128xf32, #tpu.memory_space<vmem>>
      %dma_start3A_175 = arith.constant 0 : i32
      %dma_start3A_176 = tpu.memref_slice %arg4[%select_n3A, %run_scoped3A_60, %mul3A_58, %dma_start3A_175] : memref<16x32x64x128xf32, #tpu.memory_space<hbm>> -> memref<1x1x32x128xf32, #tpu.memory_space<hbm>>
      %dma_start3A_177 = tpu.memref_squeeze %dma_start3A_176 : memref<1x1x32x128xf32, #tpu.memory_space<hbm>> -> memref<32x128xf32, #tpu.memory_space<hbm>>
      %dma_start3A_178 = arith.constant 0 : i32
      %dma_start3A_179 = tpu.memref_slice %arg4[%select_n3A, %run_scoped3A_60, %mul3A_58, %dma_start3A_178] : memref<16x32x64x128xf32, #tpu.memory_space<hbm>> -> memref<1x1x32x128xf32, #tpu.memory_space<hbm>>
      %dma_start3A_180 = tpu.memref_squeeze %dma_start3A_179 : memref<1x1x32x128xf32, #tpu.memory_space<hbm>> -> memref<32x128xf32, #tpu.memory_space<hbm>>
      %dma_start3A_181 = arith.constant 0 : i32
      %dma_start3A_182 = arith.constant 0 : i32
      %dma_start3A_183 = tpu.memref_slice %arg7[%run_scoped3A_59, %dma_start3A_181, %dma_start3A_182] : memref<16x32x128xf32, #tpu.memory_space<vmem>> -> memref<1x32x128xf32, #tpu.memory_space<vmem>>
      %dma_start3A_184 = tpu.memref_squeeze %dma_start3A_183 : memref<1x32x128xf32, #tpu.memory_space<vmem>> -> memref<32x128xf32, #tpu.memory_space<vmem>>
      tpu.enqueue_dma source(%dma_start3A_184 : memref<32x128xf32, #tpu.memory_space<vmem>>) target(%dma_start3A_180 : memref<32x128xf32, #tpu.memory_space<hbm>>) target_semaphore(%run_scoped3A_171 : memref<!tpu.dma_semaphore, #tpu.memory_space<semaphore_mem>>)
      %dma_wait3A = arith.constant 0 : i32
      %dma_wait3A_185 = arith.constant 0 : i32
      %dma_wait3A_186 = tpu.memref_slice %arg7[%run_scoped3A_59, %dma_wait3A, %dma_wait3A_185] : memref<16x32x128xf32, #tpu.memory_space<vmem>> -> memref<1x32x128xf32, #tpu.memory_space<vmem>>
      %dma_wait3A_187 = tpu.memref_squeeze %dma_wait3A_186 : memref<1x32x128xf32, #tpu.memory_space<vmem>> -> memref<32x128xf32, #tpu.memory_space<vmem>>
      %dma_wait3A_188 = arith.constant 0 : i32
      %dma_wait3A_189 = tpu.memref_slice %arg4[%select_n3A, %run_scoped3A_60, %mul3A_58, %dma_wait3A_188] : memref<16x32x64x128xf32, #tpu.memory_space<hbm>> -> memref<1x1x32x128xf32, #tpu.memory_space<hbm>>
      %dma_wait3A_190 = tpu.memref_squeeze %dma_wait3A_189 : memref<1x1x32x128xf32, #tpu.memory_space<hbm>> -> memref<32x128xf32, #tpu.memory_space<hbm>>
      %dma_wait3A_191 = arith.constant 0 : i32
      %dma_wait3A_192 = tpu.memref_slice %arg4[%select_n3A, %run_scoped3A_60, %mul3A_58, %dma_wait3A_191] : memref<16x32x64x128xf32, #tpu.memory_space<hbm>> -> memref<1x1x32x128xf32, #tpu.memory_space<hbm>>
      %dma_wait3A_193 = tpu.memref_squeeze %dma_wait3A_192 : memref<1x1x32x128xf32, #tpu.memory_space<hbm>> -> memref<32x128xf32, #tpu.memory_space<hbm>>
      %dma_wait3A_194 = arith.constant 0 : i32
      %dma_wait3A_195 = arith.constant 0 : i32
      %dma_wait3A_196 = tpu.memref_slice %arg7[%run_scoped3A_59, %dma_wait3A_194, %dma_wait3A_195] : memref<16x32x128xf32, #tpu.memory_space<vmem>> -> memref<1x32x128xf32, #tpu.memory_space<vmem>>
      %dma_wait3A_197 = tpu.memref_squeeze %dma_wait3A_196 : memref<1x32x128xf32, #tpu.memory_space<vmem>> -> memref<32x128xf32, #tpu.memory_space<vmem>>
      tpu.wait_dma2 semaphore(%run_scoped3A_171 : memref<!tpu.dma_semaphore, #tpu.memory_space<semaphore_mem>>) src(%dma_wait3A_197 : memref<32x128xf32, #tpu.memory_space<vmem>>) dst(%dma_wait3A_193 : memref<32x128xf32, #tpu.memory_space<hbm>>)
      tpu.yield
    }) : () -> ()
    %mul3A_61 = arith.constant 32 : i32
    %mul3A_62 = arith.muli %select_n3A_30, %mul3A_61 : i32
    %run_scoped3A_63 = arith.constant 6 : i32
    %run_scoped3A_64 = arith.constant 6 : i32
    "tpu.region"() ({
      %run_scoped3A_171 = tpu.sem_alloc : memref<!tpu.dma_semaphore, #tpu.memory_space<semaphore_mem>>
      %dma_start3A = arith.constant 0 : i32
      %dma_start3A_172 = arith.constant 0 : i32
      %dma_start3A_173 = tpu.memref_slice %arg7[%run_scoped3A_63, %dma_start3A, %dma_start3A_172] : memref<16x32x128xf32, #tpu.memory_space<vmem>> -> memref<1x32x128xf32, #tpu.memory_space<vmem>>
      %dma_start3A_174 = tpu.memref_squeeze %dma_start3A_173 : memref<1x32x128xf32, #tpu.memory_space<vmem>> -> memref<32x128xf32, #tpu.memory_space<vmem>>
      %dma_start3A_175 = arith.constant 0 : i32
      %dma_start3A_176 = tpu.memref_slice %arg4[%select_n3A, %run_scoped3A_64, %mul3A_62, %dma_start3A_175] : memref<16x32x64x128xf32, #tpu.memory_space<hbm>> -> memref<1x1x32x128xf32, #tpu.memory_space<hbm>>
      %dma_start3A_177 = tpu.memref_squeeze %dma_start3A_176 : memref<1x1x32x128xf32, #tpu.memory_space<hbm>> -> memref<32x128xf32, #tpu.memory_space<hbm>>
      %dma_start3A_178 = arith.constant 0 : i32
      %dma_start3A_179 = tpu.memref_slice %arg4[%select_n3A, %run_scoped3A_64, %mul3A_62, %dma_start3A_178] : memref<16x32x64x128xf32, #tpu.memory_space<hbm>> -> memref<1x1x32x128xf32, #tpu.memory_space<hbm>>
      %dma_start3A_180 = tpu.memref_squeeze %dma_start3A_179 : memref<1x1x32x128xf32, #tpu.memory_space<hbm>> -> memref<32x128xf32, #tpu.memory_space<hbm>>
      %dma_start3A_181 = arith.constant 0 : i32
      %dma_start3A_182 = arith.constant 0 : i32
      %dma_start3A_183 = tpu.memref_slice %arg7[%run_scoped3A_63, %dma_start3A_181, %dma_start3A_182] : memref<16x32x128xf32, #tpu.memory_space<vmem>> -> memref<1x32x128xf32, #tpu.memory_space<vmem>>
      %dma_start3A_184 = tpu.memref_squeeze %dma_start3A_183 : memref<1x32x128xf32, #tpu.memory_space<vmem>> -> memref<32x128xf32, #tpu.memory_space<vmem>>
      tpu.enqueue_dma source(%dma_start3A_184 : memref<32x128xf32, #tpu.memory_space<vmem>>) target(%dma_start3A_180 : memref<32x128xf32, #tpu.memory_space<hbm>>) target_semaphore(%run_scoped3A_171 : memref<!tpu.dma_semaphore, #tpu.memory_space<semaphore_mem>>)
      %dma_wait3A = arith.constant 0 : i32
      %dma_wait3A_185 = arith.constant 0 : i32
      %dma_wait3A_186 = tpu.memref_slice %arg7[%run_scoped3A_63, %dma_wait3A, %dma_wait3A_185] : memref<16x32x128xf32, #tpu.memory_space<vmem>> -> memref<1x32x128xf32, #tpu.memory_space<vmem>>
      %dma_wait3A_187 = tpu.memref_squeeze %dma_wait3A_186 : memref<1x32x128xf32, #tpu.memory_space<vmem>> -> memref<32x128xf32, #tpu.memory_space<vmem>>
      %dma_wait3A_188 = arith.constant 0 : i32
      %dma_wait3A_189 = tpu.memref_slice %arg4[%select_n3A, %run_scoped3A_64, %mul3A_62, %dma_wait3A_188] : memref<16x32x64x128xf32, #tpu.memory_space<hbm>> -> memref<1x1x32x128xf32, #tpu.memory_space<hbm>>
      %dma_wait3A_190 = tpu.memref_squeeze %dma_wait3A_189 : memref<1x1x32x128xf32, #tpu.memory_space<hbm>> -> memref<32x128xf32, #tpu.memory_space<hbm>>
      %dma_wait3A_191 = arith.constant 0 : i32
      %dma_wait3A_192 = tpu.memref_slice %arg4[%select_n3A, %run_scoped3A_64, %mul3A_62, %dma_wait3A_191] : memref<16x32x64x128xf32, #tpu.memory_space<hbm>> -> memref<1x1x32x128xf32, #tpu.memory_space<hbm>>
      %dma_wait3A_193 = tpu.memref_squeeze %dma_wait3A_192 : memref<1x1x32x128xf32, #tpu.memory_space<hbm>> -> memref<32x128xf32, #tpu.memory_space<hbm>>
      %dma_wait3A_194 = arith.constant 0 : i32
      %dma_wait3A_195 = arith.constant 0 : i32
      %dma_wait3A_196 = tpu.memref_slice %arg7[%run_scoped3A_63, %dma_wait3A_194, %dma_wait3A_195] : memref<16x32x128xf32, #tpu.memory_space<vmem>> -> memref<1x32x128xf32, #tpu.memory_space<vmem>>
      %dma_wait3A_197 = tpu.memref_squeeze %dma_wait3A_196 : memref<1x32x128xf32, #tpu.memory_space<vmem>> -> memref<32x128xf32, #tpu.memory_space<vmem>>
      tpu.wait_dma2 semaphore(%run_scoped3A_171 : memref<!tpu.dma_semaphore, #tpu.memory_space<semaphore_mem>>) src(%dma_wait3A_197 : memref<32x128xf32, #tpu.memory_space<vmem>>) dst(%dma_wait3A_193 : memref<32x128xf32, #tpu.memory_space<hbm>>)
      tpu.yield
    }) : () -> ()
    %mul3A_65 = arith.constant 32 : i32
    %mul3A_66 = arith.muli %select_n3A_30, %mul3A_65 : i32
    %run_scoped3A_67 = arith.constant 7 : i32
    %run_scoped3A_68 = arith.constant 7 : i32
    "tpu.region"() ({
      %run_scoped3A_171 = tpu.sem_alloc : memref<!tpu.dma_semaphore, #tpu.memory_space<semaphore_mem>>
      %dma_start3A = arith.constant 0 : i32
      %dma_start3A_172 = arith.constant 0 : i32
      %dma_start3A_173 = tpu.memref_slice %arg7[%run_scoped3A_67, %dma_start3A, %dma_start3A_172] : memref<16x32x128xf32, #tpu.memory_space<vmem>> -> memref<1x32x128xf32, #tpu.memory_space<vmem>>
      %dma_start3A_174 = tpu.memref_squeeze %dma_start3A_173 : memref<1x32x128xf32, #tpu.memory_space<vmem>> -> memref<32x128xf32, #tpu.memory_space<vmem>>
      %dma_start3A_175 = arith.constant 0 : i32
      %dma_start3A_176 = tpu.memref_slice %arg4[%select_n3A, %run_scoped3A_68, %mul3A_66, %dma_start3A_175] : memref<16x32x64x128xf32, #tpu.memory_space<hbm>> -> memref<1x1x32x128xf32, #tpu.memory_space<hbm>>
      %dma_start3A_177 = tpu.memref_squeeze %dma_start3A_176 : memref<1x1x32x128xf32, #tpu.memory_space<hbm>> -> memref<32x128xf32, #tpu.memory_space<hbm>>
      %dma_start3A_178 = arith.constant 0 : i32
      %dma_start3A_179 = tpu.memref_slice %arg4[%select_n3A, %run_scoped3A_68, %mul3A_66, %dma_start3A_178] : memref<16x32x64x128xf32, #tpu.memory_space<hbm>> -> memref<1x1x32x128xf32, #tpu.memory_space<hbm>>
      %dma_start3A_180 = tpu.memref_squeeze %dma_start3A_179 : memref<1x1x32x128xf32, #tpu.memory_space<hbm>> -> memref<32x128xf32, #tpu.memory_space<hbm>>
      %dma_start3A_181 = arith.constant 0 : i32
      %dma_start3A_182 = arith.constant 0 : i32
      %dma_start3A_183 = tpu.memref_slice %arg7[%run_scoped3A_67, %dma_start3A_181, %dma_start3A_182] : memref<16x32x128xf32, #tpu.memory_space<vmem>> -> memref<1x32x128xf32, #tpu.memory_space<vmem>>
      %dma_start3A_184 = tpu.memref_squeeze %dma_start3A_183 : memref<1x32x128xf32, #tpu.memory_space<vmem>> -> memref<32x128xf32, #tpu.memory_space<vmem>>
      tpu.enqueue_dma source(%dma_start3A_184 : memref<32x128xf32, #tpu.memory_space<vmem>>) target(%dma_start3A_180 : memref<32x128xf32, #tpu.memory_space<hbm>>) target_semaphore(%run_scoped3A_171 : memref<!tpu.dma_semaphore, #tpu.memory_space<semaphore_mem>>)
      %dma_wait3A = arith.constant 0 : i32
      %dma_wait3A_185 = arith.constant 0 : i32
      %dma_wait3A_186 = tpu.memref_slice %arg7[%run_scoped3A_67, %dma_wait3A, %dma_wait3A_185] : memref<16x32x128xf32, #tpu.memory_space<vmem>> -> memref<1x32x128xf32, #tpu.memory_space<vmem>>
      %dma_wait3A_187 = tpu.memref_squeeze %dma_wait3A_186 : memref<1x32x128xf32, #tpu.memory_space<vmem>> -> memref<32x128xf32, #tpu.memory_space<vmem>>
      %dma_wait3A_188 = arith.constant 0 : i32
      %dma_wait3A_189 = tpu.memref_slice %arg4[%select_n3A, %run_scoped3A_68, %mul3A_66, %dma_wait3A_188] : memref<16x32x64x128xf32, #tpu.memory_space<hbm>> -> memref<1x1x32x128xf32, #tpu.memory_space<hbm>>
      %dma_wait3A_190 = tpu.memref_squeeze %dma_wait3A_189 : memref<1x1x32x128xf32, #tpu.memory_space<hbm>> -> memref<32x128xf32, #tpu.memory_space<hbm>>
      %dma_wait3A_191 = arith.constant 0 : i32
      %dma_wait3A_192 = tpu.memref_slice %arg4[%select_n3A, %run_scoped3A_68, %mul3A_66, %dma_wait3A_191] : memref<16x32x64x128xf32, #tpu.memory_space<hbm>> -> memref<1x1x32x128xf32, #tpu.memory_space<hbm>>
      %dma_wait3A_193 = tpu.memref_squeeze %dma_wait3A_192 : memref<1x1x32x128xf32, #tpu.memory_space<hbm>> -> memref<32x128xf32, #tpu.memory_space<hbm>>
      %dma_wait3A_194 = arith.constant 0 : i32
      %dma_wait3A_195 = arith.constant 0 : i32
      %dma_wait3A_196 = tpu.memref_slice %arg7[%run_scoped3A_67, %dma_wait3A_194, %dma_wait3A_195] : memref<16x32x128xf32, #tpu.memory_space<vmem>> -> memref<1x32x128xf32, #tpu.memory_space<vmem>>
      %dma_wait3A_197 = tpu.memref_squeeze %dma_wait3A_196 : memref<1x32x128xf32, #tpu.memory_space<vmem>> -> memref<32x128xf32, #tpu.memory_space<vmem>>
      tpu.wait_dma2 semaphore(%run_scoped3A_171 : memref<!tpu.dma_semaphore, #tpu.memory_space<semaphore_mem>>) src(%dma_wait3A_197 : memref<32x128xf32, #tpu.memory_space<vmem>>) dst(%dma_wait3A_193 : memref<32x128xf32, #tpu.memory_space<hbm>>)
      tpu.yield
    }) : () -> ()
    %mul3A_69 = arith.constant 32 : i32
    %mul3A_70 = arith.muli %select_n3A_30, %mul3A_69 : i32
    %run_scoped3A_71 = arith.constant 8 : i32
    %run_scoped3A_72 = arith.constant 8 : i32
    "tpu.region"() ({
      %run_scoped3A_171 = tpu.sem_alloc : memref<!tpu.dma_semaphore, #tpu.memory_space<semaphore_mem>>
      %dma_start3A = arith.constant 0 : i32
      %dma_start3A_172 = arith.constant 0 : i32
      %dma_start3A_173 = tpu.memref_slice %arg7[%run_scoped3A_71, %dma_start3A, %dma_start3A_172] : memref<16x32x128xf32, #tpu.memory_space<vmem>> -> memref<1x32x128xf32, #tpu.memory_space<vmem>>
      %dma_start3A_174 = tpu.memref_squeeze %dma_start3A_173 : memref<1x32x128xf32, #tpu.memory_space<vmem>> -> memref<32x128xf32, #tpu.memory_space<vmem>>
      %dma_start3A_175 = arith.constant 0 : i32
      %dma_start3A_176 = tpu.memref_slice %arg4[%select_n3A, %run_scoped3A_72, %mul3A_70, %dma_start3A_175] : memref<16x32x64x128xf32, #tpu.memory_space<hbm>> -> memref<1x1x32x128xf32, #tpu.memory_space<hbm>>
      %dma_start3A_177 = tpu.memref_squeeze %dma_start3A_176 : memref<1x1x32x128xf32, #tpu.memory_space<hbm>> -> memref<32x128xf32, #tpu.memory_space<hbm>>
      %dma_start3A_178 = arith.constant 0 : i32
      %dma_start3A_179 = tpu.memref_slice %arg4[%select_n3A, %run_scoped3A_72, %mul3A_70, %dma_start3A_178] : memref<16x32x64x128xf32, #tpu.memory_space<hbm>> -> memref<1x1x32x128xf32, #tpu.memory_space<hbm>>
      %dma_start3A_180 = tpu.memref_squeeze %dma_start3A_179 : memref<1x1x32x128xf32, #tpu.memory_space<hbm>> -> memref<32x128xf32, #tpu.memory_space<hbm>>
      %dma_start3A_181 = arith.constant 0 : i32
      %dma_start3A_182 = arith.constant 0 : i32
      %dma_start3A_183 = tpu.memref_slice %arg7[%run_scoped3A_71, %dma_start3A_181, %dma_start3A_182] : memref<16x32x128xf32, #tpu.memory_space<vmem>> -> memref<1x32x128xf32, #tpu.memory_space<vmem>>
      %dma_start3A_184 = tpu.memref_squeeze %dma_start3A_183 : memref<1x32x128xf32, #tpu.memory_space<vmem>> -> memref<32x128xf32, #tpu.memory_space<vmem>>
      tpu.enqueue_dma source(%dma_start3A_184 : memref<32x128xf32, #tpu.memory_space<vmem>>) target(%dma_start3A_180 : memref<32x128xf32, #tpu.memory_space<hbm>>) target_semaphore(%run_scoped3A_171 : memref<!tpu.dma_semaphore, #tpu.memory_space<semaphore_mem>>)
      %dma_wait3A = arith.constant 0 : i32
      %dma_wait3A_185 = arith.constant 0 : i32
      %dma_wait3A_186 = tpu.memref_slice %arg7[%run_scoped3A_71, %dma_wait3A, %dma_wait3A_185] : memref<16x32x128xf32, #tpu.memory_space<vmem>> -> memref<1x32x128xf32, #tpu.memory_space<vmem>>
      %dma_wait3A_187 = tpu.memref_squeeze %dma_wait3A_186 : memref<1x32x128xf32, #tpu.memory_space<vmem>> -> memref<32x128xf32, #tpu.memory_space<vmem>>
      %dma_wait3A_188 = arith.constant 0 : i32
      %dma_wait3A_189 = tpu.memref_slice %arg4[%select_n3A, %run_scoped3A_72, %mul3A_70, %dma_wait3A_188] : memref<16x32x64x128xf32, #tpu.memory_space<hbm>> -> memref<1x1x32x128xf32, #tpu.memory_space<hbm>>
      %dma_wait3A_190 = tpu.memref_squeeze %dma_wait3A_189 : memref<1x1x32x128xf32, #tpu.memory_space<hbm>> -> memref<32x128xf32, #tpu.memory_space<hbm>>
      %dma_wait3A_191 = arith.constant 0 : i32
      %dma_wait3A_192 = tpu.memref_slice %arg4[%select_n3A, %run_scoped3A_72, %mul3A_70, %dma_wait3A_191] : memref<16x32x64x128xf32, #tpu.memory_space<hbm>> -> memref<1x1x32x128xf32, #tpu.memory_space<hbm>>
      %dma_wait3A_193 = tpu.memref_squeeze %dma_wait3A_192 : memref<1x1x32x128xf32, #tpu.memory_space<hbm>> -> memref<32x128xf32, #tpu.memory_space<hbm>>
      %dma_wait3A_194 = arith.constant 0 : i32
      %dma_wait3A_195 = arith.constant 0 : i32
      %dma_wait3A_196 = tpu.memref_slice %arg7[%run_scoped3A_71, %dma_wait3A_194, %dma_wait3A_195] : memref<16x32x128xf32, #tpu.memory_space<vmem>> -> memref<1x32x128xf32, #tpu.memory_space<vmem>>
      %dma_wait3A_197 = tpu.memref_squeeze %dma_wait3A_196 : memref<1x32x128xf32, #tpu.memory_space<vmem>> -> memref<32x128xf32, #tpu.memory_space<vmem>>
      tpu.wait_dma2 semaphore(%run_scoped3A_171 : memref<!tpu.dma_semaphore, #tpu.memory_space<semaphore_mem>>) src(%dma_wait3A_197 : memref<32x128xf32, #tpu.memory_space<vmem>>) dst(%dma_wait3A_193 : memref<32x128xf32, #tpu.memory_space<hbm>>)
      tpu.yield
    }) : () -> ()
    %mul3A_73 = arith.constant 32 : i32
    %mul3A_74 = arith.muli %select_n3A_30, %mul3A_73 : i32
    %run_scoped3A_75 = arith.constant 9 : i32
    %run_scoped3A_76 = arith.constant 9 : i32
    "tpu.region"() ({
      %run_scoped3A_171 = tpu.sem_alloc : memref<!tpu.dma_semaphore, #tpu.memory_space<semaphore_mem>>
      %dma_start3A = arith.constant 0 : i32
      %dma_start3A_172 = arith.constant 0 : i32
      %dma_start3A_173 = tpu.memref_slice %arg7[%run_scoped3A_75, %dma_start3A, %dma_start3A_172] : memref<16x32x128xf32, #tpu.memory_space<vmem>> -> memref<1x32x128xf32, #tpu.memory_space<vmem>>
      %dma_start3A_174 = tpu.memref_squeeze %dma_start3A_173 : memref<1x32x128xf32, #tpu.memory_space<vmem>> -> memref<32x128xf32, #tpu.memory_space<vmem>>
      %dma_start3A_175 = arith.constant 0 : i32
      %dma_start3A_176 = tpu.memref_slice %arg4[%select_n3A, %run_scoped3A_76, %mul3A_74, %dma_start3A_175] : memref<16x32x64x128xf32, #tpu.memory_space<hbm>> -> memref<1x1x32x128xf32, #tpu.memory_space<hbm>>
      %dma_start3A_177 = tpu.memref_squeeze %dma_start3A_176 : memref<1x1x32x128xf32, #tpu.memory_space<hbm>> -> memref<32x128xf32, #tpu.memory_space<hbm>>
      %dma_start3A_178 = arith.constant 0 : i32
      %dma_start3A_179 = tpu.memref_slice %arg4[%select_n3A, %run_scoped3A_76, %mul3A_74, %dma_start3A_178] : memref<16x32x64x128xf32, #tpu.memory_space<hbm>> -> memref<1x1x32x128xf32, #tpu.memory_space<hbm>>
      %dma_start3A_180 = tpu.memref_squeeze %dma_start3A_179 : memref<1x1x32x128xf32, #tpu.memory_space<hbm>> -> memref<32x128xf32, #tpu.memory_space<hbm>>
      %dma_start3A_181 = arith.constant 0 : i32
      %dma_start3A_182 = arith.constant 0 : i32
      %dma_start3A_183 = tpu.memref_slice %arg7[%run_scoped3A_75, %dma_start3A_181, %dma_start3A_182] : memref<16x32x128xf32, #tpu.memory_space<vmem>> -> memref<1x32x128xf32, #tpu.memory_space<vmem>>
      %dma_start3A_184 = tpu.memref_squeeze %dma_start3A_183 : memref<1x32x128xf32, #tpu.memory_space<vmem>> -> memref<32x128xf32, #tpu.memory_space<vmem>>
      tpu.enqueue_dma source(%dma_start3A_184 : memref<32x128xf32, #tpu.memory_space<vmem>>) target(%dma_start3A_180 : memref<32x128xf32, #tpu.memory_space<hbm>>) target_semaphore(%run_scoped3A_171 : memref<!tpu.dma_semaphore, #tpu.memory_space<semaphore_mem>>)
      %dma_wait3A = arith.constant 0 : i32
      %dma_wait3A_185 = arith.constant 0 : i32
      %dma_wait3A_186 = tpu.memref_slice %arg7[%run_scoped3A_75, %dma_wait3A, %dma_wait3A_185] : memref<16x32x128xf32, #tpu.memory_space<vmem>> -> memref<1x32x128xf32, #tpu.memory_space<vmem>>
      %dma_wait3A_187 = tpu.memref_squeeze %dma_wait3A_186 : memref<1x32x128xf32, #tpu.memory_space<vmem>> -> memref<32x128xf32, #tpu.memory_space<vmem>>
      %dma_wait3A_188 = arith.constant 0 : i32
      %dma_wait3A_189 = tpu.memref_slice %arg4[%select_n3A, %run_scoped3A_76, %mul3A_74, %dma_wait3A_188] : memref<16x32x64x128xf32, #tpu.memory_space<hbm>> -> memref<1x1x32x128xf32, #tpu.memory_space<hbm>>
      %dma_wait3A_190 = tpu.memref_squeeze %dma_wait3A_189 : memref<1x1x32x128xf32, #tpu.memory_space<hbm>> -> memref<32x128xf32, #tpu.memory_space<hbm>>
      %dma_wait3A_191 = arith.constant 0 : i32
      %dma_wait3A_192 = tpu.memref_slice %arg4[%select_n3A, %run_scoped3A_76, %mul3A_74, %dma_wait3A_191] : memref<16x32x64x128xf32, #tpu.memory_space<hbm>> -> memref<1x1x32x128xf32, #tpu.memory_space<hbm>>
      %dma_wait3A_193 = tpu.memref_squeeze %dma_wait3A_192 : memref<1x1x32x128xf32, #tpu.memory_space<hbm>> -> memref<32x128xf32, #tpu.memory_space<hbm>>
      %dma_wait3A_194 = arith.constant 0 : i32
      %dma_wait3A_195 = arith.constant 0 : i32
      %dma_wait3A_196 = tpu.memref_slice %arg7[%run_scoped3A_75, %dma_wait3A_194, %dma_wait3A_195] : memref<16x32x128xf32, #tpu.memory_space<vmem>> -> memref<1x32x128xf32, #tpu.memory_space<vmem>>
      %dma_wait3A_197 = tpu.memref_squeeze %dma_wait3A_196 : memref<1x32x128xf32, #tpu.memory_space<vmem>> -> memref<32x128xf32, #tpu.memory_space<vmem>>
      tpu.wait_dma2 semaphore(%run_scoped3A_171 : memref<!tpu.dma_semaphore, #tpu.memory_space<semaphore_mem>>) src(%dma_wait3A_197 : memref<32x128xf32, #tpu.memory_space<vmem>>) dst(%dma_wait3A_193 : memref<32x128xf32, #tpu.memory_space<hbm>>)
      tpu.yield
    }) : () -> ()
    %mul3A_77 = arith.constant 32 : i32
    %mul3A_78 = arith.muli %select_n3A_30, %mul3A_77 : i32
    %run_scoped3A_79 = arith.constant 10 : i32
    %run_scoped3A_80 = arith.constant 10 : i32
    "tpu.region"() ({
      %run_scoped3A_171 = tpu.sem_alloc : memref<!tpu.dma_semaphore, #tpu.memory_space<semaphore_mem>>
      %dma_start3A = arith.constant 0 : i32
      %dma_start3A_172 = arith.constant 0 : i32
      %dma_start3A_173 = tpu.memref_slice %arg7[%run_scoped3A_79, %dma_start3A, %dma_start3A_172] : memref<16x32x128xf32, #tpu.memory_space<vmem>> -> memref<1x32x128xf32, #tpu.memory_space<vmem>>
      %dma_start3A_174 = tpu.memref_squeeze %dma_start3A_173 : memref<1x32x128xf32, #tpu.memory_space<vmem>> -> memref<32x128xf32, #tpu.memory_space<vmem>>
      %dma_start3A_175 = arith.constant 0 : i32
      %dma_start3A_176 = tpu.memref_slice %arg4[%select_n3A, %run_scoped3A_80, %mul3A_78, %dma_start3A_175] : memref<16x32x64x128xf32, #tpu.memory_space<hbm>> -> memref<1x1x32x128xf32, #tpu.memory_space<hbm>>
      %dma_start3A_177 = tpu.memref_squeeze %dma_start3A_176 : memref<1x1x32x128xf32, #tpu.memory_space<hbm>> -> memref<32x128xf32, #tpu.memory_space<hbm>>
      %dma_start3A_178 = arith.constant 0 : i32
      %dma_start3A_179 = tpu.memref_slice %arg4[%select_n3A, %run_scoped3A_80, %mul3A_78, %dma_start3A_178] : memref<16x32x64x128xf32, #tpu.memory_space<hbm>> -> memref<1x1x32x128xf32, #tpu.memory_space<hbm>>
      %dma_start3A_180 = tpu.memref_squeeze %dma_start3A_179 : memref<1x1x32x128xf32, #tpu.memory_space<hbm>> -> memref<32x128xf32, #tpu.memory_space<hbm>>
      %dma_start3A_181 = arith.constant 0 : i32
      %dma_start3A_182 = arith.constant 0 : i32
      %dma_start3A_183 = tpu.memref_slice %arg7[%run_scoped3A_79, %dma_start3A_181, %dma_start3A_182] : memref<16x32x128xf32, #tpu.memory_space<vmem>> -> memref<1x32x128xf32, #tpu.memory_space<vmem>>
      %dma_start3A_184 = tpu.memref_squeeze %dma_start3A_183 : memref<1x32x128xf32, #tpu.memory_space<vmem>> -> memref<32x128xf32, #tpu.memory_space<vmem>>
      tpu.enqueue_dma source(%dma_start3A_184 : memref<32x128xf32, #tpu.memory_space<vmem>>) target(%dma_start3A_180 : memref<32x128xf32, #tpu.memory_space<hbm>>) target_semaphore(%run_scoped3A_171 : memref<!tpu.dma_semaphore, #tpu.memory_space<semaphore_mem>>)
      %dma_wait3A = arith.constant 0 : i32
      %dma_wait3A_185 = arith.constant 0 : i32
      %dma_wait3A_186 = tpu.memref_slice %arg7[%run_scoped3A_79, %dma_wait3A, %dma_wait3A_185] : memref<16x32x128xf32, #tpu.memory_space<vmem>> -> memref<1x32x128xf32, #tpu.memory_space<vmem>>
      %dma_wait3A_187 = tpu.memref_squeeze %dma_wait3A_186 : memref<1x32x128xf32, #tpu.memory_space<vmem>> -> memref<32x128xf32, #tpu.memory_space<vmem>>
      %dma_wait3A_188 = arith.constant 0 : i32
      %dma_wait3A_189 = tpu.memref_slice %arg4[%select_n3A, %run_scoped3A_80, %mul3A_78, %dma_wait3A_188] : memref<16x32x64x128xf32, #tpu.memory_space<hbm>> -> memref<1x1x32x128xf32, #tpu.memory_space<hbm>>
      %dma_wait3A_190 = tpu.memref_squeeze %dma_wait3A_189 : memref<1x1x32x128xf32, #tpu.memory_space<hbm>> -> memref<32x128xf32, #tpu.memory_space<hbm>>
      %dma_wait3A_191 = arith.constant 0 : i32
      %dma_wait3A_192 = tpu.memref_slice %arg4[%select_n3A, %run_scoped3A_80, %mul3A_78, %dma_wait3A_191] : memref<16x32x64x128xf32, #tpu.memory_space<hbm>> -> memref<1x1x32x128xf32, #tpu.memory_space<hbm>>
      %dma_wait3A_193 = tpu.memref_squeeze %dma_wait3A_192 : memref<1x1x32x128xf32, #tpu.memory_space<hbm>> -> memref<32x128xf32, #tpu.memory_space<hbm>>
      %dma_wait3A_194 = arith.constant 0 : i32
      %dma_wait3A_195 = arith.constant 0 : i32
      %dma_wait3A_196 = tpu.memref_slice %arg7[%run_scoped3A_79, %dma_wait3A_194, %dma_wait3A_195] : memref<16x32x128xf32, #tpu.memory_space<vmem>> -> memref<1x32x128xf32, #tpu.memory_space<vmem>>
      %dma_wait3A_197 = tpu.memref_squeeze %dma_wait3A_196 : memref<1x32x128xf32, #tpu.memory_space<vmem>> -> memref<32x128xf32, #tpu.memory_space<vmem>>
      tpu.wait_dma2 semaphore(%run_scoped3A_171 : memref<!tpu.dma_semaphore, #tpu.memory_space<semaphore_mem>>) src(%dma_wait3A_197 : memref<32x128xf32, #tpu.memory_space<vmem>>) dst(%dma_wait3A_193 : memref<32x128xf32, #tpu.memory_space<hbm>>)
      tpu.yield
    }) : () -> ()
    %mul3A_81 = arith.constant 32 : i32
    %mul3A_82 = arith.muli %select_n3A_30, %mul3A_81 : i32
    %run_scoped3A_83 = arith.constant 11 : i32
    %run_scoped3A_84 = arith.constant 11 : i32
    "tpu.region"() ({
      %run_scoped3A_171 = tpu.sem_alloc : memref<!tpu.dma_semaphore, #tpu.memory_space<semaphore_mem>>
      %dma_start3A = arith.constant 0 : i32
      %dma_start3A_172 = arith.constant 0 : i32
      %dma_start3A_173 = tpu.memref_slice %arg7[%run_scoped3A_83, %dma_start3A, %dma_start3A_172] : memref<16x32x128xf32, #tpu.memory_space<vmem>> -> memref<1x32x128xf32, #tpu.memory_space<vmem>>
      %dma_start3A_174 = tpu.memref_squeeze %dma_start3A_173 : memref<1x32x128xf32, #tpu.memory_space<vmem>> -> memref<32x128xf32, #tpu.memory_space<vmem>>
      %dma_start3A_175 = arith.constant 0 : i32
      %dma_start3A_176 = tpu.memref_slice %arg4[%select_n3A, %run_scoped3A_84, %mul3A_82, %dma_start3A_175] : memref<16x32x64x128xf32, #tpu.memory_space<hbm>> -> memref<1x1x32x128xf32, #tpu.memory_space<hbm>>
      %dma_start3A_177 = tpu.memref_squeeze %dma_start3A_176 : memref<1x1x32x128xf32, #tpu.memory_space<hbm>> -> memref<32x128xf32, #tpu.memory_space<hbm>>
      %dma_start3A_178 = arith.constant 0 : i32
      %dma_start3A_179 = tpu.memref_slice %arg4[%select_n3A, %run_scoped3A_84, %mul3A_82, %dma_start3A_178] : memref<16x32x64x128xf32, #tpu.memory_space<hbm>> -> memref<1x1x32x128xf32, #tpu.memory_space<hbm>>
      %dma_start3A_180 = tpu.memref_squeeze %dma_start3A_179 : memref<1x1x32x128xf32, #tpu.memory_space<hbm>> -> memref<32x128xf32, #tpu.memory_space<hbm>>
      %dma_start3A_181 = arith.constant 0 : i32
      %dma_start3A_182 = arith.constant 0 : i32
      %dma_start3A_183 = tpu.memref_slice %arg7[%run_scoped3A_83, %dma_start3A_181, %dma_start3A_182] : memref<16x32x128xf32, #tpu.memory_space<vmem>> -> memref<1x32x128xf32, #tpu.memory_space<vmem>>
      %dma_start3A_184 = tpu.memref_squeeze %dma_start3A_183 : memref<1x32x128xf32, #tpu.memory_space<vmem>> -> memref<32x128xf32, #tpu.memory_space<vmem>>
      tpu.enqueue_dma source(%dma_start3A_184 : memref<32x128xf32, #tpu.memory_space<vmem>>) target(%dma_start3A_180 : memref<32x128xf32, #tpu.memory_space<hbm>>) target_semaphore(%run_scoped3A_171 : memref<!tpu.dma_semaphore, #tpu.memory_space<semaphore_mem>>)
      %dma_wait3A = arith.constant 0 : i32
      %dma_wait3A_185 = arith.constant 0 : i32
      %dma_wait3A_186 = tpu.memref_slice %arg7[%run_scoped3A_83, %dma_wait3A, %dma_wait3A_185] : memref<16x32x128xf32, #tpu.memory_space<vmem>> -> memref<1x32x128xf32, #tpu.memory_space<vmem>>
      %dma_wait3A_187 = tpu.memref_squeeze %dma_wait3A_186 : memref<1x32x128xf32, #tpu.memory_space<vmem>> -> memref<32x128xf32, #tpu.memory_space<vmem>>
      %dma_wait3A_188 = arith.constant 0 : i32
      %dma_wait3A_189 = tpu.memref_slice %arg4[%select_n3A, %run_scoped3A_84, %mul3A_82, %dma_wait3A_188] : memref<16x32x64x128xf32, #tpu.memory_space<hbm>> -> memref<1x1x32x128xf32, #tpu.memory_space<hbm>>
      %dma_wait3A_190 = tpu.memref_squeeze %dma_wait3A_189 : memref<1x1x32x128xf32, #tpu.memory_space<hbm>> -> memref<32x128xf32, #tpu.memory_space<hbm>>
      %dma_wait3A_191 = arith.constant 0 : i32
      %dma_wait3A_192 = tpu.memref_slice %arg4[%select_n3A, %run_scoped3A_84, %mul3A_82, %dma_wait3A_191] : memref<16x32x64x128xf32, #tpu.memory_space<hbm>> -> memref<1x1x32x128xf32, #tpu.memory_space<hbm>>
      %dma_wait3A_193 = tpu.memref_squeeze %dma_wait3A_192 : memref<1x1x32x128xf32, #tpu.memory_space<hbm>> -> memref<32x128xf32, #tpu.memory_space<hbm>>
      %dma_wait3A_194 = arith.constant 0 : i32
      %dma_wait3A_195 = arith.constant 0 : i32
      %dma_wait3A_196 = tpu.memref_slice %arg7[%run_scoped3A_83, %dma_wait3A_194, %dma_wait3A_195] : memref<16x32x128xf32, #tpu.memory_space<vmem>> -> memref<1x32x128xf32, #tpu.memory_space<vmem>>
      %dma_wait3A_197 = tpu.memref_squeeze %dma_wait3A_196 : memref<1x32x128xf32, #tpu.memory_space<vmem>> -> memref<32x128xf32, #tpu.memory_space<vmem>>
      tpu.wait_dma2 semaphore(%run_scoped3A_171 : memref<!tpu.dma_semaphore, #tpu.memory_space<semaphore_mem>>) src(%dma_wait3A_197 : memref<32x128xf32, #tpu.memory_space<vmem>>) dst(%dma_wait3A_193 : memref<32x128xf32, #tpu.memory_space<hbm>>)
      tpu.yield
    }) : () -> ()
    %mul3A_85 = arith.constant 32 : i32
    %mul3A_86 = arith.muli %select_n3A_30, %mul3A_85 : i32
    %run_scoped3A_87 = arith.constant 12 : i32
    %run_scoped3A_88 = arith.constant 12 : i32
    "tpu.region"() ({
      %run_scoped3A_171 = tpu.sem_alloc : memref<!tpu.dma_semaphore, #tpu.memory_space<semaphore_mem>>
      %dma_start3A = arith.constant 0 : i32
      %dma_start3A_172 = arith.constant 0 : i32
      %dma_start3A_173 = tpu.memref_slice %arg7[%run_scoped3A_87, %dma_start3A, %dma_start3A_172] : memref<16x32x128xf32, #tpu.memory_space<vmem>> -> memref<1x32x128xf32, #tpu.memory_space<vmem>>
      %dma_start3A_174 = tpu.memref_squeeze %dma_start3A_173 : memref<1x32x128xf32, #tpu.memory_space<vmem>> -> memref<32x128xf32, #tpu.memory_space<vmem>>
      %dma_start3A_175 = arith.constant 0 : i32
      %dma_start3A_176 = tpu.memref_slice %arg4[%select_n3A, %run_scoped3A_88, %mul3A_86, %dma_start3A_175] : memref<16x32x64x128xf32, #tpu.memory_space<hbm>> -> memref<1x1x32x128xf32, #tpu.memory_space<hbm>>
      %dma_start3A_177 = tpu.memref_squeeze %dma_start3A_176 : memref<1x1x32x128xf32, #tpu.memory_space<hbm>> -> memref<32x128xf32, #tpu.memory_space<hbm>>
      %dma_start3A_178 = arith.constant 0 : i32
      %dma_start3A_179 = tpu.memref_slice %arg4[%select_n3A, %run_scoped3A_88, %mul3A_86, %dma_start3A_178] : memref<16x32x64x128xf32, #tpu.memory_space<hbm>> -> memref<1x1x32x128xf32, #tpu.memory_space<hbm>>
      %dma_start3A_180 = tpu.memref_squeeze %dma_start3A_179 : memref<1x1x32x128xf32, #tpu.memory_space<hbm>> -> memref<32x128xf32, #tpu.memory_space<hbm>>
      %dma_start3A_181 = arith.constant 0 : i32
      %dma_start3A_182 = arith.constant 0 : i32
      %dma_start3A_183 = tpu.memref_slice %arg7[%run_scoped3A_87, %dma_start3A_181, %dma_start3A_182] : memref<16x32x128xf32, #tpu.memory_space<vmem>> -> memref<1x32x128xf32, #tpu.memory_space<vmem>>
      %dma_start3A_184 = tpu.memref_squeeze %dma_start3A_183 : memref<1x32x128xf32, #tpu.memory_space<vmem>> -> memref<32x128xf32, #tpu.memory_space<vmem>>
      tpu.enqueue_dma source(%dma_start3A_184 : memref<32x128xf32, #tpu.memory_space<vmem>>) target(%dma_start3A_180 : memref<32x128xf32, #tpu.memory_space<hbm>>) target_semaphore(%run_scoped3A_171 : memref<!tpu.dma_semaphore, #tpu.memory_space<semaphore_mem>>)
      %dma_wait3A = arith.constant 0 : i32
      %dma_wait3A_185 = arith.constant 0 : i32
      %dma_wait3A_186 = tpu.memref_slice %arg7[%run_scoped3A_87, %dma_wait3A, %dma_wait3A_185] : memref<16x32x128xf32, #tpu.memory_space<vmem>> -> memref<1x32x128xf32, #tpu.memory_space<vmem>>
      %dma_wait3A_187 = tpu.memref_squeeze %dma_wait3A_186 : memref<1x32x128xf32, #tpu.memory_space<vmem>> -> memref<32x128xf32, #tpu.memory_space<vmem>>
      %dma_wait3A_188 = arith.constant 0 : i32
      %dma_wait3A_189 = tpu.memref_slice %arg4[%select_n3A, %run_scoped3A_88, %mul3A_86, %dma_wait3A_188] : memref<16x32x64x128xf32, #tpu.memory_space<hbm>> -> memref<1x1x32x128xf32, #tpu.memory_space<hbm>>
      %dma_wait3A_190 = tpu.memref_squeeze %dma_wait3A_189 : memref<1x1x32x128xf32, #tpu.memory_space<hbm>> -> memref<32x128xf32, #tpu.memory_space<hbm>>
      %dma_wait3A_191 = arith.constant 0 : i32
      %dma_wait3A_192 = tpu.memref_slice %arg4[%select_n3A, %run_scoped3A_88, %mul3A_86, %dma_wait3A_191] : memref<16x32x64x128xf32, #tpu.memory_space<hbm>> -> memref<1x1x32x128xf32, #tpu.memory_space<hbm>>
      %dma_wait3A_193 = tpu.memref_squeeze %dma_wait3A_192 : memref<1x1x32x128xf32, #tpu.memory_space<hbm>> -> memref<32x128xf32, #tpu.memory_space<hbm>>
      %dma_wait3A_194 = arith.constant 0 : i32
      %dma_wait3A_195 = arith.constant 0 : i32
      %dma_wait3A_196 = tpu.memref_slice %arg7[%run_scoped3A_87, %dma_wait3A_194, %dma_wait3A_195] : memref<16x32x128xf32, #tpu.memory_space<vmem>> -> memref<1x32x128xf32, #tpu.memory_space<vmem>>
      %dma_wait3A_197 = tpu.memref_squeeze %dma_wait3A_196 : memref<1x32x128xf32, #tpu.memory_space<vmem>> -> memref<32x128xf32, #tpu.memory_space<vmem>>
      tpu.wait_dma2 semaphore(%run_scoped3A_171 : memref<!tpu.dma_semaphore, #tpu.memory_space<semaphore_mem>>) src(%dma_wait3A_197 : memref<32x128xf32, #tpu.memory_space<vmem>>) dst(%dma_wait3A_193 : memref<32x128xf32, #tpu.memory_space<hbm>>)
      tpu.yield
    }) : () -> ()
    %mul3A_89 = arith.constant 32 : i32
    %mul3A_90 = arith.muli %select_n3A_30, %mul3A_89 : i32
    %run_scoped3A_91 = arith.constant 13 : i32
    %run_scoped3A_92 = arith.constant 13 : i32
    "tpu.region"() ({
      %run_scoped3A_171 = tpu.sem_alloc : memref<!tpu.dma_semaphore, #tpu.memory_space<semaphore_mem>>
      %dma_start3A = arith.constant 0 : i32
      %dma_start3A_172 = arith.constant 0 : i32
      %dma_start3A_173 = tpu.memref_slice %arg7[%run_scoped3A_91, %dma_start3A, %dma_start3A_172] : memref<16x32x128xf32, #tpu.memory_space<vmem>> -> memref<1x32x128xf32, #tpu.memory_space<vmem>>
      %dma_start3A_174 = tpu.memref_squeeze %dma_start3A_173 : memref<1x32x128xf32, #tpu.memory_space<vmem>> -> memref<32x128xf32, #tpu.memory_space<vmem>>
      %dma_start3A_175 = arith.constant 0 : i32
      %dma_start3A_176 = tpu.memref_slice %arg4[%select_n3A, %run_scoped3A_92, %mul3A_90, %dma_start3A_175] : memref<16x32x64x128xf32, #tpu.memory_space<hbm>> -> memref<1x1x32x128xf32, #tpu.memory_space<hbm>>
      %dma_start3A_177 = tpu.memref_squeeze %dma_start3A_176 : memref<1x1x32x128xf32, #tpu.memory_space<hbm>> -> memref<32x128xf32, #tpu.memory_space<hbm>>
      %dma_start3A_178 = arith.constant 0 : i32
      %dma_start3A_179 = tpu.memref_slice %arg4[%select_n3A, %run_scoped3A_92, %mul3A_90, %dma_start3A_178] : memref<16x32x64x128xf32, #tpu.memory_space<hbm>> -> memref<1x1x32x128xf32, #tpu.memory_space<hbm>>
      %dma_start3A_180 = tpu.memref_squeeze %dma_start3A_179 : memref<1x1x32x128xf32, #tpu.memory_space<hbm>> -> memref<32x128xf32, #tpu.memory_space<hbm>>
      %dma_start3A_181 = arith.constant 0 : i32
      %dma_start3A_182 = arith.constant 0 : i32
      %dma_start3A_183 = tpu.memref_slice %arg7[%run_scoped3A_91, %dma_start3A_181, %dma_start3A_182] : memref<16x32x128xf32, #tpu.memory_space<vmem>> -> memref<1x32x128xf32, #tpu.memory_space<vmem>>
      %dma_start3A_184 = tpu.memref_squeeze %dma_start3A_183 : memref<1x32x128xf32, #tpu.memory_space<vmem>> -> memref<32x128xf32, #tpu.memory_space<vmem>>
      tpu.enqueue_dma source(%dma_start3A_184 : memref<32x128xf32, #tpu.memory_space<vmem>>) target(%dma_start3A_180 : memref<32x128xf32, #tpu.memory_space<hbm>>) target_semaphore(%run_scoped3A_171 : memref<!tpu.dma_semaphore, #tpu.memory_space<semaphore_mem>>)
      %dma_wait3A = arith.constant 0 : i32
      %dma_wait3A_185 = arith.constant 0 : i32
      %dma_wait3A_186 = tpu.memref_slice %arg7[%run_scoped3A_91, %dma_wait3A, %dma_wait3A_185] : memref<16x32x128xf32, #tpu.memory_space<vmem>> -> memref<1x32x128xf32, #tpu.memory_space<vmem>>
      %dma_wait3A_187 = tpu.memref_squeeze %dma_wait3A_186 : memref<1x32x128xf32, #tpu.memory_space<vmem>> -> memref<32x128xf32, #tpu.memory_space<vmem>>
      %dma_wait3A_188 = arith.constant 0 : i32
      %dma_wait3A_189 = tpu.memref_slice %arg4[%select_n3A, %run_scoped3A_92, %mul3A_90, %dma_wait3A_188] : memref<16x32x64x128xf32, #tpu.memory_space<hbm>> -> memref<1x1x32x128xf32, #tpu.memory_space<hbm>>
      %dma_wait3A_190 = tpu.memref_squeeze %dma_wait3A_189 : memref<1x1x32x128xf32, #tpu.memory_space<hbm>> -> memref<32x128xf32, #tpu.memory_space<hbm>>
      %dma_wait3A_191 = arith.constant 0 : i32
      %dma_wait3A_192 = tpu.memref_slice %arg4[%select_n3A, %run_scoped3A_92, %mul3A_90, %dma_wait3A_191] : memref<16x32x64x128xf32, #tpu.memory_space<hbm>> -> memref<1x1x32x128xf32, #tpu.memory_space<hbm>>
      %dma_wait3A_193 = tpu.memref_squeeze %dma_wait3A_192 : memref<1x1x32x128xf32, #tpu.memory_space<hbm>> -> memref<32x128xf32, #tpu.memory_space<hbm>>
      %dma_wait3A_194 = arith.constant 0 : i32
      %dma_wait3A_195 = arith.constant 0 : i32
      %dma_wait3A_196 = tpu.memref_slice %arg7[%run_scoped3A_91, %dma_wait3A_194, %dma_wait3A_195] : memref<16x32x128xf32, #tpu.memory_space<vmem>> -> memref<1x32x128xf32, #tpu.memory_space<vmem>>
      %dma_wait3A_197 = tpu.memref_squeeze %dma_wait3A_196 : memref<1x32x128xf32, #tpu.memory_space<vmem>> -> memref<32x128xf32, #tpu.memory_space<vmem>>
      tpu.wait_dma2 semaphore(%run_scoped3A_171 : memref<!tpu.dma_semaphore, #tpu.memory_space<semaphore_mem>>) src(%dma_wait3A_197 : memref<32x128xf32, #tpu.memory_space<vmem>>) dst(%dma_wait3A_193 : memref<32x128xf32, #tpu.memory_space<hbm>>)
      tpu.yield
    }) : () -> ()
    %mul3A_93 = arith.constant 32 : i32
    %mul3A_94 = arith.muli %select_n3A_30, %mul3A_93 : i32
    %run_scoped3A_95 = arith.constant 14 : i32
    %run_scoped3A_96 = arith.constant 14 : i32
    "tpu.region"() ({
      %run_scoped3A_171 = tpu.sem_alloc : memref<!tpu.dma_semaphore, #tpu.memory_space<semaphore_mem>>
      %dma_start3A = arith.constant 0 : i32
      %dma_start3A_172 = arith.constant 0 : i32
      %dma_start3A_173 = tpu.memref_slice %arg7[%run_scoped3A_95, %dma_start3A, %dma_start3A_172] : memref<16x32x128xf32, #tpu.memory_space<vmem>> -> memref<1x32x128xf32, #tpu.memory_space<vmem>>
      %dma_start3A_174 = tpu.memref_squeeze %dma_start3A_173 : memref<1x32x128xf32, #tpu.memory_space<vmem>> -> memref<32x128xf32, #tpu.memory_space<vmem>>
      %dma_start3A_175 = arith.constant 0 : i32
      %dma_start3A_176 = tpu.memref_slice %arg4[%select_n3A, %run_scoped3A_96, %mul3A_94, %dma_start3A_175] : memref<16x32x64x128xf32, #tpu.memory_space<hbm>> -> memref<1x1x32x128xf32, #tpu.memory_space<hbm>>
      %dma_start3A_177 = tpu.memref_squeeze %dma_start3A_176 : memref<1x1x32x128xf32, #tpu.memory_space<hbm>> -> memref<32x128xf32, #tpu.memory_space<hbm>>
      %dma_start3A_178 = arith.constant 0 : i32
      %dma_start3A_179 = tpu.memref_slice %arg4[%select_n3A, %run_scoped3A_96, %mul3A_94, %dma_start3A_178] : memref<16x32x64x128xf32, #tpu.memory_space<hbm>> -> memref<1x1x32x128xf32, #tpu.memory_space<hbm>>
      %dma_start3A_180 = tpu.memref_squeeze %dma_start3A_179 : memref<1x1x32x128xf32, #tpu.memory_space<hbm>> -> memref<32x128xf32, #tpu.memory_space<hbm>>
      %dma_start3A_181 = arith.constant 0 : i32
      %dma_start3A_182 = arith.constant 0 : i32
      %dma_start3A_183 = tpu.memref_slice %arg7[%run_scoped3A_95, %dma_start3A_181, %dma_start3A_182] : memref<16x32x128xf32, #tpu.memory_space<vmem>> -> memref<1x32x128xf32, #tpu.memory_space<vmem>>
      %dma_start3A_184 = tpu.memref_squeeze %dma_start3A_183 : memref<1x32x128xf32, #tpu.memory_space<vmem>> -> memref<32x128xf32, #tpu.memory_space<vmem>>
      tpu.enqueue_dma source(%dma_start3A_184 : memref<32x128xf32, #tpu.memory_space<vmem>>) target(%dma_start3A_180 : memref<32x128xf32, #tpu.memory_space<hbm>>) target_semaphore(%run_scoped3A_171 : memref<!tpu.dma_semaphore, #tpu.memory_space<semaphore_mem>>)
      %dma_wait3A = arith.constant 0 : i32
      %dma_wait3A_185 = arith.constant 0 : i32
      %dma_wait3A_186 = tpu.memref_slice %arg7[%run_scoped3A_95, %dma_wait3A, %dma_wait3A_185] : memref<16x32x128xf32, #tpu.memory_space<vmem>> -> memref<1x32x128xf32, #tpu.memory_space<vmem>>
      %dma_wait3A_187 = tpu.memref_squeeze %dma_wait3A_186 : memref<1x32x128xf32, #tpu.memory_space<vmem>> -> memref<32x128xf32, #tpu.memory_space<vmem>>
      %dma_wait3A_188 = arith.constant 0 : i32
      %dma_wait3A_189 = tpu.memref_slice %arg4[%select_n3A, %run_scoped3A_96, %mul3A_94, %dma_wait3A_188] : memref<16x32x64x128xf32, #tpu.memory_space<hbm>> -> memref<1x1x32x128xf32, #tpu.memory_space<hbm>>
      %dma_wait3A_190 = tpu.memref_squeeze %dma_wait3A_189 : memref<1x1x32x128xf32, #tpu.memory_space<hbm>> -> memref<32x128xf32, #tpu.memory_space<hbm>>
      %dma_wait3A_191 = arith.constant 0 : i32
      %dma_wait3A_192 = tpu.memref_slice %arg4[%select_n3A, %run_scoped3A_96, %mul3A_94, %dma_wait3A_191] : memref<16x32x64x128xf32, #tpu.memory_space<hbm>> -> memref<1x1x32x128xf32, #tpu.memory_space<hbm>>
      %dma_wait3A_193 = tpu.memref_squeeze %dma_wait3A_192 : memref<1x1x32x128xf32, #tpu.memory_space<hbm>> -> memref<32x128xf32, #tpu.memory_space<hbm>>
      %dma_wait3A_194 = arith.constant 0 : i32
      %dma_wait3A_195 = arith.constant 0 : i32
      %dma_wait3A_196 = tpu.memref_slice %arg7[%run_scoped3A_95, %dma_wait3A_194, %dma_wait3A_195] : memref<16x32x128xf32, #tpu.memory_space<vmem>> -> memref<1x32x128xf32, #tpu.memory_space<vmem>>
      %dma_wait3A_197 = tpu.memref_squeeze %dma_wait3A_196 : memref<1x32x128xf32, #tpu.memory_space<vmem>> -> memref<32x128xf32, #tpu.memory_space<vmem>>
      tpu.wait_dma2 semaphore(%run_scoped3A_171 : memref<!tpu.dma_semaphore, #tpu.memory_space<semaphore_mem>>) src(%dma_wait3A_197 : memref<32x128xf32, #tpu.memory_space<vmem>>) dst(%dma_wait3A_193 : memref<32x128xf32, #tpu.memory_space<hbm>>)
      tpu.yield
    }) : () -> ()
    %mul3A_97 = arith.constant 32 : i32
    %mul3A_98 = arith.muli %select_n3A_30, %mul3A_97 : i32
    %run_scoped3A_99 = arith.constant 15 : i32
    %run_scoped3A_100 = arith.constant 15 : i32
    "tpu.region"() ({
      %run_scoped3A_171 = tpu.sem_alloc : memref<!tpu.dma_semaphore, #tpu.memory_space<semaphore_mem>>
      %dma_start3A = arith.constant 0 : i32
      %dma_start3A_172 = arith.constant 0 : i32
      %dma_start3A_173 = tpu.memref_slice %arg7[%run_scoped3A_99, %dma_start3A, %dma_start3A_172] : memref<16x32x128xf32, #tpu.memory_space<vmem>> -> memref<1x32x128xf32, #tpu.memory_space<vmem>>
      %dma_start3A_174 = tpu.memref_squeeze %dma_start3A_173 : memref<1x32x128xf32, #tpu.memory_space<vmem>> -> memref<32x128xf32, #tpu.memory_space<vmem>>
      %dma_start3A_175 = arith.constant 0 : i32
      %dma_start3A_176 = tpu.memref_slice %arg4[%select_n3A, %run_scoped3A_100, %mul3A_98, %dma_start3A_175] : memref<16x32x64x128xf32, #tpu.memory_space<hbm>> -> memref<1x1x32x128xf32, #tpu.memory_space<hbm>>
      %dma_start3A_177 = tpu.memref_squeeze %dma_start3A_176 : memref<1x1x32x128xf32, #tpu.memory_space<hbm>> -> memref<32x128xf32, #tpu.memory_space<hbm>>
      %dma_start3A_178 = arith.constant 0 : i32
      %dma_start3A_179 = tpu.memref_slice %arg4[%select_n3A, %run_scoped3A_100, %mul3A_98, %dma_start3A_178] : memref<16x32x64x128xf32, #tpu.memory_space<hbm>> -> memref<1x1x32x128xf32, #tpu.memory_space<hbm>>
      %dma_start3A_180 = tpu.memref_squeeze %dma_start3A_179 : memref<1x1x32x128xf32, #tpu.memory_space<hbm>> -> memref<32x128xf32, #tpu.memory_space<hbm>>
      %dma_start3A_181 = arith.constant 0 : i32
      %dma_start3A_182 = arith.constant 0 : i32
      %dma_start3A_183 = tpu.memref_slice %arg7[%run_scoped3A_99, %dma_start3A_181, %dma_start3A_182] : memref<16x32x128xf32, #tpu.memory_space<vmem>> -> memref<1x32x128xf32, #tpu.memory_space<vmem>>
      %dma_start3A_184 = tpu.memref_squeeze %dma_start3A_183 : memref<1x32x128xf32, #tpu.memory_space<vmem>> -> memref<32x128xf32, #tpu.memory_space<vmem>>
      tpu.enqueue_dma source(%dma_start3A_184 : memref<32x128xf32, #tpu.memory_space<vmem>>) target(%dma_start3A_180 : memref<32x128xf32, #tpu.memory_space<hbm>>) target_semaphore(%run_scoped3A_171 : memref<!tpu.dma_semaphore, #tpu.memory_space<semaphore_mem>>)
      %dma_wait3A = arith.constant 0 : i32
      %dma_wait3A_185 = arith.constant 0 : i32
      %dma_wait3A_186 = tpu.memref_slice %arg7[%run_scoped3A_99, %dma_wait3A, %dma_wait3A_185] : memref<16x32x128xf32, #tpu.memory_space<vmem>> -> memref<1x32x128xf32, #tpu.memory_space<vmem>>
      %dma_wait3A_187 = tpu.memref_squeeze %dma_wait3A_186 : memref<1x32x128xf32, #tpu.memory_space<vmem>> -> memref<32x128xf32, #tpu.memory_space<vmem>>
      %dma_wait3A_188 = arith.constant 0 : i32
      %dma_wait3A_189 = tpu.memref_slice %arg4[%select_n3A, %run_scoped3A_100, %mul3A_98, %dma_wait3A_188] : memref<16x32x64x128xf32, #tpu.memory_space<hbm>> -> memref<1x1x32x128xf32, #tpu.memory_space<hbm>>
      %dma_wait3A_190 = tpu.memref_squeeze %dma_wait3A_189 : memref<1x1x32x128xf32, #tpu.memory_space<hbm>> -> memref<32x128xf32, #tpu.memory_space<hbm>>
      %dma_wait3A_191 = arith.constant 0 : i32
      %dma_wait3A_192 = tpu.memref_slice %arg4[%select_n3A, %run_scoped3A_100, %mul3A_98, %dma_wait3A_191] : memref<16x32x64x128xf32, #tpu.memory_space<hbm>> -> memref<1x1x32x128xf32, #tpu.memory_space<hbm>>
      %dma_wait3A_193 = tpu.memref_squeeze %dma_wait3A_192 : memref<1x1x32x128xf32, #tpu.memory_space<hbm>> -> memref<32x128xf32, #tpu.memory_space<hbm>>
      %dma_wait3A_194 = arith.constant 0 : i32
      %dma_wait3A_195 = arith.constant 0 : i32
      %dma_wait3A_196 = tpu.memref_slice %arg7[%run_scoped3A_99, %dma_wait3A_194, %dma_wait3A_195] : memref<16x32x128xf32, #tpu.memory_space<vmem>> -> memref<1x32x128xf32, #tpu.memory_space<vmem>>
      %dma_wait3A_197 = tpu.memref_squeeze %dma_wait3A_196 : memref<1x32x128xf32, #tpu.memory_space<vmem>> -> memref<32x128xf32, #tpu.memory_space<vmem>>
      tpu.wait_dma2 semaphore(%run_scoped3A_171 : memref<!tpu.dma_semaphore, #tpu.memory_space<semaphore_mem>>) src(%dma_wait3A_197 : memref<32x128xf32, #tpu.memory_space<vmem>>) dst(%dma_wait3A_193 : memref<32x128xf32, #tpu.memory_space<hbm>>)
      tpu.yield
    }) : () -> ()
    %scan3A_101 = arith.constant 0 : i32
    %scan3A_102 = arith.constant 0 : i32
    %scan3A_103 = arith.constant 128 : i32
    %scan3A_104 = arith.addi %scan3A_102, %scan3A_103 : i32
    %scan3A_105 = arith.constant 1 : i32
    scf.for %scan3A_171 = %scan3A_102 to %scan3A_104 step %scan3A_105  : i32 {
      %mul3A_172 = arith.constant 16 : i32
      %mul3A_173 = arith.muli %scan3A_171, %mul3A_172 : i32
      %get3A = arith.index_cast %mul3A_173 : i32 to index
      %get3A_174 = tpu.vector_load %arg5[%get3A] {strides = array<i32>} : memref<2048xi32, #tpu.memory_space<vmem>>, vector<16xi32>,
      %jit3A_175 = arith.constant 4 : i32
      %div3A_176 = arith.divsi %scan3A_171, %jit3A_175 : i32
      %sign3A_177 = arith.constant 0 : i32
      %sign3A_178 = arith.cmpi sgt, %scan3A_171, %sign3A_177 : i32
      %sign3A_179 = arith.extui %sign3A_178 : i1 to i32
      %sign3A_180 = arith.constant 0 : i32
      %sign3A_181 = arith.cmpi slt, %scan3A_171, %sign3A_180 : i32
      %sign3A_182 = arith.extui %sign3A_181 : i1 to i32
      %sign3A_183 = arith.subi %sign3A_179, %sign3A_182 : i32
      %sign3A_184 = arith.constant 0 : i32
      %sign3A_185 = arith.cmpi sgt, %jit3A_175, %sign3A_184 : i32
      %sign3A_186 = arith.extui %sign3A_185 : i1 to i32
      %sign3A_187 = arith.constant 0 : i32
      %sign3A_188 = arith.cmpi slt, %jit3A_175, %sign3A_187 : i32
      %sign3A_189 = arith.extui %sign3A_188 : i1 to i32
      %sign3A_190 = arith.subi %sign3A_186, %sign3A_189 : i32
      %ne3A_191 = arith.cmpi ne, %sign3A_183, %sign3A_190 : i32
      %rem3A_192 = arith.remsi %scan3A_171, %jit3A_175 : i32
      %ne3A_193 = arith.constant 0 : i32
      %ne3A_194 = arith.cmpi ne, %rem3A_192, %ne3A_193 : i32
      %and3A_195 = arith.andi %ne3A_191, %ne3A_194 : i1
      %sub3A_196 = arith.constant 1 : i32
      %sub3A_197 = arith.subi %div3A_176, %sub3A_196 : i32
      %select_n3A_198 = arith.select %and3A_195, %sub3A_197, %div3A_176 : i32
      %jit3A_199 = arith.constant 4 : i32
      %eq3A_200 = arith.constant 0 : i32
      %eq3A_201 = arith.cmpi eq, %jit3A_199, %eq3A_200 : i32
      %jit3A_202 = arith.constant 1 : i32
      %select_n3A_203 = arith.select %eq3A_201, %jit3A_202, %jit3A_199 : i32
      %rem3A_204 = arith.remsi %scan3A_171, %select_n3A_203 : i32
      %ne3A_205 = arith.constant 0 : i32
      %ne3A_206 = arith.cmpi ne, %rem3A_204, %ne3A_205 : i32
      %lt3A_207 = arith.constant 0 : i32
      %lt3A_208 = arith.cmpi slt, %rem3A_204, %lt3A_207 : i32
      %lt3A_209 = arith.constant 0 : i32
      %lt3A_210 = arith.cmpi slt, %select_n3A_203, %lt3A_209 : i32
      %ne3A_211 = arith.xori %lt3A_208, %lt3A_210 : i1
      %and3A_212 = arith.andi %ne3A_211, %ne3A_206 : i1
      %add3A_213 = arith.addi %rem3A_204, %select_n3A_203 : i32
      %select_n3A_214 = arith.select %and3A_212, %add3A_213, %rem3A_204 : i32
      %mul3A_215 = arith.constant 16 : i32
      %mul3A_216 = arith.muli %select_n3A_214, %mul3A_215 : i32
      %add3A_217 = arith.constant 8192 : i32
      %add3A_218 = vector.broadcast %add3A_217 : i32 to vector<16xi32>
      %add3A_219 = arith.addi %get3A_174, %add3A_218 : vector<16xi32>
      %gather3A = tpu.vector_load_idx %arg6[%add3A_219] : memref<16384xf32, #tpu.memory_space<vmem>>[vector<16xi32>], vector<16xf32>,
      %swap3A = arith.constant 0 : i32
      %swap3A_220 = arith.index_cast %swap3A : i32 to index
      %swap3A_221 = arith.index_cast %select_n3A_198 : i32 to index
      %swap3A_222 = arith.index_cast %mul3A_216 : i32 to index
      %swap3A_223 = tpu.vector_load %arg7[%swap3A_220, %swap3A_221, %swap3A_222] {strides = array<i32>} : memref<16x32x128xf32, #tpu.memory_space<vmem>>, vector<16xf32>,
      tpu.vector_store %arg7[%swap3A_220, %swap3A_221, %swap3A_222], %gather3A {strides = array<i32>} : memref<16x32x128xf32, #tpu.memory_space<vmem>>, vector<16xf32>,
      %add3A_224 = arith.constant 8704 : i32
      %add3A_225 = vector.broadcast %add3A_224 : i32 to vector<16xi32>
      %add3A_226 = arith.addi %get3A_174, %add3A_225 : vector<16xi32>
      %gather3A_227 = tpu.vector_load_idx %arg6[%add3A_226] : memref<16384xf32, #tpu.memory_space<vmem>>[vector<16xi32>], vector<16xf32>,
      %swap3A_228 = arith.constant 1 : i32
      %swap3A_229 = arith.index_cast %swap3A_228 : i32 to index
      %swap3A_230 = arith.index_cast %select_n3A_198 : i32 to index
      %swap3A_231 = arith.index_cast %mul3A_216 : i32 to index
      %swap3A_232 = tpu.vector_load %arg7[%swap3A_229, %swap3A_230, %swap3A_231] {strides = array<i32>} : memref<16x32x128xf32, #tpu.memory_space<vmem>>, vector<16xf32>,
      tpu.vector_store %arg7[%swap3A_229, %swap3A_230, %swap3A_231], %gather3A_227 {strides = array<i32>} : memref<16x32x128xf32, #tpu.memory_space<vmem>>, vector<16xf32>,
      %add3A_233 = arith.constant 9216 : i32
      %add3A_234 = vector.broadcast %add3A_233 : i32 to vector<16xi32>
      %add3A_235 = arith.addi %get3A_174, %add3A_234 : vector<16xi32>
      %gather3A_236 = tpu.vector_load_idx %arg6[%add3A_235] : memref<16384xf32, #tpu.memory_space<vmem>>[vector<16xi32>], vector<16xf32>,
      %swap3A_237 = arith.constant 2 : i32
      %swap3A_238 = arith.index_cast %swap3A_237 : i32 to index
      %swap3A_239 = arith.index_cast %select_n3A_198 : i32 to index
      %swap3A_240 = arith.index_cast %mul3A_216 : i32 to index
      %swap3A_241 = tpu.vector_load %arg7[%swap3A_238, %swap3A_239, %swap3A_240] {strides = array<i32>} : memref<16x32x128xf32, #tpu.memory_space<vmem>>, vector<16xf32>,
      tpu.vector_store %arg7[%swap3A_238, %swap3A_239, %swap3A_240], %gather3A_236 {strides = array<i32>} : memref<16x32x128xf32, #tpu.memory_space<vmem>>, vector<16xf32>,
      %add3A_242 = arith.constant 9728 : i32
      %add3A_243 = vector.broadcast %add3A_242 : i32 to vector<16xi32>
      %add3A_244 = arith.addi %get3A_174, %add3A_243 : vector<16xi32>
      %gather3A_245 = tpu.vector_load_idx %arg6[%add3A_244] : memref<16384xf32, #tpu.memory_space<vmem>>[vector<16xi32>], vector<16xf32>,
      %swap3A_246 = arith.constant 3 : i32
      %swap3A_247 = arith.index_cast %swap3A_246 : i32 to index
      %swap3A_248 = arith.index_cast %select_n3A_198 : i32 to index
      %swap3A_249 = arith.index_cast %mul3A_216 : i32 to index
      %swap3A_250 = tpu.vector_load %arg7[%swap3A_247, %swap3A_248, %swap3A_249] {strides = array<i32>} : memref<16x32x128xf32, #tpu.memory_space<vmem>>, vector<16xf32>,
      tpu.vector_store %arg7[%swap3A_247, %swap3A_248, %swap3A_249], %gather3A_245 {strides = array<i32>} : memref<16x32x128xf32, #tpu.memory_space<vmem>>, vector<16xf32>,
      %add3A_251 = arith.constant 10240 : i32
      %add3A_252 = vector.broadcast %add3A_251 : i32 to vector<16xi32>
      %add3A_253 = arith.addi %get3A_174, %add3A_252 : vector<16xi32>
      %gather3A_254 = tpu.vector_load_idx %arg6[%add3A_253] : memref<16384xf32, #tpu.memory_space<vmem>>[vector<16xi32>], vector<16xf32>,
      %swap3A_255 = arith.constant 4 : i32
      %swap3A_256 = arith.index_cast %swap3A_255 : i32 to index
      %swap3A_257 = arith.index_cast %select_n3A_198 : i32 to index
      %swap3A_258 = arith.index_cast %mul3A_216 : i32 to index
      %swap3A_259 = tpu.vector_load %arg7[%swap3A_256, %swap3A_257, %swap3A_258] {strides = array<i32>} : memref<16x32x128xf32, #tpu.memory_space<vmem>>, vector<16xf32>,
      tpu.vector_store %arg7[%swap3A_256, %swap3A_257, %swap3A_258], %gather3A_254 {strides = array<i32>} : memref<16x32x128xf32, #tpu.memory_space<vmem>>, vector<16xf32>,
      %add3A_260 = arith.constant 10752 : i32
      %add3A_261 = vector.broadcast %add3A_260 : i32 to vector<16xi32>
      %add3A_262 = arith.addi %get3A_174, %add3A_261 : vector<16xi32>
      %gather3A_263 = tpu.vector_load_idx %arg6[%add3A_262] : memref<16384xf32, #tpu.memory_space<vmem>>[vector<16xi32>], vector<16xf32>,
      %swap3A_264 = arith.constant 5 : i32
      %swap3A_265 = arith.index_cast %swap3A_264 : i32 to index
      %swap3A_266 = arith.index_cast %select_n3A_198 : i32 to index
      %swap3A_267 = arith.index_cast %mul3A_216 : i32 to index
      %swap3A_268 = tpu.vector_load %arg7[%swap3A_265, %swap3A_266, %swap3A_267] {strides = array<i32>} : memref<16x32x128xf32, #tpu.memory_space<vmem>>, vector<16xf32>,
      tpu.vector_store %arg7[%swap3A_265, %swap3A_266, %swap3A_267], %gather3A_263 {strides = array<i32>} : memref<16x32x128xf32, #tpu.memory_space<vmem>>, vector<16xf32>,
      %add3A_269 = arith.constant 11264 : i32
      %add3A_270 = vector.broadcast %add3A_269 : i32 to vector<16xi32>
      %add3A_271 = arith.addi %get3A_174, %add3A_270 : vector<16xi32>
      %gather3A_272 = tpu.vector_load_idx %arg6[%add3A_271] : memref<16384xf32, #tpu.memory_space<vmem>>[vector<16xi32>], vector<16xf32>,
      %swap3A_273 = arith.constant 6 : i32
      %swap3A_274 = arith.index_cast %swap3A_273 : i32 to index
      %swap3A_275 = arith.index_cast %select_n3A_198 : i32 to index
      %swap3A_276 = arith.index_cast %mul3A_216 : i32 to index
      %swap3A_277 = tpu.vector_load %arg7[%swap3A_274, %swap3A_275, %swap3A_276] {strides = array<i32>} : memref<16x32x128xf32, #tpu.memory_space<vmem>>, vector<16xf32>,
      tpu.vector_store %arg7[%swap3A_274, %swap3A_275, %swap3A_276], %gather3A_272 {strides = array<i32>} : memref<16x32x128xf32, #tpu.memory_space<vmem>>, vector<16xf32>,
      %add3A_278 = arith.constant 11776 : i32
      %add3A_279 = vector.broadcast %add3A_278 : i32 to vector<16xi32>
      %add3A_280 = arith.addi %get3A_174, %add3A_279 : vector<16xi32>
      %gather3A_281 = tpu.vector_load_idx %arg6[%add3A_280] : memref<16384xf32, #tpu.memory_space<vmem>>[vector<16xi32>], vector<16xf32>,
      %swap3A_282 = arith.constant 7 : i32
      %swap3A_283 = arith.index_cast %swap3A_282 : i32 to index
      %swap3A_284 = arith.index_cast %select_n3A_198 : i32 to index
      %swap3A_285 = arith.index_cast %mul3A_216 : i32 to index
      %swap3A_286 = tpu.vector_load %arg7[%swap3A_283, %swap3A_284, %swap3A_285] {strides = array<i32>} : memref<16x32x128xf32, #tpu.memory_space<vmem>>, vector<16xf32>,
      tpu.vector_store %arg7[%swap3A_283, %swap3A_284, %swap3A_285], %gather3A_281 {strides = array<i32>} : memref<16x32x128xf32, #tpu.memory_space<vmem>>, vector<16xf32>,
      %add3A_287 = arith.constant 12288 : i32
      %add3A_288 = vector.broadcast %add3A_287 : i32 to vector<16xi32>
      %add3A_289 = arith.addi %get3A_174, %add3A_288 : vector<16xi32>
      %gather3A_290 = tpu.vector_load_idx %arg6[%add3A_289] : memref<16384xf32, #tpu.memory_space<vmem>>[vector<16xi32>], vector<16xf32>,
      %swap3A_291 = arith.constant 8 : i32
      %swap3A_292 = arith.index_cast %swap3A_291 : i32 to index
      %swap3A_293 = arith.index_cast %select_n3A_198 : i32 to index
      %swap3A_294 = arith.index_cast %mul3A_216 : i32 to index
      %swap3A_295 = tpu.vector_load %arg7[%swap3A_292, %swap3A_293, %swap3A_294] {strides = array<i32>} : memref<16x32x128xf32, #tpu.memory_space<vmem>>, vector<16xf32>,
      tpu.vector_store %arg7[%swap3A_292, %swap3A_293, %swap3A_294], %gather3A_290 {strides = array<i32>} : memref<16x32x128xf32, #tpu.memory_space<vmem>>, vector<16xf32>,
      %add3A_296 = arith.constant 12800 : i32
      %add3A_297 = vector.broadcast %add3A_296 : i32 to vector<16xi32>
      %add3A_298 = arith.addi %get3A_174, %add3A_297 : vector<16xi32>
      %gather3A_299 = tpu.vector_load_idx %arg6[%add3A_298] : memref<16384xf32, #tpu.memory_space<vmem>>[vector<16xi32>], vector<16xf32>,
      %swap3A_300 = arith.constant 9 : i32
      %swap3A_301 = arith.index_cast %swap3A_300 : i32 to index
      %swap3A_302 = arith.index_cast %select_n3A_198 : i32 to index
      %swap3A_303 = arith.index_cast %mul3A_216 : i32 to index
      %swap3A_304 = tpu.vector_load %arg7[%swap3A_301, %swap3A_302, %swap3A_303] {strides = array<i32>} : memref<16x32x128xf32, #tpu.memory_space<vmem>>, vector<16xf32>,
      tpu.vector_store %arg7[%swap3A_301, %swap3A_302, %swap3A_303], %gather3A_299 {strides = array<i32>} : memref<16x32x128xf32, #tpu.memory_space<vmem>>, vector<16xf32>,
      %add3A_305 = arith.constant 13312 : i32
      %add3A_306 = vector.broadcast %add3A_305 : i32 to vector<16xi32>
      %add3A_307 = arith.addi %get3A_174, %add3A_306 : vector<16xi32>
      %gather3A_308 = tpu.vector_load_idx %arg6[%add3A_307] : memref<16384xf32, #tpu.memory_space<vmem>>[vector<16xi32>], vector<16xf32>,
      %swap3A_309 = arith.constant 10 : i32
      %swap3A_310 = arith.index_cast %swap3A_309 : i32 to index
      %swap3A_311 = arith.index_cast %select_n3A_198 : i32 to index
      %swap3A_312 = arith.index_cast %mul3A_216 : i32 to index
      %swap3A_313 = tpu.vector_load %arg7[%swap3A_310, %swap3A_311, %swap3A_312] {strides = array<i32>} : memref<16x32x128xf32, #tpu.memory_space<vmem>>, vector<16xf32>,
      tpu.vector_store %arg7[%swap3A_310, %swap3A_311, %swap3A_312], %gather3A_308 {strides = array<i32>} : memref<16x32x128xf32, #tpu.memory_space<vmem>>, vector<16xf32>,
      %add3A_314 = arith.constant 13824 : i32
      %add3A_315 = vector.broadcast %add3A_314 : i32 to vector<16xi32>
      %add3A_316 = arith.addi %get3A_174, %add3A_315 : vector<16xi32>
      %gather3A_317 = tpu.vector_load_idx %arg6[%add3A_316] : memref<16384xf32, #tpu.memory_space<vmem>>[vector<16xi32>], vector<16xf32>,
      %swap3A_318 = arith.constant 11 : i32
      %swap3A_319 = arith.index_cast %swap3A_318 : i32 to index
      %swap3A_320 = arith.index_cast %select_n3A_198 : i32 to index
      %swap3A_321 = arith.index_cast %mul3A_216 : i32 to index
      %swap3A_322 = tpu.vector_load %arg7[%swap3A_319, %swap3A_320, %swap3A_321] {strides = array<i32>} : memref<16x32x128xf32, #tpu.memory_space<vmem>>, vector<16xf32>,
      tpu.vector_store %arg7[%swap3A_319, %swap3A_320, %swap3A_321], %gather3A_317 {strides = array<i32>} : memref<16x32x128xf32, #tpu.memory_space<vmem>>, vector<16xf32>,
      %add3A_323 = arith.constant 14336 : i32
      %add3A_324 = vector.broadcast %add3A_323 : i32 to vector<16xi32>
      %add3A_325 = arith.addi %get3A_174, %add3A_324 : vector<16xi32>
      %gather3A_326 = tpu.vector_load_idx %arg6[%add3A_325] : memref<16384xf32, #tpu.memory_space<vmem>>[vector<16xi32>], vector<16xf32>,
      %swap3A_327 = arith.constant 12 : i32
      %swap3A_328 = arith.index_cast %swap3A_327 : i32 to index
      %swap3A_329 = arith.index_cast %select_n3A_198 : i32 to index
      %swap3A_330 = arith.index_cast %mul3A_216 : i32 to index
      %swap3A_331 = tpu.vector_load %arg7[%swap3A_328, %swap3A_329, %swap3A_330] {strides = array<i32>} : memref<16x32x128xf32, #tpu.memory_space<vmem>>, vector<16xf32>,
      tpu.vector_store %arg7[%swap3A_328, %swap3A_329, %swap3A_330], %gather3A_326 {strides = array<i32>} : memref<16x32x128xf32, #tpu.memory_space<vmem>>, vector<16xf32>,
      %add3A_332 = arith.constant 14848 : i32
      %add3A_333 = vector.broadcast %add3A_332 : i32 to vector<16xi32>
      %add3A_334 = arith.addi %get3A_174, %add3A_333 : vector<16xi32>
      %gather3A_335 = tpu.vector_load_idx %arg6[%add3A_334] : memref<16384xf32, #tpu.memory_space<vmem>>[vector<16xi32>], vector<16xf32>,
      %swap3A_336 = arith.constant 13 : i32
      %swap3A_337 = arith.index_cast %swap3A_336 : i32 to index
      %swap3A_338 = arith.index_cast %select_n3A_198 : i32 to index
      %swap3A_339 = arith.index_cast %mul3A_216 : i32 to index
      %swap3A_340 = tpu.vector_load %arg7[%swap3A_337, %swap3A_338, %swap3A_339] {strides = array<i32>} : memref<16x32x128xf32, #tpu.memory_space<vmem>>, vector<16xf32>,
      tpu.vector_store %arg7[%swap3A_337, %swap3A_338, %swap3A_339], %gather3A_335 {strides = array<i32>} : memref<16x32x128xf32, #tpu.memory_space<vmem>>, vector<16xf32>,
      %add3A_341 = arith.constant 15360 : i32
      %add3A_342 = vector.broadcast %add3A_341 : i32 to vector<16xi32>
      %add3A_343 = arith.addi %get3A_174, %add3A_342 : vector<16xi32>
      %gather3A_344 = tpu.vector_load_idx %arg6[%add3A_343] : memref<16384xf32, #tpu.memory_space<vmem>>[vector<16xi32>], vector<16xf32>,
      %swap3A_345 = arith.constant 14 : i32
      %swap3A_346 = arith.index_cast %swap3A_345 : i32 to index
      %swap3A_347 = arith.index_cast %select_n3A_198 : i32 to index
      %swap3A_348 = arith.index_cast %mul3A_216 : i32 to index
      %swap3A_349 = tpu.vector_load %arg7[%swap3A_346, %swap3A_347, %swap3A_348] {strides = array<i32>} : memref<16x32x128xf32, #tpu.memory_space<vmem>>, vector<16xf32>,
      tpu.vector_store %arg7[%swap3A_346, %swap3A_347, %swap3A_348], %gather3A_344 {strides = array<i32>} : memref<16x32x128xf32, #tpu.memory_space<vmem>>, vector<16xf32>,
      %add3A_350 = arith.constant 15872 : i32
      %add3A_351 = vector.broadcast %add3A_350 : i32 to vector<16xi32>
      %add3A_352 = arith.addi %get3A_174, %add3A_351 : vector<16xi32>
      %gather3A_353 = tpu.vector_load_idx %arg6[%add3A_352] : memref<16384xf32, #tpu.memory_space<vmem>>[vector<16xi32>], vector<16xf32>,
      %swap3A_354 = arith.constant 15 : i32
      %swap3A_355 = arith.index_cast %swap3A_354 : i32 to index
      %swap3A_356 = arith.index_cast %select_n3A_198 : i32 to index
      %swap3A_357 = arith.index_cast %mul3A_216 : i32 to index
      %swap3A_358 = tpu.vector_load %arg7[%swap3A_355, %swap3A_356, %swap3A_357] {strides = array<i32>} : memref<16x32x128xf32, #tpu.memory_space<vmem>>, vector<16xf32>,
      tpu.vector_store %arg7[%swap3A_355, %swap3A_356, %swap3A_357], %gather3A_353 {strides = array<i32>} : memref<16x32x128xf32, #tpu.memory_space<vmem>>, vector<16xf32>,
    }
    %scan3A_106 = arith.constant 128 : i32
    %mul3A_107 = arith.constant 32 : i32
    %mul3A_108 = arith.muli %select_n3A_30, %mul3A_107 : i32
    %run_scoped3A_109 = arith.constant 0 : i32
    %run_scoped3A_110 = arith.constant 16 : i32
    "tpu.region"() ({
      %run_scoped3A_171 = tpu.sem_alloc : memref<!tpu.dma_semaphore, #tpu.memory_space<semaphore_mem>>
      %dma_start3A = arith.constant 0 : i32
      %dma_start3A_172 = arith.constant 0 : i32
      %dma_start3A_173 = tpu.memref_slice %arg7[%run_scoped3A_109, %dma_start3A, %dma_start3A_172] : memref<16x32x128xf32, #tpu.memory_space<vmem>> -> memref<1x32x128xf32, #tpu.memory_space<vmem>>
      %dma_start3A_174 = tpu.memref_squeeze %dma_start3A_173 : memref<1x32x128xf32, #tpu.memory_space<vmem>> -> memref<32x128xf32, #tpu.memory_space<vmem>>
      %dma_start3A_175 = arith.constant 0 : i32
      %dma_start3A_176 = tpu.memref_slice %arg4[%select_n3A, %run_scoped3A_110, %mul3A_108, %dma_start3A_175] : memref<16x32x64x128xf32, #tpu.memory_space<hbm>> -> memref<1x1x32x128xf32, #tpu.memory_space<hbm>>
      %dma_start3A_177 = tpu.memref_squeeze %dma_start3A_176 : memref<1x1x32x128xf32, #tpu.memory_space<hbm>> -> memref<32x128xf32, #tpu.memory_space<hbm>>
      %dma_start3A_178 = arith.constant 0 : i32
      %dma_start3A_179 = tpu.memref_slice %arg4[%select_n3A, %run_scoped3A_110, %mul3A_108, %dma_start3A_178] : memref<16x32x64x128xf32, #tpu.memory_space<hbm>> -> memref<1x1x32x128xf32, #tpu.memory_space<hbm>>
      %dma_start3A_180 = tpu.memref_squeeze %dma_start3A_179 : memref<1x1x32x128xf32, #tpu.memory_space<hbm>> -> memref<32x128xf32, #tpu.memory_space<hbm>>
      %dma_start3A_181 = arith.constant 0 : i32
      %dma_start3A_182 = arith.constant 0 : i32
      %dma_start3A_183 = tpu.memref_slice %arg7[%run_scoped3A_109, %dma_start3A_181, %dma_start3A_182] : memref<16x32x128xf32, #tpu.memory_space<vmem>> -> memref<1x32x128xf32, #tpu.memory_space<vmem>>
      %dma_start3A_184 = tpu.memref_squeeze %dma_start3A_183 : memref<1x32x128xf32, #tpu.memory_space<vmem>> -> memref<32x128xf32, #tpu.memory_space<vmem>>
      tpu.enqueue_dma source(%dma_start3A_184 : memref<32x128xf32, #tpu.memory_space<vmem>>) target(%dma_start3A_180 : memref<32x128xf32, #tpu.memory_space<hbm>>) target_semaphore(%run_scoped3A_171 : memref<!tpu.dma_semaphore, #tpu.memory_space<semaphore_mem>>)
      %dma_wait3A = arith.constant 0 : i32
      %dma_wait3A_185 = arith.constant 0 : i32
      %dma_wait3A_186 = tpu.memref_slice %arg7[%run_scoped3A_109, %dma_wait3A, %dma_wait3A_185] : memref<16x32x128xf32, #tpu.memory_space<vmem>> -> memref<1x32x128xf32, #tpu.memory_space<vmem>>
      %dma_wait3A_187 = tpu.memref_squeeze %dma_wait3A_186 : memref<1x32x128xf32, #tpu.memory_space<vmem>> -> memref<32x128xf32, #tpu.memory_space<vmem>>
      %dma_wait3A_188 = arith.constant 0 : i32
      %dma_wait3A_189 = tpu.memref_slice %arg4[%select_n3A, %run_scoped3A_110, %mul3A_108, %dma_wait3A_188] : memref<16x32x64x128xf32, #tpu.memory_space<hbm>> -> memref<1x1x32x128xf32, #tpu.memory_space<hbm>>
      %dma_wait3A_190 = tpu.memref_squeeze %dma_wait3A_189 : memref<1x1x32x128xf32, #tpu.memory_space<hbm>> -> memref<32x128xf32, #tpu.memory_space<hbm>>
      %dma_wait3A_191 = arith.constant 0 : i32
      %dma_wait3A_192 = tpu.memref_slice %arg4[%select_n3A, %run_scoped3A_110, %mul3A_108, %dma_wait3A_191] : memref<16x32x64x128xf32, #tpu.memory_space<hbm>> -> memref<1x1x32x128xf32, #tpu.memory_space<hbm>>
      %dma_wait3A_193 = tpu.memref_squeeze %dma_wait3A_192 : memref<1x1x32x128xf32, #tpu.memory_space<hbm>> -> memref<32x128xf32, #tpu.memory_space<hbm>>
      %dma_wait3A_194 = arith.constant 0 : i32
      %dma_wait3A_195 = arith.constant 0 : i32
      %dma_wait3A_196 = tpu.memref_slice %arg7[%run_scoped3A_109, %dma_wait3A_194, %dma_wait3A_195] : memref<16x32x128xf32, #tpu.memory_space<vmem>> -> memref<1x32x128xf32, #tpu.memory_space<vmem>>
      %dma_wait3A_197 = tpu.memref_squeeze %dma_wait3A_196 : memref<1x32x128xf32, #tpu.memory_space<vmem>> -> memref<32x128xf32, #tpu.memory_space<vmem>>
      tpu.wait_dma2 semaphore(%run_scoped3A_171 : memref<!tpu.dma_semaphore, #tpu.memory_space<semaphore_mem>>) src(%dma_wait3A_197 : memref<32x128xf32, #tpu.memory_space<vmem>>) dst(%dma_wait3A_193 : memref<32x128xf32, #tpu.memory_space<hbm>>)
      tpu.yield
    }) : () -> ()
    %mul3A_111 = arith.constant 32 : i32
    %mul3A_112 = arith.muli %select_n3A_30, %mul3A_111 : i32
    %run_scoped3A_113 = arith.constant 1 : i32
    %run_scoped3A_114 = arith.constant 17 : i32
    "tpu.region"() ({
      %run_scoped3A_171 = tpu.sem_alloc : memref<!tpu.dma_semaphore, #tpu.memory_space<semaphore_mem>>
      %dma_start3A = arith.constant 0 : i32
      %dma_start3A_172 = arith.constant 0 : i32
      %dma_start3A_173 = tpu.memref_slice %arg7[%run_scoped3A_113, %dma_start3A, %dma_start3A_172] : memref<16x32x128xf32, #tpu.memory_space<vmem>> -> memref<1x32x128xf32, #tpu.memory_space<vmem>>
      %dma_start3A_174 = tpu.memref_squeeze %dma_start3A_173 : memref<1x32x128xf32, #tpu.memory_space<vmem>> -> memref<32x128xf32, #tpu.memory_space<vmem>>
      %dma_start3A_175 = arith.constant 0 : i32
      %dma_start3A_176 = tpu.memref_slice %arg4[%select_n3A, %run_scoped3A_114, %mul3A_112, %dma_start3A_175] : memref<16x32x64x128xf32, #tpu.memory_space<hbm>> -> memref<1x1x32x128xf32, #tpu.memory_space<hbm>>
      %dma_start3A_177 = tpu.memref_squeeze %dma_start3A_176 : memref<1x1x32x128xf32, #tpu.memory_space<hbm>> -> memref<32x128xf32, #tpu.memory_space<hbm>>
      %dma_start3A_178 = arith.constant 0 : i32
      %dma_start3A_179 = tpu.memref_slice %arg4[%select_n3A, %run_scoped3A_114, %mul3A_112, %dma_start3A_178] : memref<16x32x64x128xf32, #tpu.memory_space<hbm>> -> memref<1x1x32x128xf32, #tpu.memory_space<hbm>>
      %dma_start3A_180 = tpu.memref_squeeze %dma_start3A_179 : memref<1x1x32x128xf32, #tpu.memory_space<hbm>> -> memref<32x128xf32, #tpu.memory_space<hbm>>
      %dma_start3A_181 = arith.constant 0 : i32
      %dma_start3A_182 = arith.constant 0 : i32
      %dma_start3A_183 = tpu.memref_slice %arg7[%run_scoped3A_113, %dma_start3A_181, %dma_start3A_182] : memref<16x32x128xf32, #tpu.memory_space<vmem>> -> memref<1x32x128xf32, #tpu.memory_space<vmem>>
      %dma_start3A_184 = tpu.memref_squeeze %dma_start3A_183 : memref<1x32x128xf32, #tpu.memory_space<vmem>> -> memref<32x128xf32, #tpu.memory_space<vmem>>
      tpu.enqueue_dma source(%dma_start3A_184 : memref<32x128xf32, #tpu.memory_space<vmem>>) target(%dma_start3A_180 : memref<32x128xf32, #tpu.memory_space<hbm>>) target_semaphore(%run_scoped3A_171 : memref<!tpu.dma_semaphore, #tpu.memory_space<semaphore_mem>>)
      %dma_wait3A = arith.constant 0 : i32
      %dma_wait3A_185 = arith.constant 0 : i32
      %dma_wait3A_186 = tpu.memref_slice %arg7[%run_scoped3A_113, %dma_wait3A, %dma_wait3A_185] : memref<16x32x128xf32, #tpu.memory_space<vmem>> -> memref<1x32x128xf32, #tpu.memory_space<vmem>>
      %dma_wait3A_187 = tpu.memref_squeeze %dma_wait3A_186 : memref<1x32x128xf32, #tpu.memory_space<vmem>> -> memref<32x128xf32, #tpu.memory_space<vmem>>
      %dma_wait3A_188 = arith.constant 0 : i32
      %dma_wait3A_189 = tpu.memref_slice %arg4[%select_n3A, %run_scoped3A_114, %mul3A_112, %dma_wait3A_188] : memref<16x32x64x128xf32, #tpu.memory_space<hbm>> -> memref<1x1x32x128xf32, #tpu.memory_space<hbm>>
      %dma_wait3A_190 = tpu.memref_squeeze %dma_wait3A_189 : memref<1x1x32x128xf32, #tpu.memory_space<hbm>> -> memref<32x128xf32, #tpu.memory_space<hbm>>
      %dma_wait3A_191 = arith.constant 0 : i32
      %dma_wait3A_192 = tpu.memref_slice %arg4[%select_n3A, %run_scoped3A_114, %mul3A_112, %dma_wait3A_191] : memref<16x32x64x128xf32, #tpu.memory_space<hbm>> -> memref<1x1x32x128xf32, #tpu.memory_space<hbm>>
      %dma_wait3A_193 = tpu.memref_squeeze %dma_wait3A_192 : memref<1x1x32x128xf32, #tpu.memory_space<hbm>> -> memref<32x128xf32, #tpu.memory_space<hbm>>
      %dma_wait3A_194 = arith.constant 0 : i32
      %dma_wait3A_195 = arith.constant 0 : i32
      %dma_wait3A_196 = tpu.memref_slice %arg7[%run_scoped3A_113, %dma_wait3A_194, %dma_wait3A_195] : memref<16x32x128xf32, #tpu.memory_space<vmem>> -> memref<1x32x128xf32, #tpu.memory_space<vmem>>
      %dma_wait3A_197 = tpu.memref_squeeze %dma_wait3A_196 : memref<1x32x128xf32, #tpu.memory_space<vmem>> -> memref<32x128xf32, #tpu.memory_space<vmem>>
      tpu.wait_dma2 semaphore(%run_scoped3A_171 : memref<!tpu.dma_semaphore, #tpu.memory_space<semaphore_mem>>) src(%dma_wait3A_197 : memref<32x128xf32, #tpu.memory_space<vmem>>) dst(%dma_wait3A_193 : memref<32x128xf32, #tpu.memory_space<hbm>>)
      tpu.yield
    }) : () -> ()
    %mul3A_115 = arith.constant 32 : i32
    %mul3A_116 = arith.muli %select_n3A_30, %mul3A_115 : i32
    %run_scoped3A_117 = arith.constant 2 : i32
    %run_scoped3A_118 = arith.constant 18 : i32
    "tpu.region"() ({
      %run_scoped3A_171 = tpu.sem_alloc : memref<!tpu.dma_semaphore, #tpu.memory_space<semaphore_mem>>
      %dma_start3A = arith.constant 0 : i32
      %dma_start3A_172 = arith.constant 0 : i32
      %dma_start3A_173 = tpu.memref_slice %arg7[%run_scoped3A_117, %dma_start3A, %dma_start3A_172] : memref<16x32x128xf32, #tpu.memory_space<vmem>> -> memref<1x32x128xf32, #tpu.memory_space<vmem>>
      %dma_start3A_174 = tpu.memref_squeeze %dma_start3A_173 : memref<1x32x128xf32, #tpu.memory_space<vmem>> -> memref<32x128xf32, #tpu.memory_space<vmem>>
      %dma_start3A_175 = arith.constant 0 : i32
      %dma_start3A_176 = tpu.memref_slice %arg4[%select_n3A, %run_scoped3A_118, %mul3A_116, %dma_start3A_175] : memref<16x32x64x128xf32, #tpu.memory_space<hbm>> -> memref<1x1x32x128xf32, #tpu.memory_space<hbm>>
      %dma_start3A_177 = tpu.memref_squeeze %dma_start3A_176 : memref<1x1x32x128xf32, #tpu.memory_space<hbm>> -> memref<32x128xf32, #tpu.memory_space<hbm>>
      %dma_start3A_178 = arith.constant 0 : i32
      %dma_start3A_179 = tpu.memref_slice %arg4[%select_n3A, %run_scoped3A_118, %mul3A_116, %dma_start3A_178] : memref<16x32x64x128xf32, #tpu.memory_space<hbm>> -> memref<1x1x32x128xf32, #tpu.memory_space<hbm>>
      %dma_start3A_180 = tpu.memref_squeeze %dma_start3A_179 : memref<1x1x32x128xf32, #tpu.memory_space<hbm>> -> memref<32x128xf32, #tpu.memory_space<hbm>>
      %dma_start3A_181 = arith.constant 0 : i32
      %dma_start3A_182 = arith.constant 0 : i32
      %dma_start3A_183 = tpu.memref_slice %arg7[%run_scoped3A_117, %dma_start3A_181, %dma_start3A_182] : memref<16x32x128xf32, #tpu.memory_space<vmem>> -> memref<1x32x128xf32, #tpu.memory_space<vmem>>
      %dma_start3A_184 = tpu.memref_squeeze %dma_start3A_183 : memref<1x32x128xf32, #tpu.memory_space<vmem>> -> memref<32x128xf32, #tpu.memory_space<vmem>>
      tpu.enqueue_dma source(%dma_start3A_184 : memref<32x128xf32, #tpu.memory_space<vmem>>) target(%dma_start3A_180 : memref<32x128xf32, #tpu.memory_space<hbm>>) target_semaphore(%run_scoped3A_171 : memref<!tpu.dma_semaphore, #tpu.memory_space<semaphore_mem>>)
      %dma_wait3A = arith.constant 0 : i32
      %dma_wait3A_185 = arith.constant 0 : i32
      %dma_wait3A_186 = tpu.memref_slice %arg7[%run_scoped3A_117, %dma_wait3A, %dma_wait3A_185] : memref<16x32x128xf32, #tpu.memory_space<vmem>> -> memref<1x32x128xf32, #tpu.memory_space<vmem>>
      %dma_wait3A_187 = tpu.memref_squeeze %dma_wait3A_186 : memref<1x32x128xf32, #tpu.memory_space<vmem>> -> memref<32x128xf32, #tpu.memory_space<vmem>>
      %dma_wait3A_188 = arith.constant 0 : i32
      %dma_wait3A_189 = tpu.memref_slice %arg4[%select_n3A, %run_scoped3A_118, %mul3A_116, %dma_wait3A_188] : memref<16x32x64x128xf32, #tpu.memory_space<hbm>> -> memref<1x1x32x128xf32, #tpu.memory_space<hbm>>
      %dma_wait3A_190 = tpu.memref_squeeze %dma_wait3A_189 : memref<1x1x32x128xf32, #tpu.memory_space<hbm>> -> memref<32x128xf32, #tpu.memory_space<hbm>>
      %dma_wait3A_191 = arith.constant 0 : i32
      %dma_wait3A_192 = tpu.memref_slice %arg4[%select_n3A, %run_scoped3A_118, %mul3A_116, %dma_wait3A_191] : memref<16x32x64x128xf32, #tpu.memory_space<hbm>> -> memref<1x1x32x128xf32, #tpu.memory_space<hbm>>
      %dma_wait3A_193 = tpu.memref_squeeze %dma_wait3A_192 : memref<1x1x32x128xf32, #tpu.memory_space<hbm>> -> memref<32x128xf32, #tpu.memory_space<hbm>>
      %dma_wait3A_194 = arith.constant 0 : i32
      %dma_wait3A_195 = arith.constant 0 : i32
      %dma_wait3A_196 = tpu.memref_slice %arg7[%run_scoped3A_117, %dma_wait3A_194, %dma_wait3A_195] : memref<16x32x128xf32, #tpu.memory_space<vmem>> -> memref<1x32x128xf32, #tpu.memory_space<vmem>>
      %dma_wait3A_197 = tpu.memref_squeeze %dma_wait3A_196 : memref<1x32x128xf32, #tpu.memory_space<vmem>> -> memref<32x128xf32, #tpu.memory_space<vmem>>
      tpu.wait_dma2 semaphore(%run_scoped3A_171 : memref<!tpu.dma_semaphore, #tpu.memory_space<semaphore_mem>>) src(%dma_wait3A_197 : memref<32x128xf32, #tpu.memory_space<vmem>>) dst(%dma_wait3A_193 : memref<32x128xf32, #tpu.memory_space<hbm>>)
      tpu.yield
    }) : () -> ()
    %mul3A_119 = arith.constant 32 : i32
    %mul3A_120 = arith.muli %select_n3A_30, %mul3A_119 : i32
    %run_scoped3A_121 = arith.constant 3 : i32
    %run_scoped3A_122 = arith.constant 19 : i32
    "tpu.region"() ({
      %run_scoped3A_171 = tpu.sem_alloc : memref<!tpu.dma_semaphore, #tpu.memory_space<semaphore_mem>>
      %dma_start3A = arith.constant 0 : i32
      %dma_start3A_172 = arith.constant 0 : i32
      %dma_start3A_173 = tpu.memref_slice %arg7[%run_scoped3A_121, %dma_start3A, %dma_start3A_172] : memref<16x32x128xf32, #tpu.memory_space<vmem>> -> memref<1x32x128xf32, #tpu.memory_space<vmem>>
      %dma_start3A_174 = tpu.memref_squeeze %dma_start3A_173 : memref<1x32x128xf32, #tpu.memory_space<vmem>> -> memref<32x128xf32, #tpu.memory_space<vmem>>
      %dma_start3A_175 = arith.constant 0 : i32
      %dma_start3A_176 = tpu.memref_slice %arg4[%select_n3A, %run_scoped3A_122, %mul3A_120, %dma_start3A_175] : memref<16x32x64x128xf32, #tpu.memory_space<hbm>> -> memref<1x1x32x128xf32, #tpu.memory_space<hbm>>
      %dma_start3A_177 = tpu.memref_squeeze %dma_start3A_176 : memref<1x1x32x128xf32, #tpu.memory_space<hbm>> -> memref<32x128xf32, #tpu.memory_space<hbm>>
      %dma_start3A_178 = arith.constant 0 : i32
      %dma_start3A_179 = tpu.memref_slice %arg4[%select_n3A, %run_scoped3A_122, %mul3A_120, %dma_start3A_178] : memref<16x32x64x128xf32, #tpu.memory_space<hbm>> -> memref<1x1x32x128xf32, #tpu.memory_space<hbm>>
      %dma_start3A_180 = tpu.memref_squeeze %dma_start3A_179 : memref<1x1x32x128xf32, #tpu.memory_space<hbm>> -> memref<32x128xf32, #tpu.memory_space<hbm>>
      %dma_start3A_181 = arith.constant 0 : i32
      %dma_start3A_182 = arith.constant 0 : i32
      %dma_start3A_183 = tpu.memref_slice %arg7[%run_scoped3A_121, %dma_start3A_181, %dma_start3A_182] : memref<16x32x128xf32, #tpu.memory_space<vmem>> -> memref<1x32x128xf32, #tpu.memory_space<vmem>>
      %dma_start3A_184 = tpu.memref_squeeze %dma_start3A_183 : memref<1x32x128xf32, #tpu.memory_space<vmem>> -> memref<32x128xf32, #tpu.memory_space<vmem>>
      tpu.enqueue_dma source(%dma_start3A_184 : memref<32x128xf32, #tpu.memory_space<vmem>>) target(%dma_start3A_180 : memref<32x128xf32, #tpu.memory_space<hbm>>) target_semaphore(%run_scoped3A_171 : memref<!tpu.dma_semaphore, #tpu.memory_space<semaphore_mem>>)
      %dma_wait3A = arith.constant 0 : i32
      %dma_wait3A_185 = arith.constant 0 : i32
      %dma_wait3A_186 = tpu.memref_slice %arg7[%run_scoped3A_121, %dma_wait3A, %dma_wait3A_185] : memref<16x32x128xf32, #tpu.memory_space<vmem>> -> memref<1x32x128xf32, #tpu.memory_space<vmem>>
      %dma_wait3A_187 = tpu.memref_squeeze %dma_wait3A_186 : memref<1x32x128xf32, #tpu.memory_space<vmem>> -> memref<32x128xf32, #tpu.memory_space<vmem>>
      %dma_wait3A_188 = arith.constant 0 : i32
      %dma_wait3A_189 = tpu.memref_slice %arg4[%select_n3A, %run_scoped3A_122, %mul3A_120, %dma_wait3A_188] : memref<16x32x64x128xf32, #tpu.memory_space<hbm>> -> memref<1x1x32x128xf32, #tpu.memory_space<hbm>>
      %dma_wait3A_190 = tpu.memref_squeeze %dma_wait3A_189 : memref<1x1x32x128xf32, #tpu.memory_space<hbm>> -> memref<32x128xf32, #tpu.memory_space<hbm>>
      %dma_wait3A_191 = arith.constant 0 : i32
      %dma_wait3A_192 = tpu.memref_slice %arg4[%select_n3A, %run_scoped3A_122, %mul3A_120, %dma_wait3A_191] : memref<16x32x64x128xf32, #tpu.memory_space<hbm>> -> memref<1x1x32x128xf32, #tpu.memory_space<hbm>>
      %dma_wait3A_193 = tpu.memref_squeeze %dma_wait3A_192 : memref<1x1x32x128xf32, #tpu.memory_space<hbm>> -> memref<32x128xf32, #tpu.memory_space<hbm>>
      %dma_wait3A_194 = arith.constant 0 : i32
      %dma_wait3A_195 = arith.constant 0 : i32
      %dma_wait3A_196 = tpu.memref_slice %arg7[%run_scoped3A_121, %dma_wait3A_194, %dma_wait3A_195] : memref<16x32x128xf32, #tpu.memory_space<vmem>> -> memref<1x32x128xf32, #tpu.memory_space<vmem>>
      %dma_wait3A_197 = tpu.memref_squeeze %dma_wait3A_196 : memref<1x32x128xf32, #tpu.memory_space<vmem>> -> memref<32x128xf32, #tpu.memory_space<vmem>>
      tpu.wait_dma2 semaphore(%run_scoped3A_171 : memref<!tpu.dma_semaphore, #tpu.memory_space<semaphore_mem>>) src(%dma_wait3A_197 : memref<32x128xf32, #tpu.memory_space<vmem>>) dst(%dma_wait3A_193 : memref<32x128xf32, #tpu.memory_space<hbm>>)
      tpu.yield
    }) : () -> ()
    %mul3A_123 = arith.constant 32 : i32
    %mul3A_124 = arith.muli %select_n3A_30, %mul3A_123 : i32
    %run_scoped3A_125 = arith.constant 4 : i32
    %run_scoped3A_126 = arith.constant 20 : i32
    "tpu.region"() ({
      %run_scoped3A_171 = tpu.sem_alloc : memref<!tpu.dma_semaphore, #tpu.memory_space<semaphore_mem>>
      %dma_start3A = arith.constant 0 : i32
      %dma_start3A_172 = arith.constant 0 : i32
      %dma_start3A_173 = tpu.memref_slice %arg7[%run_scoped3A_125, %dma_start3A, %dma_start3A_172] : memref<16x32x128xf32, #tpu.memory_space<vmem>> -> memref<1x32x128xf32, #tpu.memory_space<vmem>>
      %dma_start3A_174 = tpu.memref_squeeze %dma_start3A_173 : memref<1x32x128xf32, #tpu.memory_space<vmem>> -> memref<32x128xf32, #tpu.memory_space<vmem>>
      %dma_start3A_175 = arith.constant 0 : i32
      %dma_start3A_176 = tpu.memref_slice %arg4[%select_n3A, %run_scoped3A_126, %mul3A_124, %dma_start3A_175] : memref<16x32x64x128xf32, #tpu.memory_space<hbm>> -> memref<1x1x32x128xf32, #tpu.memory_space<hbm>>
      %dma_start3A_177 = tpu.memref_squeeze %dma_start3A_176 : memref<1x1x32x128xf32, #tpu.memory_space<hbm>> -> memref<32x128xf32, #tpu.memory_space<hbm>>
      %dma_start3A_178 = arith.constant 0 : i32
      %dma_start3A_179 = tpu.memref_slice %arg4[%select_n3A, %run_scoped3A_126, %mul3A_124, %dma_start3A_178] : memref<16x32x64x128xf32, #tpu.memory_space<hbm>> -> memref<1x1x32x128xf32, #tpu.memory_space<hbm>>
      %dma_start3A_180 = tpu.memref_squeeze %dma_start3A_179 : memref<1x1x32x128xf32, #tpu.memory_space<hbm>> -> memref<32x128xf32, #tpu.memory_space<hbm>>
      %dma_start3A_181 = arith.constant 0 : i32
      %dma_start3A_182 = arith.constant 0 : i32
      %dma_start3A_183 = tpu.memref_slice %arg7[%run_scoped3A_125, %dma_start3A_181, %dma_start3A_182] : memref<16x32x128xf32, #tpu.memory_space<vmem>> -> memref<1x32x128xf32, #tpu.memory_space<vmem>>
      %dma_start3A_184 = tpu.memref_squeeze %dma_start3A_183 : memref<1x32x128xf32, #tpu.memory_space<vmem>> -> memref<32x128xf32, #tpu.memory_space<vmem>>
      tpu.enqueue_dma source(%dma_start3A_184 : memref<32x128xf32, #tpu.memory_space<vmem>>) target(%dma_start3A_180 : memref<32x128xf32, #tpu.memory_space<hbm>>) target_semaphore(%run_scoped3A_171 : memref<!tpu.dma_semaphore, #tpu.memory_space<semaphore_mem>>)
      %dma_wait3A = arith.constant 0 : i32
      %dma_wait3A_185 = arith.constant 0 : i32
      %dma_wait3A_186 = tpu.memref_slice %arg7[%run_scoped3A_125, %dma_wait3A, %dma_wait3A_185] : memref<16x32x128xf32, #tpu.memory_space<vmem>> -> memref<1x32x128xf32, #tpu.memory_space<vmem>>
      %dma_wait3A_187 = tpu.memref_squeeze %dma_wait3A_186 : memref<1x32x128xf32, #tpu.memory_space<vmem>> -> memref<32x128xf32, #tpu.memory_space<vmem>>
      %dma_wait3A_188 = arith.constant 0 : i32
      %dma_wait3A_189 = tpu.memref_slice %arg4[%select_n3A, %run_scoped3A_126, %mul3A_124, %dma_wait3A_188] : memref<16x32x64x128xf32, #tpu.memory_space<hbm>> -> memref<1x1x32x128xf32, #tpu.memory_space<hbm>>
      %dma_wait3A_190 = tpu.memref_squeeze %dma_wait3A_189 : memref<1x1x32x128xf32, #tpu.memory_space<hbm>> -> memref<32x128xf32, #tpu.memory_space<hbm>>
      %dma_wait3A_191 = arith.constant 0 : i32
      %dma_wait3A_192 = tpu.memref_slice %arg4[%select_n3A, %run_scoped3A_126, %mul3A_124, %dma_wait3A_191] : memref<16x32x64x128xf32, #tpu.memory_space<hbm>> -> memref<1x1x32x128xf32, #tpu.memory_space<hbm>>
      %dma_wait3A_193 = tpu.memref_squeeze %dma_wait3A_192 : memref<1x1x32x128xf32, #tpu.memory_space<hbm>> -> memref<32x128xf32, #tpu.memory_space<hbm>>
      %dma_wait3A_194 = arith.constant 0 : i32
      %dma_wait3A_195 = arith.constant 0 : i32
      %dma_wait3A_196 = tpu.memref_slice %arg7[%run_scoped3A_125, %dma_wait3A_194, %dma_wait3A_195] : memref<16x32x128xf32, #tpu.memory_space<vmem>> -> memref<1x32x128xf32, #tpu.memory_space<vmem>>
      %dma_wait3A_197 = tpu.memref_squeeze %dma_wait3A_196 : memref<1x32x128xf32, #tpu.memory_space<vmem>> -> memref<32x128xf32, #tpu.memory_space<vmem>>
      tpu.wait_dma2 semaphore(%run_scoped3A_171 : memref<!tpu.dma_semaphore, #tpu.memory_space<semaphore_mem>>) src(%dma_wait3A_197 : memref<32x128xf32, #tpu.memory_space<vmem>>) dst(%dma_wait3A_193 : memref<32x128xf32, #tpu.memory_space<hbm>>)
      tpu.yield
    }) : () -> ()
    %mul3A_127 = arith.constant 32 : i32
    %mul3A_128 = arith.muli %select_n3A_30, %mul3A_127 : i32
    %run_scoped3A_129 = arith.constant 5 : i32
    %run_scoped3A_130 = arith.constant 21 : i32
    "tpu.region"() ({
      %run_scoped3A_171 = tpu.sem_alloc : memref<!tpu.dma_semaphore, #tpu.memory_space<semaphore_mem>>
      %dma_start3A = arith.constant 0 : i32
      %dma_start3A_172 = arith.constant 0 : i32
      %dma_start3A_173 = tpu.memref_slice %arg7[%run_scoped3A_129, %dma_start3A, %dma_start3A_172] : memref<16x32x128xf32, #tpu.memory_space<vmem>> -> memref<1x32x128xf32, #tpu.memory_space<vmem>>
      %dma_start3A_174 = tpu.memref_squeeze %dma_start3A_173 : memref<1x32x128xf32, #tpu.memory_space<vmem>> -> memref<32x128xf32, #tpu.memory_space<vmem>>
      %dma_start3A_175 = arith.constant 0 : i32
      %dma_start3A_176 = tpu.memref_slice %arg4[%select_n3A, %run_scoped3A_130, %mul3A_128, %dma_start3A_175] : memref<16x32x64x128xf32, #tpu.memory_space<hbm>> -> memref<1x1x32x128xf32, #tpu.memory_space<hbm>>
      %dma_start3A_177 = tpu.memref_squeeze %dma_start3A_176 : memref<1x1x32x128xf32, #tpu.memory_space<hbm>> -> memref<32x128xf32, #tpu.memory_space<hbm>>
      %dma_start3A_178 = arith.constant 0 : i32
      %dma_start3A_179 = tpu.memref_slice %arg4[%select_n3A, %run_scoped3A_130, %mul3A_128, %dma_start3A_178] : memref<16x32x64x128xf32, #tpu.memory_space<hbm>> -> memref<1x1x32x128xf32, #tpu.memory_space<hbm>>
      %dma_start3A_180 = tpu.memref_squeeze %dma_start3A_179 : memref<1x1x32x128xf32, #tpu.memory_space<hbm>> -> memref<32x128xf32, #tpu.memory_space<hbm>>
      %dma_start3A_181 = arith.constant 0 : i32
      %dma_start3A_182 = arith.constant 0 : i32
      %dma_start3A_183 = tpu.memref_slice %arg7[%run_scoped3A_129, %dma_start3A_181, %dma_start3A_182] : memref<16x32x128xf32, #tpu.memory_space<vmem>> -> memref<1x32x128xf32, #tpu.memory_space<vmem>>
      %dma_start3A_184 = tpu.memref_squeeze %dma_start3A_183 : memref<1x32x128xf32, #tpu.memory_space<vmem>> -> memref<32x128xf32, #tpu.memory_space<vmem>>
      tpu.enqueue_dma source(%dma_start3A_184 : memref<32x128xf32, #tpu.memory_space<vmem>>) target(%dma_start3A_180 : memref<32x128xf32, #tpu.memory_space<hbm>>) target_semaphore(%run_scoped3A_171 : memref<!tpu.dma_semaphore, #tpu.memory_space<semaphore_mem>>)
      %dma_wait3A = arith.constant 0 : i32
      %dma_wait3A_185 = arith.constant 0 : i32
      %dma_wait3A_186 = tpu.memref_slice %arg7[%run_scoped3A_129, %dma_wait3A, %dma_wait3A_185] : memref<16x32x128xf32, #tpu.memory_space<vmem>> -> memref<1x32x128xf32, #tpu.memory_space<vmem>>
      %dma_wait3A_187 = tpu.memref_squeeze %dma_wait3A_186 : memref<1x32x128xf32, #tpu.memory_space<vmem>> -> memref<32x128xf32, #tpu.memory_space<vmem>>
      %dma_wait3A_188 = arith.constant 0 : i32
      %dma_wait3A_189 = tpu.memref_slice %arg4[%select_n3A, %run_scoped3A_130, %mul3A_128, %dma_wait3A_188] : memref<16x32x64x128xf32, #tpu.memory_space<hbm>> -> memref<1x1x32x128xf32, #tpu.memory_space<hbm>>
      %dma_wait3A_190 = tpu.memref_squeeze %dma_wait3A_189 : memref<1x1x32x128xf32, #tpu.memory_space<hbm>> -> memref<32x128xf32, #tpu.memory_space<hbm>>
      %dma_wait3A_191 = arith.constant 0 : i32
      %dma_wait3A_192 = tpu.memref_slice %arg4[%select_n3A, %run_scoped3A_130, %mul3A_128, %dma_wait3A_191] : memref<16x32x64x128xf32, #tpu.memory_space<hbm>> -> memref<1x1x32x128xf32, #tpu.memory_space<hbm>>
      %dma_wait3A_193 = tpu.memref_squeeze %dma_wait3A_192 : memref<1x1x32x128xf32, #tpu.memory_space<hbm>> -> memref<32x128xf32, #tpu.memory_space<hbm>>
      %dma_wait3A_194 = arith.constant 0 : i32
      %dma_wait3A_195 = arith.constant 0 : i32
      %dma_wait3A_196 = tpu.memref_slice %arg7[%run_scoped3A_129, %dma_wait3A_194, %dma_wait3A_195] : memref<16x32x128xf32, #tpu.memory_space<vmem>> -> memref<1x32x128xf32, #tpu.memory_space<vmem>>
      %dma_wait3A_197 = tpu.memref_squeeze %dma_wait3A_196 : memref<1x32x128xf32, #tpu.memory_space<vmem>> -> memref<32x128xf32, #tpu.memory_space<vmem>>
      tpu.wait_dma2 semaphore(%run_scoped3A_171 : memref<!tpu.dma_semaphore, #tpu.memory_space<semaphore_mem>>) src(%dma_wait3A_197 : memref<32x128xf32, #tpu.memory_space<vmem>>) dst(%dma_wait3A_193 : memref<32x128xf32, #tpu.memory_space<hbm>>)
      tpu.yield
    }) : () -> ()
    %mul3A_131 = arith.constant 32 : i32
    %mul3A_132 = arith.muli %select_n3A_30, %mul3A_131 : i32
    %run_scoped3A_133 = arith.constant 6 : i32
    %run_scoped3A_134 = arith.constant 22 : i32
    "tpu.region"() ({
      %run_scoped3A_171 = tpu.sem_alloc : memref<!tpu.dma_semaphore, #tpu.memory_space<semaphore_mem>>
      %dma_start3A = arith.constant 0 : i32
      %dma_start3A_172 = arith.constant 0 : i32
      %dma_start3A_173 = tpu.memref_slice %arg7[%run_scoped3A_133, %dma_start3A, %dma_start3A_172] : memref<16x32x128xf32, #tpu.memory_space<vmem>> -> memref<1x32x128xf32, #tpu.memory_space<vmem>>
      %dma_start3A_174 = tpu.memref_squeeze %dma_start3A_173 : memref<1x32x128xf32, #tpu.memory_space<vmem>> -> memref<32x128xf32, #tpu.memory_space<vmem>>
      %dma_start3A_175 = arith.constant 0 : i32
      %dma_start3A_176 = tpu.memref_slice %arg4[%select_n3A, %run_scoped3A_134, %mul3A_132, %dma_start3A_175] : memref<16x32x64x128xf32, #tpu.memory_space<hbm>> -> memref<1x1x32x128xf32, #tpu.memory_space<hbm>>
      %dma_start3A_177 = tpu.memref_squeeze %dma_start3A_176 : memref<1x1x32x128xf32, #tpu.memory_space<hbm>> -> memref<32x128xf32, #tpu.memory_space<hbm>>
      %dma_start3A_178 = arith.constant 0 : i32
      %dma_start3A_179 = tpu.memref_slice %arg4[%select_n3A, %run_scoped3A_134, %mul3A_132, %dma_start3A_178] : memref<16x32x64x128xf32, #tpu.memory_space<hbm>> -> memref<1x1x32x128xf32, #tpu.memory_space<hbm>>
      %dma_start3A_180 = tpu.memref_squeeze %dma_start3A_179 : memref<1x1x32x128xf32, #tpu.memory_space<hbm>> -> memref<32x128xf32, #tpu.memory_space<hbm>>
      %dma_start3A_181 = arith.constant 0 : i32
      %dma_start3A_182 = arith.constant 0 : i32
      %dma_start3A_183 = tpu.memref_slice %arg7[%run_scoped3A_133, %dma_start3A_181, %dma_start3A_182] : memref<16x32x128xf32, #tpu.memory_space<vmem>> -> memref<1x32x128xf32, #tpu.memory_space<vmem>>
      %dma_start3A_184 = tpu.memref_squeeze %dma_start3A_183 : memref<1x32x128xf32, #tpu.memory_space<vmem>> -> memref<32x128xf32, #tpu.memory_space<vmem>>
      tpu.enqueue_dma source(%dma_start3A_184 : memref<32x128xf32, #tpu.memory_space<vmem>>) target(%dma_start3A_180 : memref<32x128xf32, #tpu.memory_space<hbm>>) target_semaphore(%run_scoped3A_171 : memref<!tpu.dma_semaphore, #tpu.memory_space<semaphore_mem>>)
      %dma_wait3A = arith.constant 0 : i32
      %dma_wait3A_185 = arith.constant 0 : i32
      %dma_wait3A_186 = tpu.memref_slice %arg7[%run_scoped3A_133, %dma_wait3A, %dma_wait3A_185] : memref<16x32x128xf32, #tpu.memory_space<vmem>> -> memref<1x32x128xf32, #tpu.memory_space<vmem>>
      %dma_wait3A_187 = tpu.memref_squeeze %dma_wait3A_186 : memref<1x32x128xf32, #tpu.memory_space<vmem>> -> memref<32x128xf32, #tpu.memory_space<vmem>>
      %dma_wait3A_188 = arith.constant 0 : i32
      %dma_wait3A_189 = tpu.memref_slice %arg4[%select_n3A, %run_scoped3A_134, %mul3A_132, %dma_wait3A_188] : memref<16x32x64x128xf32, #tpu.memory_space<hbm>> -> memref<1x1x32x128xf32, #tpu.memory_space<hbm>>
      %dma_wait3A_190 = tpu.memref_squeeze %dma_wait3A_189 : memref<1x1x32x128xf32, #tpu.memory_space<hbm>> -> memref<32x128xf32, #tpu.memory_space<hbm>>
      %dma_wait3A_191 = arith.constant 0 : i32
      %dma_wait3A_192 = tpu.memref_slice %arg4[%select_n3A, %run_scoped3A_134, %mul3A_132, %dma_wait3A_191] : memref<16x32x64x128xf32, #tpu.memory_space<hbm>> -> memref<1x1x32x128xf32, #tpu.memory_space<hbm>>
      %dma_wait3A_193 = tpu.memref_squeeze %dma_wait3A_192 : memref<1x1x32x128xf32, #tpu.memory_space<hbm>> -> memref<32x128xf32, #tpu.memory_space<hbm>>
      %dma_wait3A_194 = arith.constant 0 : i32
      %dma_wait3A_195 = arith.constant 0 : i32
      %dma_wait3A_196 = tpu.memref_slice %arg7[%run_scoped3A_133, %dma_wait3A_194, %dma_wait3A_195] : memref<16x32x128xf32, #tpu.memory_space<vmem>> -> memref<1x32x128xf32, #tpu.memory_space<vmem>>
      %dma_wait3A_197 = tpu.memref_squeeze %dma_wait3A_196 : memref<1x32x128xf32, #tpu.memory_space<vmem>> -> memref<32x128xf32, #tpu.memory_space<vmem>>
      tpu.wait_dma2 semaphore(%run_scoped3A_171 : memref<!tpu.dma_semaphore, #tpu.memory_space<semaphore_mem>>) src(%dma_wait3A_197 : memref<32x128xf32, #tpu.memory_space<vmem>>) dst(%dma_wait3A_193 : memref<32x128xf32, #tpu.memory_space<hbm>>)
      tpu.yield
    }) : () -> ()
    %mul3A_135 = arith.constant 32 : i32
    %mul3A_136 = arith.muli %select_n3A_30, %mul3A_135 : i32
    %run_scoped3A_137 = arith.constant 7 : i32
    %run_scoped3A_138 = arith.constant 23 : i32
    "tpu.region"() ({
      %run_scoped3A_171 = tpu.sem_alloc : memref<!tpu.dma_semaphore, #tpu.memory_space<semaphore_mem>>
      %dma_start3A = arith.constant 0 : i32
      %dma_start3A_172 = arith.constant 0 : i32
      %dma_start3A_173 = tpu.memref_slice %arg7[%run_scoped3A_137, %dma_start3A, %dma_start3A_172] : memref<16x32x128xf32, #tpu.memory_space<vmem>> -> memref<1x32x128xf32, #tpu.memory_space<vmem>>
      %dma_start3A_174 = tpu.memref_squeeze %dma_start3A_173 : memref<1x32x128xf32, #tpu.memory_space<vmem>> -> memref<32x128xf32, #tpu.memory_space<vmem>>
      %dma_start3A_175 = arith.constant 0 : i32
      %dma_start3A_176 = tpu.memref_slice %arg4[%select_n3A, %run_scoped3A_138, %mul3A_136, %dma_start3A_175] : memref<16x32x64x128xf32, #tpu.memory_space<hbm>> -> memref<1x1x32x128xf32, #tpu.memory_space<hbm>>
      %dma_start3A_177 = tpu.memref_squeeze %dma_start3A_176 : memref<1x1x32x128xf32, #tpu.memory_space<hbm>> -> memref<32x128xf32, #tpu.memory_space<hbm>>
      %dma_start3A_178 = arith.constant 0 : i32
      %dma_start3A_179 = tpu.memref_slice %arg4[%select_n3A, %run_scoped3A_138, %mul3A_136, %dma_start3A_178] : memref<16x32x64x128xf32, #tpu.memory_space<hbm>> -> memref<1x1x32x128xf32, #tpu.memory_space<hbm>>
      %dma_start3A_180 = tpu.memref_squeeze %dma_start3A_179 : memref<1x1x32x128xf32, #tpu.memory_space<hbm>> -> memref<32x128xf32, #tpu.memory_space<hbm>>
      %dma_start3A_181 = arith.constant 0 : i32
      %dma_start3A_182 = arith.constant 0 : i32
      %dma_start3A_183 = tpu.memref_slice %arg7[%run_scoped3A_137, %dma_start3A_181, %dma_start3A_182] : memref<16x32x128xf32, #tpu.memory_space<vmem>> -> memref<1x32x128xf32, #tpu.memory_space<vmem>>
      %dma_start3A_184 = tpu.memref_squeeze %dma_start3A_183 : memref<1x32x128xf32, #tpu.memory_space<vmem>> -> memref<32x128xf32, #tpu.memory_space<vmem>>
      tpu.enqueue_dma source(%dma_start3A_184 : memref<32x128xf32, #tpu.memory_space<vmem>>) target(%dma_start3A_180 : memref<32x128xf32, #tpu.memory_space<hbm>>) target_semaphore(%run_scoped3A_171 : memref<!tpu.dma_semaphore, #tpu.memory_space<semaphore_mem>>)
      %dma_wait3A = arith.constant 0 : i32
      %dma_wait3A_185 = arith.constant 0 : i32
      %dma_wait3A_186 = tpu.memref_slice %arg7[%run_scoped3A_137, %dma_wait3A, %dma_wait3A_185] : memref<16x32x128xf32, #tpu.memory_space<vmem>> -> memref<1x32x128xf32, #tpu.memory_space<vmem>>
      %dma_wait3A_187 = tpu.memref_squeeze %dma_wait3A_186 : memref<1x32x128xf32, #tpu.memory_space<vmem>> -> memref<32x128xf32, #tpu.memory_space<vmem>>
      %dma_wait3A_188 = arith.constant 0 : i32
      %dma_wait3A_189 = tpu.memref_slice %arg4[%select_n3A, %run_scoped3A_138, %mul3A_136, %dma_wait3A_188] : memref<16x32x64x128xf32, #tpu.memory_space<hbm>> -> memref<1x1x32x128xf32, #tpu.memory_space<hbm>>
      %dma_wait3A_190 = tpu.memref_squeeze %dma_wait3A_189 : memref<1x1x32x128xf32, #tpu.memory_space<hbm>> -> memref<32x128xf32, #tpu.memory_space<hbm>>
      %dma_wait3A_191 = arith.constant 0 : i32
      %dma_wait3A_192 = tpu.memref_slice %arg4[%select_n3A, %run_scoped3A_138, %mul3A_136, %dma_wait3A_191] : memref<16x32x64x128xf32, #tpu.memory_space<hbm>> -> memref<1x1x32x128xf32, #tpu.memory_space<hbm>>
      %dma_wait3A_193 = tpu.memref_squeeze %dma_wait3A_192 : memref<1x1x32x128xf32, #tpu.memory_space<hbm>> -> memref<32x128xf32, #tpu.memory_space<hbm>>
      %dma_wait3A_194 = arith.constant 0 : i32
      %dma_wait3A_195 = arith.constant 0 : i32
      %dma_wait3A_196 = tpu.memref_slice %arg7[%run_scoped3A_137, %dma_wait3A_194, %dma_wait3A_195] : memref<16x32x128xf32, #tpu.memory_space<vmem>> -> memref<1x32x128xf32, #tpu.memory_space<vmem>>
      %dma_wait3A_197 = tpu.memref_squeeze %dma_wait3A_196 : memref<1x32x128xf32, #tpu.memory_space<vmem>> -> memref<32x128xf32, #tpu.memory_space<vmem>>
      tpu.wait_dma2 semaphore(%run_scoped3A_171 : memref<!tpu.dma_semaphore, #tpu.memory_space<semaphore_mem>>) src(%dma_wait3A_197 : memref<32x128xf32, #tpu.memory_space<vmem>>) dst(%dma_wait3A_193 : memref<32x128xf32, #tpu.memory_space<hbm>>)
      tpu.yield
    }) : () -> ()
    %mul3A_139 = arith.constant 32 : i32
    %mul3A_140 = arith.muli %select_n3A_30, %mul3A_139 : i32
    %run_scoped3A_141 = arith.constant 8 : i32
    %run_scoped3A_142 = arith.constant 24 : i32
    "tpu.region"() ({
      %run_scoped3A_171 = tpu.sem_alloc : memref<!tpu.dma_semaphore, #tpu.memory_space<semaphore_mem>>
      %dma_start3A = arith.constant 0 : i32
      %dma_start3A_172 = arith.constant 0 : i32
      %dma_start3A_173 = tpu.memref_slice %arg7[%run_scoped3A_141, %dma_start3A, %dma_start3A_172] : memref<16x32x128xf32, #tpu.memory_space<vmem>> -> memref<1x32x128xf32, #tpu.memory_space<vmem>>
      %dma_start3A_174 = tpu.memref_squeeze %dma_start3A_173 : memref<1x32x128xf32, #tpu.memory_space<vmem>> -> memref<32x128xf32, #tpu.memory_space<vmem>>
      %dma_start3A_175 = arith.constant 0 : i32
      %dma_start3A_176 = tpu.memref_slice %arg4[%select_n3A, %run_scoped3A_142, %mul3A_140, %dma_start3A_175] : memref<16x32x64x128xf32, #tpu.memory_space<hbm>> -> memref<1x1x32x128xf32, #tpu.memory_space<hbm>>
      %dma_start3A_177 = tpu.memref_squeeze %dma_start3A_176 : memref<1x1x32x128xf32, #tpu.memory_space<hbm>> -> memref<32x128xf32, #tpu.memory_space<hbm>>
      %dma_start3A_178 = arith.constant 0 : i32
      %dma_start3A_179 = tpu.memref_slice %arg4[%select_n3A, %run_scoped3A_142, %mul3A_140, %dma_start3A_178] : memref<16x32x64x128xf32, #tpu.memory_space<hbm>> -> memref<1x1x32x128xf32, #tpu.memory_space<hbm>>
      %dma_start3A_180 = tpu.memref_squeeze %dma_start3A_179 : memref<1x1x32x128xf32, #tpu.memory_space<hbm>> -> memref<32x128xf32, #tpu.memory_space<hbm>>
      %dma_start3A_181 = arith.constant 0 : i32
      %dma_start3A_182 = arith.constant 0 : i32
      %dma_start3A_183 = tpu.memref_slice %arg7[%run_scoped3A_141, %dma_start3A_181, %dma_start3A_182] : memref<16x32x128xf32, #tpu.memory_space<vmem>> -> memref<1x32x128xf32, #tpu.memory_space<vmem>>
      %dma_start3A_184 = tpu.memref_squeeze %dma_start3A_183 : memref<1x32x128xf32, #tpu.memory_space<vmem>> -> memref<32x128xf32, #tpu.memory_space<vmem>>
      tpu.enqueue_dma source(%dma_start3A_184 : memref<32x128xf32, #tpu.memory_space<vmem>>) target(%dma_start3A_180 : memref<32x128xf32, #tpu.memory_space<hbm>>) target_semaphore(%run_scoped3A_171 : memref<!tpu.dma_semaphore, #tpu.memory_space<semaphore_mem>>)
      %dma_wait3A = arith.constant 0 : i32
      %dma_wait3A_185 = arith.constant 0 : i32
      %dma_wait3A_186 = tpu.memref_slice %arg7[%run_scoped3A_141, %dma_wait3A, %dma_wait3A_185] : memref<16x32x128xf32, #tpu.memory_space<vmem>> -> memref<1x32x128xf32, #tpu.memory_space<vmem>>
      %dma_wait3A_187 = tpu.memref_squeeze %dma_wait3A_186 : memref<1x32x128xf32, #tpu.memory_space<vmem>> -> memref<32x128xf32, #tpu.memory_space<vmem>>
      %dma_wait3A_188 = arith.constant 0 : i32
      %dma_wait3A_189 = tpu.memref_slice %arg4[%select_n3A, %run_scoped3A_142, %mul3A_140, %dma_wait3A_188] : memref<16x32x64x128xf32, #tpu.memory_space<hbm>> -> memref<1x1x32x128xf32, #tpu.memory_space<hbm>>
      %dma_wait3A_190 = tpu.memref_squeeze %dma_wait3A_189 : memref<1x1x32x128xf32, #tpu.memory_space<hbm>> -> memref<32x128xf32, #tpu.memory_space<hbm>>
      %dma_wait3A_191 = arith.constant 0 : i32
      %dma_wait3A_192 = tpu.memref_slice %arg4[%select_n3A, %run_scoped3A_142, %mul3A_140, %dma_wait3A_191] : memref<16x32x64x128xf32, #tpu.memory_space<hbm>> -> memref<1x1x32x128xf32, #tpu.memory_space<hbm>>
      %dma_wait3A_193 = tpu.memref_squeeze %dma_wait3A_192 : memref<1x1x32x128xf32, #tpu.memory_space<hbm>> -> memref<32x128xf32, #tpu.memory_space<hbm>>
      %dma_wait3A_194 = arith.constant 0 : i32
      %dma_wait3A_195 = arith.constant 0 : i32
      %dma_wait3A_196 = tpu.memref_slice %arg7[%run_scoped3A_141, %dma_wait3A_194, %dma_wait3A_195] : memref<16x32x128xf32, #tpu.memory_space<vmem>> -> memref<1x32x128xf32, #tpu.memory_space<vmem>>
      %dma_wait3A_197 = tpu.memref_squeeze %dma_wait3A_196 : memref<1x32x128xf32, #tpu.memory_space<vmem>> -> memref<32x128xf32, #tpu.memory_space<vmem>>
      tpu.wait_dma2 semaphore(%run_scoped3A_171 : memref<!tpu.dma_semaphore, #tpu.memory_space<semaphore_mem>>) src(%dma_wait3A_197 : memref<32x128xf32, #tpu.memory_space<vmem>>) dst(%dma_wait3A_193 : memref<32x128xf32, #tpu.memory_space<hbm>>)
      tpu.yield
    }) : () -> ()
    %mul3A_143 = arith.constant 32 : i32
    %mul3A_144 = arith.muli %select_n3A_30, %mul3A_143 : i32
    %run_scoped3A_145 = arith.constant 9 : i32
    %run_scoped3A_146 = arith.constant 25 : i32
    "tpu.region"() ({
      %run_scoped3A_171 = tpu.sem_alloc : memref<!tpu.dma_semaphore, #tpu.memory_space<semaphore_mem>>
      %dma_start3A = arith.constant 0 : i32
      %dma_start3A_172 = arith.constant 0 : i32
      %dma_start3A_173 = tpu.memref_slice %arg7[%run_scoped3A_145, %dma_start3A, %dma_start3A_172] : memref<16x32x128xf32, #tpu.memory_space<vmem>> -> memref<1x32x128xf32, #tpu.memory_space<vmem>>
      %dma_start3A_174 = tpu.memref_squeeze %dma_start3A_173 : memref<1x32x128xf32, #tpu.memory_space<vmem>> -> memref<32x128xf32, #tpu.memory_space<vmem>>
      %dma_start3A_175 = arith.constant 0 : i32
      %dma_start3A_176 = tpu.memref_slice %arg4[%select_n3A, %run_scoped3A_146, %mul3A_144, %dma_start3A_175] : memref<16x32x64x128xf32, #tpu.memory_space<hbm>> -> memref<1x1x32x128xf32, #tpu.memory_space<hbm>>
      %dma_start3A_177 = tpu.memref_squeeze %dma_start3A_176 : memref<1x1x32x128xf32, #tpu.memory_space<hbm>> -> memref<32x128xf32, #tpu.memory_space<hbm>>
      %dma_start3A_178 = arith.constant 0 : i32
      %dma_start3A_179 = tpu.memref_slice %arg4[%select_n3A, %run_scoped3A_146, %mul3A_144, %dma_start3A_178] : memref<16x32x64x128xf32, #tpu.memory_space<hbm>> -> memref<1x1x32x128xf32, #tpu.memory_space<hbm>>
      %dma_start3A_180 = tpu.memref_squeeze %dma_start3A_179 : memref<1x1x32x128xf32, #tpu.memory_space<hbm>> -> memref<32x128xf32, #tpu.memory_space<hbm>>
      %dma_start3A_181 = arith.constant 0 : i32
      %dma_start3A_182 = arith.constant 0 : i32
      %dma_start3A_183 = tpu.memref_slice %arg7[%run_scoped3A_145, %dma_start3A_181, %dma_start3A_182] : memref<16x32x128xf32, #tpu.memory_space<vmem>> -> memref<1x32x128xf32, #tpu.memory_space<vmem>>
      %dma_start3A_184 = tpu.memref_squeeze %dma_start3A_183 : memref<1x32x128xf32, #tpu.memory_space<vmem>> -> memref<32x128xf32, #tpu.memory_space<vmem>>
      tpu.enqueue_dma source(%dma_start3A_184 : memref<32x128xf32, #tpu.memory_space<vmem>>) target(%dma_start3A_180 : memref<32x128xf32, #tpu.memory_space<hbm>>) target_semaphore(%run_scoped3A_171 : memref<!tpu.dma_semaphore, #tpu.memory_space<semaphore_mem>>)
      %dma_wait3A = arith.constant 0 : i32
      %dma_wait3A_185 = arith.constant 0 : i32
      %dma_wait3A_186 = tpu.memref_slice %arg7[%run_scoped3A_145, %dma_wait3A, %dma_wait3A_185] : memref<16x32x128xf32, #tpu.memory_space<vmem>> -> memref<1x32x128xf32, #tpu.memory_space<vmem>>
      %dma_wait3A_187 = tpu.memref_squeeze %dma_wait3A_186 : memref<1x32x128xf32, #tpu.memory_space<vmem>> -> memref<32x128xf32, #tpu.memory_space<vmem>>
      %dma_wait3A_188 = arith.constant 0 : i32
      %dma_wait3A_189 = tpu.memref_slice %arg4[%select_n3A, %run_scoped3A_146, %mul3A_144, %dma_wait3A_188] : memref<16x32x64x128xf32, #tpu.memory_space<hbm>> -> memref<1x1x32x128xf32, #tpu.memory_space<hbm>>
      %dma_wait3A_190 = tpu.memref_squeeze %dma_wait3A_189 : memref<1x1x32x128xf32, #tpu.memory_space<hbm>> -> memref<32x128xf32, #tpu.memory_space<hbm>>
      %dma_wait3A_191 = arith.constant 0 : i32
      %dma_wait3A_192 = tpu.memref_slice %arg4[%select_n3A, %run_scoped3A_146, %mul3A_144, %dma_wait3A_191] : memref<16x32x64x128xf32, #tpu.memory_space<hbm>> -> memref<1x1x32x128xf32, #tpu.memory_space<hbm>>
      %dma_wait3A_193 = tpu.memref_squeeze %dma_wait3A_192 : memref<1x1x32x128xf32, #tpu.memory_space<hbm>> -> memref<32x128xf32, #tpu.memory_space<hbm>>
      %dma_wait3A_194 = arith.constant 0 : i32
      %dma_wait3A_195 = arith.constant 0 : i32
      %dma_wait3A_196 = tpu.memref_slice %arg7[%run_scoped3A_145, %dma_wait3A_194, %dma_wait3A_195] : memref<16x32x128xf32, #tpu.memory_space<vmem>> -> memref<1x32x128xf32, #tpu.memory_space<vmem>>
      %dma_wait3A_197 = tpu.memref_squeeze %dma_wait3A_196 : memref<1x32x128xf32, #tpu.memory_space<vmem>> -> memref<32x128xf32, #tpu.memory_space<vmem>>
      tpu.wait_dma2 semaphore(%run_scoped3A_171 : memref<!tpu.dma_semaphore, #tpu.memory_space<semaphore_mem>>) src(%dma_wait3A_197 : memref<32x128xf32, #tpu.memory_space<vmem>>) dst(%dma_wait3A_193 : memref<32x128xf32, #tpu.memory_space<hbm>>)
      tpu.yield
    }) : () -> ()
    %mul3A_147 = arith.constant 32 : i32
    %mul3A_148 = arith.muli %select_n3A_30, %mul3A_147 : i32
    %run_scoped3A_149 = arith.constant 10 : i32
    %run_scoped3A_150 = arith.constant 26 : i32
    "tpu.region"() ({
      %run_scoped3A_171 = tpu.sem_alloc : memref<!tpu.dma_semaphore, #tpu.memory_space<semaphore_mem>>
      %dma_start3A = arith.constant 0 : i32
      %dma_start3A_172 = arith.constant 0 : i32
      %dma_start3A_173 = tpu.memref_slice %arg7[%run_scoped3A_149, %dma_start3A, %dma_start3A_172] : memref<16x32x128xf32, #tpu.memory_space<vmem>> -> memref<1x32x128xf32, #tpu.memory_space<vmem>>
      %dma_start3A_174 = tpu.memref_squeeze %dma_start3A_173 : memref<1x32x128xf32, #tpu.memory_space<vmem>> -> memref<32x128xf32, #tpu.memory_space<vmem>>
      %dma_start3A_175 = arith.constant 0 : i32
      %dma_start3A_176 = tpu.memref_slice %arg4[%select_n3A, %run_scoped3A_150, %mul3A_148, %dma_start3A_175] : memref<16x32x64x128xf32, #tpu.memory_space<hbm>> -> memref<1x1x32x128xf32, #tpu.memory_space<hbm>>
      %dma_start3A_177 = tpu.memref_squeeze %dma_start3A_176 : memref<1x1x32x128xf32, #tpu.memory_space<hbm>> -> memref<32x128xf32, #tpu.memory_space<hbm>>
      %dma_start3A_178 = arith.constant 0 : i32
      %dma_start3A_179 = tpu.memref_slice %arg4[%select_n3A, %run_scoped3A_150, %mul3A_148, %dma_start3A_178] : memref<16x32x64x128xf32, #tpu.memory_space<hbm>> -> memref<1x1x32x128xf32, #tpu.memory_space<hbm>>
      %dma_start3A_180 = tpu.memref_squeeze %dma_start3A_179 : memref<1x1x32x128xf32, #tpu.memory_space<hbm>> -> memref<32x128xf32, #tpu.memory_space<hbm>>
      %dma_start3A_181 = arith.constant 0 : i32
      %dma_start3A_182 = arith.constant 0 : i32
      %dma_start3A_183 = tpu.memref_slice %arg7[%run_scoped3A_149, %dma_start3A_181, %dma_start3A_182] : memref<16x32x128xf32, #tpu.memory_space<vmem>> -> memref<1x32x128xf32, #tpu.memory_space<vmem>>
      %dma_start3A_184 = tpu.memref_squeeze %dma_start3A_183 : memref<1x32x128xf32, #tpu.memory_space<vmem>> -> memref<32x128xf32, #tpu.memory_space<vmem>>
      tpu.enqueue_dma source(%dma_start3A_184 : memref<32x128xf32, #tpu.memory_space<vmem>>) target(%dma_start3A_180 : memref<32x128xf32, #tpu.memory_space<hbm>>) target_semaphore(%run_scoped3A_171 : memref<!tpu.dma_semaphore, #tpu.memory_space<semaphore_mem>>)
      %dma_wait3A = arith.constant 0 : i32
      %dma_wait3A_185 = arith.constant 0 : i32
      %dma_wait3A_186 = tpu.memref_slice %arg7[%run_scoped3A_149, %dma_wait3A, %dma_wait3A_185] : memref<16x32x128xf32, #tpu.memory_space<vmem>> -> memref<1x32x128xf32, #tpu.memory_space<vmem>>
      %dma_wait3A_187 = tpu.memref_squeeze %dma_wait3A_186 : memref<1x32x128xf32, #tpu.memory_space<vmem>> -> memref<32x128xf32, #tpu.memory_space<vmem>>
      %dma_wait3A_188 = arith.constant 0 : i32
      %dma_wait3A_189 = tpu.memref_slice %arg4[%select_n3A, %run_scoped3A_150, %mul3A_148, %dma_wait3A_188] : memref<16x32x64x128xf32, #tpu.memory_space<hbm>> -> memref<1x1x32x128xf32, #tpu.memory_space<hbm>>
      %dma_wait3A_190 = tpu.memref_squeeze %dma_wait3A_189 : memref<1x1x32x128xf32, #tpu.memory_space<hbm>> -> memref<32x128xf32, #tpu.memory_space<hbm>>
      %dma_wait3A_191 = arith.constant 0 : i32
      %dma_wait3A_192 = tpu.memref_slice %arg4[%select_n3A, %run_scoped3A_150, %mul3A_148, %dma_wait3A_191] : memref<16x32x64x128xf32, #tpu.memory_space<hbm>> -> memref<1x1x32x128xf32, #tpu.memory_space<hbm>>
      %dma_wait3A_193 = tpu.memref_squeeze %dma_wait3A_192 : memref<1x1x32x128xf32, #tpu.memory_space<hbm>> -> memref<32x128xf32, #tpu.memory_space<hbm>>
      %dma_wait3A_194 = arith.constant 0 : i32
      %dma_wait3A_195 = arith.constant 0 : i32
      %dma_wait3A_196 = tpu.memref_slice %arg7[%run_scoped3A_149, %dma_wait3A_194, %dma_wait3A_195] : memref<16x32x128xf32, #tpu.memory_space<vmem>> -> memref<1x32x128xf32, #tpu.memory_space<vmem>>
      %dma_wait3A_197 = tpu.memref_squeeze %dma_wait3A_196 : memref<1x32x128xf32, #tpu.memory_space<vmem>> -> memref<32x128xf32, #tpu.memory_space<vmem>>
      tpu.wait_dma2 semaphore(%run_scoped3A_171 : memref<!tpu.dma_semaphore, #tpu.memory_space<semaphore_mem>>) src(%dma_wait3A_197 : memref<32x128xf32, #tpu.memory_space<vmem>>) dst(%dma_wait3A_193 : memref<32x128xf32, #tpu.memory_space<hbm>>)
      tpu.yield
    }) : () -> ()
    %mul3A_151 = arith.constant 32 : i32
    %mul3A_152 = arith.muli %select_n3A_30, %mul3A_151 : i32
    %run_scoped3A_153 = arith.constant 11 : i32
    %run_scoped3A_154 = arith.constant 27 : i32
    "tpu.region"() ({
      %run_scoped3A_171 = tpu.sem_alloc : memref<!tpu.dma_semaphore, #tpu.memory_space<semaphore_mem>>
      %dma_start3A = arith.constant 0 : i32
      %dma_start3A_172 = arith.constant 0 : i32
      %dma_start3A_173 = tpu.memref_slice %arg7[%run_scoped3A_153, %dma_start3A, %dma_start3A_172] : memref<16x32x128xf32, #tpu.memory_space<vmem>> -> memref<1x32x128xf32, #tpu.memory_space<vmem>>
      %dma_start3A_174 = tpu.memref_squeeze %dma_start3A_173 : memref<1x32x128xf32, #tpu.memory_space<vmem>> -> memref<32x128xf32, #tpu.memory_space<vmem>>
      %dma_start3A_175 = arith.constant 0 : i32
      %dma_start3A_176 = tpu.memref_slice %arg4[%select_n3A, %run_scoped3A_154, %mul3A_152, %dma_start3A_175] : memref<16x32x64x128xf32, #tpu.memory_space<hbm>> -> memref<1x1x32x128xf32, #tpu.memory_space<hbm>>
      %dma_start3A_177 = tpu.memref_squeeze %dma_start3A_176 : memref<1x1x32x128xf32, #tpu.memory_space<hbm>> -> memref<32x128xf32, #tpu.memory_space<hbm>>
      %dma_start3A_178 = arith.constant 0 : i32
      %dma_start3A_179 = tpu.memref_slice %arg4[%select_n3A, %run_scoped3A_154, %mul3A_152, %dma_start3A_178] : memref<16x32x64x128xf32, #tpu.memory_space<hbm>> -> memref<1x1x32x128xf32, #tpu.memory_space<hbm>>
      %dma_start3A_180 = tpu.memref_squeeze %dma_start3A_179 : memref<1x1x32x128xf32, #tpu.memory_space<hbm>> -> memref<32x128xf32, #tpu.memory_space<hbm>>
      %dma_start3A_181 = arith.constant 0 : i32
      %dma_start3A_182 = arith.constant 0 : i32
      %dma_start3A_183 = tpu.memref_slice %arg7[%run_scoped3A_153, %dma_start3A_181, %dma_start3A_182] : memref<16x32x128xf32, #tpu.memory_space<vmem>> -> memref<1x32x128xf32, #tpu.memory_space<vmem>>
      %dma_start3A_184 = tpu.memref_squeeze %dma_start3A_183 : memref<1x32x128xf32, #tpu.memory_space<vmem>> -> memref<32x128xf32, #tpu.memory_space<vmem>>
      tpu.enqueue_dma source(%dma_start3A_184 : memref<32x128xf32, #tpu.memory_space<vmem>>) target(%dma_start3A_180 : memref<32x128xf32, #tpu.memory_space<hbm>>) target_semaphore(%run_scoped3A_171 : memref<!tpu.dma_semaphore, #tpu.memory_space<semaphore_mem>>)
      %dma_wait3A = arith.constant 0 : i32
      %dma_wait3A_185 = arith.constant 0 : i32
      %dma_wait3A_186 = tpu.memref_slice %arg7[%run_scoped3A_153, %dma_wait3A, %dma_wait3A_185] : memref<16x32x128xf32, #tpu.memory_space<vmem>> -> memref<1x32x128xf32, #tpu.memory_space<vmem>>
      %dma_wait3A_187 = tpu.memref_squeeze %dma_wait3A_186 : memref<1x32x128xf32, #tpu.memory_space<vmem>> -> memref<32x128xf32, #tpu.memory_space<vmem>>
      %dma_wait3A_188 = arith.constant 0 : i32
      %dma_wait3A_189 = tpu.memref_slice %arg4[%select_n3A, %run_scoped3A_154, %mul3A_152, %dma_wait3A_188] : memref<16x32x64x128xf32, #tpu.memory_space<hbm>> -> memref<1x1x32x128xf32, #tpu.memory_space<hbm>>
      %dma_wait3A_190 = tpu.memref_squeeze %dma_wait3A_189 : memref<1x1x32x128xf32, #tpu.memory_space<hbm>> -> memref<32x128xf32, #tpu.memory_space<hbm>>
      %dma_wait3A_191 = arith.constant 0 : i32
      %dma_wait3A_192 = tpu.memref_slice %arg4[%select_n3A, %run_scoped3A_154, %mul3A_152, %dma_wait3A_191] : memref<16x32x64x128xf32, #tpu.memory_space<hbm>> -> memref<1x1x32x128xf32, #tpu.memory_space<hbm>>
      %dma_wait3A_193 = tpu.memref_squeeze %dma_wait3A_192 : memref<1x1x32x128xf32, #tpu.memory_space<hbm>> -> memref<32x128xf32, #tpu.memory_space<hbm>>
      %dma_wait3A_194 = arith.constant 0 : i32
      %dma_wait3A_195 = arith.constant 0 : i32
      %dma_wait3A_196 = tpu.memref_slice %arg7[%run_scoped3A_153, %dma_wait3A_194, %dma_wait3A_195] : memref<16x32x128xf32, #tpu.memory_space<vmem>> -> memref<1x32x128xf32, #tpu.memory_space<vmem>>
      %dma_wait3A_197 = tpu.memref_squeeze %dma_wait3A_196 : memref<1x32x128xf32, #tpu.memory_space<vmem>> -> memref<32x128xf32, #tpu.memory_space<vmem>>
      tpu.wait_dma2 semaphore(%run_scoped3A_171 : memref<!tpu.dma_semaphore, #tpu.memory_space<semaphore_mem>>) src(%dma_wait3A_197 : memref<32x128xf32, #tpu.memory_space<vmem>>) dst(%dma_wait3A_193 : memref<32x128xf32, #tpu.memory_space<hbm>>)
      tpu.yield
    }) : () -> ()
    %mul3A_155 = arith.constant 32 : i32
    %mul3A_156 = arith.muli %select_n3A_30, %mul3A_155 : i32
    %run_scoped3A_157 = arith.constant 12 : i32
    %run_scoped3A_158 = arith.constant 28 : i32
    "tpu.region"() ({
      %run_scoped3A_171 = tpu.sem_alloc : memref<!tpu.dma_semaphore, #tpu.memory_space<semaphore_mem>>
      %dma_start3A = arith.constant 0 : i32
      %dma_start3A_172 = arith.constant 0 : i32
      %dma_start3A_173 = tpu.memref_slice %arg7[%run_scoped3A_157, %dma_start3A, %dma_start3A_172] : memref<16x32x128xf32, #tpu.memory_space<vmem>> -> memref<1x32x128xf32, #tpu.memory_space<vmem>>
      %dma_start3A_174 = tpu.memref_squeeze %dma_start3A_173 : memref<1x32x128xf32, #tpu.memory_space<vmem>> -> memref<32x128xf32, #tpu.memory_space<vmem>>
      %dma_start3A_175 = arith.constant 0 : i32
      %dma_start3A_176 = tpu.memref_slice %arg4[%select_n3A, %run_scoped3A_158, %mul3A_156, %dma_start3A_175] : memref<16x32x64x128xf32, #tpu.memory_space<hbm>> -> memref<1x1x32x128xf32, #tpu.memory_space<hbm>>
      %dma_start3A_177 = tpu.memref_squeeze %dma_start3A_176 : memref<1x1x32x128xf32, #tpu.memory_space<hbm>> -> memref<32x128xf32, #tpu.memory_space<hbm>>
      %dma_start3A_178 = arith.constant 0 : i32
      %dma_start3A_179 = tpu.memref_slice %arg4[%select_n3A, %run_scoped3A_158, %mul3A_156, %dma_start3A_178] : memref<16x32x64x128xf32, #tpu.memory_space<hbm>> -> memref<1x1x32x128xf32, #tpu.memory_space<hbm>>
      %dma_start3A_180 = tpu.memref_squeeze %dma_start3A_179 : memref<1x1x32x128xf32, #tpu.memory_space<hbm>> -> memref<32x128xf32, #tpu.memory_space<hbm>>
      %dma_start3A_181 = arith.constant 0 : i32
      %dma_start3A_182 = arith.constant 0 : i32
      %dma_start3A_183 = tpu.memref_slice %arg7[%run_scoped3A_157, %dma_start3A_181, %dma_start3A_182] : memref<16x32x128xf32, #tpu.memory_space<vmem>> -> memref<1x32x128xf32, #tpu.memory_space<vmem>>
      %dma_start3A_184 = tpu.memref_squeeze %dma_start3A_183 : memref<1x32x128xf32, #tpu.memory_space<vmem>> -> memref<32x128xf32, #tpu.memory_space<vmem>>
      tpu.enqueue_dma source(%dma_start3A_184 : memref<32x128xf32, #tpu.memory_space<vmem>>) target(%dma_start3A_180 : memref<32x128xf32, #tpu.memory_space<hbm>>) target_semaphore(%run_scoped3A_171 : memref<!tpu.dma_semaphore, #tpu.memory_space<semaphore_mem>>)
      %dma_wait3A = arith.constant 0 : i32
      %dma_wait3A_185 = arith.constant 0 : i32
      %dma_wait3A_186 = tpu.memref_slice %arg7[%run_scoped3A_157, %dma_wait3A, %dma_wait3A_185] : memref<16x32x128xf32, #tpu.memory_space<vmem>> -> memref<1x32x128xf32, #tpu.memory_space<vmem>>
      %dma_wait3A_187 = tpu.memref_squeeze %dma_wait3A_186 : memref<1x32x128xf32, #tpu.memory_space<vmem>> -> memref<32x128xf32, #tpu.memory_space<vmem>>
      %dma_wait3A_188 = arith.constant 0 : i32
      %dma_wait3A_189 = tpu.memref_slice %arg4[%select_n3A, %run_scoped3A_158, %mul3A_156, %dma_wait3A_188] : memref<16x32x64x128xf32, #tpu.memory_space<hbm>> -> memref<1x1x32x128xf32, #tpu.memory_space<hbm>>
      %dma_wait3A_190 = tpu.memref_squeeze %dma_wait3A_189 : memref<1x1x32x128xf32, #tpu.memory_space<hbm>> -> memref<32x128xf32, #tpu.memory_space<hbm>>
      %dma_wait3A_191 = arith.constant 0 : i32
      %dma_wait3A_192 = tpu.memref_slice %arg4[%select_n3A, %run_scoped3A_158, %mul3A_156, %dma_wait3A_191] : memref<16x32x64x128xf32, #tpu.memory_space<hbm>> -> memref<1x1x32x128xf32, #tpu.memory_space<hbm>>
      %dma_wait3A_193 = tpu.memref_squeeze %dma_wait3A_192 : memref<1x1x32x128xf32, #tpu.memory_space<hbm>> -> memref<32x128xf32, #tpu.memory_space<hbm>>
      %dma_wait3A_194 = arith.constant 0 : i32
      %dma_wait3A_195 = arith.constant 0 : i32
      %dma_wait3A_196 = tpu.memref_slice %arg7[%run_scoped3A_157, %dma_wait3A_194, %dma_wait3A_195] : memref<16x32x128xf32, #tpu.memory_space<vmem>> -> memref<1x32x128xf32, #tpu.memory_space<vmem>>
      %dma_wait3A_197 = tpu.memref_squeeze %dma_wait3A_196 : memref<1x32x128xf32, #tpu.memory_space<vmem>> -> memref<32x128xf32, #tpu.memory_space<vmem>>
      tpu.wait_dma2 semaphore(%run_scoped3A_171 : memref<!tpu.dma_semaphore, #tpu.memory_space<semaphore_mem>>) src(%dma_wait3A_197 : memref<32x128xf32, #tpu.memory_space<vmem>>) dst(%dma_wait3A_193 : memref<32x128xf32, #tpu.memory_space<hbm>>)
      tpu.yield
    }) : () -> ()
    %mul3A_159 = arith.constant 32 : i32
    %mul3A_160 = arith.muli %select_n3A_30, %mul3A_159 : i32
    %run_scoped3A_161 = arith.constant 13 : i32
    %run_scoped3A_162 = arith.constant 29 : i32
    "tpu.region"() ({
      %run_scoped3A_171 = tpu.sem_alloc : memref<!tpu.dma_semaphore, #tpu.memory_space<semaphore_mem>>
      %dma_start3A = arith.constant 0 : i32
      %dma_start3A_172 = arith.constant 0 : i32
      %dma_start3A_173 = tpu.memref_slice %arg7[%run_scoped3A_161, %dma_start3A, %dma_start3A_172] : memref<16x32x128xf32, #tpu.memory_space<vmem>> -> memref<1x32x128xf32, #tpu.memory_space<vmem>>
      %dma_start3A_174 = tpu.memref_squeeze %dma_start3A_173 : memref<1x32x128xf32, #tpu.memory_space<vmem>> -> memref<32x128xf32, #tpu.memory_space<vmem>>
      %dma_start3A_175 = arith.constant 0 : i32
      %dma_start3A_176 = tpu.memref_slice %arg4[%select_n3A, %run_scoped3A_162, %mul3A_160, %dma_start3A_175] : memref<16x32x64x128xf32, #tpu.memory_space<hbm>> -> memref<1x1x32x128xf32, #tpu.memory_space<hbm>>
      %dma_start3A_177 = tpu.memref_squeeze %dma_start3A_176 : memref<1x1x32x128xf32, #tpu.memory_space<hbm>> -> memref<32x128xf32, #tpu.memory_space<hbm>>
      %dma_start3A_178 = arith.constant 0 : i32
      %dma_start3A_179 = tpu.memref_slice %arg4[%select_n3A, %run_scoped3A_162, %mul3A_160, %dma_start3A_178] : memref<16x32x64x128xf32, #tpu.memory_space<hbm>> -> memref<1x1x32x128xf32, #tpu.memory_space<hbm>>
      %dma_start3A_180 = tpu.memref_squeeze %dma_start3A_179 : memref<1x1x32x128xf32, #tpu.memory_space<hbm>> -> memref<32x128xf32, #tpu.memory_space<hbm>>
      %dma_start3A_181 = arith.constant 0 : i32
      %dma_start3A_182 = arith.constant 0 : i32
      %dma_start3A_183 = tpu.memref_slice %arg7[%run_scoped3A_161, %dma_start3A_181, %dma_start3A_182] : memref<16x32x128xf32, #tpu.memory_space<vmem>> -> memref<1x32x128xf32, #tpu.memory_space<vmem>>
      %dma_start3A_184 = tpu.memref_squeeze %dma_start3A_183 : memref<1x32x128xf32, #tpu.memory_space<vmem>> -> memref<32x128xf32, #tpu.memory_space<vmem>>
      tpu.enqueue_dma source(%dma_start3A_184 : memref<32x128xf32, #tpu.memory_space<vmem>>) target(%dma_start3A_180 : memref<32x128xf32, #tpu.memory_space<hbm>>) target_semaphore(%run_scoped3A_171 : memref<!tpu.dma_semaphore, #tpu.memory_space<semaphore_mem>>)
      %dma_wait3A = arith.constant 0 : i32
      %dma_wait3A_185 = arith.constant 0 : i32
      %dma_wait3A_186 = tpu.memref_slice %arg7[%run_scoped3A_161, %dma_wait3A, %dma_wait3A_185] : memref<16x32x128xf32, #tpu.memory_space<vmem>> -> memref<1x32x128xf32, #tpu.memory_space<vmem>>
      %dma_wait3A_187 = tpu.memref_squeeze %dma_wait3A_186 : memref<1x32x128xf32, #tpu.memory_space<vmem>> -> memref<32x128xf32, #tpu.memory_space<vmem>>
      %dma_wait3A_188 = arith.constant 0 : i32
      %dma_wait3A_189 = tpu.memref_slice %arg4[%select_n3A, %run_scoped3A_162, %mul3A_160, %dma_wait3A_188] : memref<16x32x64x128xf32, #tpu.memory_space<hbm>> -> memref<1x1x32x128xf32, #tpu.memory_space<hbm>>
      %dma_wait3A_190 = tpu.memref_squeeze %dma_wait3A_189 : memref<1x1x32x128xf32, #tpu.memory_space<hbm>> -> memref<32x128xf32, #tpu.memory_space<hbm>>
      %dma_wait3A_191 = arith.constant 0 : i32
      %dma_wait3A_192 = tpu.memref_slice %arg4[%select_n3A, %run_scoped3A_162, %mul3A_160, %dma_wait3A_191] : memref<16x32x64x128xf32, #tpu.memory_space<hbm>> -> memref<1x1x32x128xf32, #tpu.memory_space<hbm>>
      %dma_wait3A_193 = tpu.memref_squeeze %dma_wait3A_192 : memref<1x1x32x128xf32, #tpu.memory_space<hbm>> -> memref<32x128xf32, #tpu.memory_space<hbm>>
      %dma_wait3A_194 = arith.constant 0 : i32
      %dma_wait3A_195 = arith.constant 0 : i32
      %dma_wait3A_196 = tpu.memref_slice %arg7[%run_scoped3A_161, %dma_wait3A_194, %dma_wait3A_195] : memref<16x32x128xf32, #tpu.memory_space<vmem>> -> memref<1x32x128xf32, #tpu.memory_space<vmem>>
      %dma_wait3A_197 = tpu.memref_squeeze %dma_wait3A_196 : memref<1x32x128xf32, #tpu.memory_space<vmem>> -> memref<32x128xf32, #tpu.memory_space<vmem>>
      tpu.wait_dma2 semaphore(%run_scoped3A_171 : memref<!tpu.dma_semaphore, #tpu.memory_space<semaphore_mem>>) src(%dma_wait3A_197 : memref<32x128xf32, #tpu.memory_space<vmem>>) dst(%dma_wait3A_193 : memref<32x128xf32, #tpu.memory_space<hbm>>)
      tpu.yield
    }) : () -> ()
    %mul3A_163 = arith.constant 32 : i32
    %mul3A_164 = arith.muli %select_n3A_30, %mul3A_163 : i32
    %run_scoped3A_165 = arith.constant 14 : i32
    %run_scoped3A_166 = arith.constant 30 : i32
    "tpu.region"() ({
      %run_scoped3A_171 = tpu.sem_alloc : memref<!tpu.dma_semaphore, #tpu.memory_space<semaphore_mem>>
      %dma_start3A = arith.constant 0 : i32
      %dma_start3A_172 = arith.constant 0 : i32
      %dma_start3A_173 = tpu.memref_slice %arg7[%run_scoped3A_165, %dma_start3A, %dma_start3A_172] : memref<16x32x128xf32, #tpu.memory_space<vmem>> -> memref<1x32x128xf32, #tpu.memory_space<vmem>>
      %dma_start3A_174 = tpu.memref_squeeze %dma_start3A_173 : memref<1x32x128xf32, #tpu.memory_space<vmem>> -> memref<32x128xf32, #tpu.memory_space<vmem>>
      %dma_start3A_175 = arith.constant 0 : i32
      %dma_start3A_176 = tpu.memref_slice %arg4[%select_n3A, %run_scoped3A_166, %mul3A_164, %dma_start3A_175] : memref<16x32x64x128xf32, #tpu.memory_space<hbm>> -> memref<1x1x32x128xf32, #tpu.memory_space<hbm>>
      %dma_start3A_177 = tpu.memref_squeeze %dma_start3A_176 : memref<1x1x32x128xf32, #tpu.memory_space<hbm>> -> memref<32x128xf32, #tpu.memory_space<hbm>>
      %dma_start3A_178 = arith.constant 0 : i32
      %dma_start3A_179 = tpu.memref_slice %arg4[%select_n3A, %run_scoped3A_166, %mul3A_164, %dma_start3A_178] : memref<16x32x64x128xf32, #tpu.memory_space<hbm>> -> memref<1x1x32x128xf32, #tpu.memory_space<hbm>>
      %dma_start3A_180 = tpu.memref_squeeze %dma_start3A_179 : memref<1x1x32x128xf32, #tpu.memory_space<hbm>> -> memref<32x128xf32, #tpu.memory_space<hbm>>
      %dma_start3A_181 = arith.constant 0 : i32
      %dma_start3A_182 = arith.constant 0 : i32
      %dma_start3A_183 = tpu.memref_slice %arg7[%run_scoped3A_165, %dma_start3A_181, %dma_start3A_182] : memref<16x32x128xf32, #tpu.memory_space<vmem>> -> memref<1x32x128xf32, #tpu.memory_space<vmem>>
      %dma_start3A_184 = tpu.memref_squeeze %dma_start3A_183 : memref<1x32x128xf32, #tpu.memory_space<vmem>> -> memref<32x128xf32, #tpu.memory_space<vmem>>
      tpu.enqueue_dma source(%dma_start3A_184 : memref<32x128xf32, #tpu.memory_space<vmem>>) target(%dma_start3A_180 : memref<32x128xf32, #tpu.memory_space<hbm>>) target_semaphore(%run_scoped3A_171 : memref<!tpu.dma_semaphore, #tpu.memory_space<semaphore_mem>>)
      %dma_wait3A = arith.constant 0 : i32
      %dma_wait3A_185 = arith.constant 0 : i32
      %dma_wait3A_186 = tpu.memref_slice %arg7[%run_scoped3A_165, %dma_wait3A, %dma_wait3A_185] : memref<16x32x128xf32, #tpu.memory_space<vmem>> -> memref<1x32x128xf32, #tpu.memory_space<vmem>>
      %dma_wait3A_187 = tpu.memref_squeeze %dma_wait3A_186 : memref<1x32x128xf32, #tpu.memory_space<vmem>> -> memref<32x128xf32, #tpu.memory_space<vmem>>
      %dma_wait3A_188 = arith.constant 0 : i32
      %dma_wait3A_189 = tpu.memref_slice %arg4[%select_n3A, %run_scoped3A_166, %mul3A_164, %dma_wait3A_188] : memref<16x32x64x128xf32, #tpu.memory_space<hbm>> -> memref<1x1x32x128xf32, #tpu.memory_space<hbm>>
      %dma_wait3A_190 = tpu.memref_squeeze %dma_wait3A_189 : memref<1x1x32x128xf32, #tpu.memory_space<hbm>> -> memref<32x128xf32, #tpu.memory_space<hbm>>
      %dma_wait3A_191 = arith.constant 0 : i32
      %dma_wait3A_192 = tpu.memref_slice %arg4[%select_n3A, %run_scoped3A_166, %mul3A_164, %dma_wait3A_191] : memref<16x32x64x128xf32, #tpu.memory_space<hbm>> -> memref<1x1x32x128xf32, #tpu.memory_space<hbm>>
      %dma_wait3A_193 = tpu.memref_squeeze %dma_wait3A_192 : memref<1x1x32x128xf32, #tpu.memory_space<hbm>> -> memref<32x128xf32, #tpu.memory_space<hbm>>
      %dma_wait3A_194 = arith.constant 0 : i32
      %dma_wait3A_195 = arith.constant 0 : i32
      %dma_wait3A_196 = tpu.memref_slice %arg7[%run_scoped3A_165, %dma_wait3A_194, %dma_wait3A_195] : memref<16x32x128xf32, #tpu.memory_space<vmem>> -> memref<1x32x128xf32, #tpu.memory_space<vmem>>
      %dma_wait3A_197 = tpu.memref_squeeze %dma_wait3A_196 : memref<1x32x128xf32, #tpu.memory_space<vmem>> -> memref<32x128xf32, #tpu.memory_space<vmem>>
      tpu.wait_dma2 semaphore(%run_scoped3A_171 : memref<!tpu.dma_semaphore, #tpu.memory_space<semaphore_mem>>) src(%dma_wait3A_197 : memref<32x128xf32, #tpu.memory_space<vmem>>) dst(%dma_wait3A_193 : memref<32x128xf32, #tpu.memory_space<hbm>>)
      tpu.yield
    }) : () -> ()
    %mul3A_167 = arith.constant 32 : i32
    %mul3A_168 = arith.muli %select_n3A_30, %mul3A_167 : i32
    %run_scoped3A_169 = arith.constant 15 : i32
    %run_scoped3A_170 = arith.constant 31 : i32
    "tpu.region"() ({
      %run_scoped3A_171 = tpu.sem_alloc : memref<!tpu.dma_semaphore, #tpu.memory_space<semaphore_mem>>
      %dma_start3A = arith.constant 0 : i32
      %dma_start3A_172 = arith.constant 0 : i32
      %dma_start3A_173 = tpu.memref_slice %arg7[%run_scoped3A_169, %dma_start3A, %dma_start3A_172] : memref<16x32x128xf32, #tpu.memory_space<vmem>> -> memref<1x32x128xf32, #tpu.memory_space<vmem>>
      %dma_start3A_174 = tpu.memref_squeeze %dma_start3A_173 : memref<1x32x128xf32, #tpu.memory_space<vmem>> -> memref<32x128xf32, #tpu.memory_space<vmem>>
      %dma_start3A_175 = arith.constant 0 : i32
      %dma_start3A_176 = tpu.memref_slice %arg4[%select_n3A, %run_scoped3A_170, %mul3A_168, %dma_start3A_175] : memref<16x32x64x128xf32, #tpu.memory_space<hbm>> -> memref<1x1x32x128xf32, #tpu.memory_space<hbm>>
      %dma_start3A_177 = tpu.memref_squeeze %dma_start3A_176 : memref<1x1x32x128xf32, #tpu.memory_space<hbm>> -> memref<32x128xf32, #tpu.memory_space<hbm>>
      %dma_start3A_178 = arith.constant 0 : i32
      %dma_start3A_179 = tpu.memref_slice %arg4[%select_n3A, %run_scoped3A_170, %mul3A_168, %dma_start3A_178] : memref<16x32x64x128xf32, #tpu.memory_space<hbm>> -> memref<1x1x32x128xf32, #tpu.memory_space<hbm>>
      %dma_start3A_180 = tpu.memref_squeeze %dma_start3A_179 : memref<1x1x32x128xf32, #tpu.memory_space<hbm>> -> memref<32x128xf32, #tpu.memory_space<hbm>>
      %dma_start3A_181 = arith.constant 0 : i32
      %dma_start3A_182 = arith.constant 0 : i32
      %dma_start3A_183 = tpu.memref_slice %arg7[%run_scoped3A_169, %dma_start3A_181, %dma_start3A_182] : memref<16x32x128xf32, #tpu.memory_space<vmem>> -> memref<1x32x128xf32, #tpu.memory_space<vmem>>
      %dma_start3A_184 = tpu.memref_squeeze %dma_start3A_183 : memref<1x32x128xf32, #tpu.memory_space<vmem>> -> memref<32x128xf32, #tpu.memory_space<vmem>>
      tpu.enqueue_dma source(%dma_start3A_184 : memref<32x128xf32, #tpu.memory_space<vmem>>) target(%dma_start3A_180 : memref<32x128xf32, #tpu.memory_space<hbm>>) target_semaphore(%run_scoped3A_171 : memref<!tpu.dma_semaphore, #tpu.memory_space<semaphore_mem>>)
      %dma_wait3A = arith.constant 0 : i32
      %dma_wait3A_185 = arith.constant 0 : i32
      %dma_wait3A_186 = tpu.memref_slice %arg7[%run_scoped3A_169, %dma_wait3A, %dma_wait3A_185] : memref<16x32x128xf32, #tpu.memory_space<vmem>> -> memref<1x32x128xf32, #tpu.memory_space<vmem>>
      %dma_wait3A_187 = tpu.memref_squeeze %dma_wait3A_186 : memref<1x32x128xf32, #tpu.memory_space<vmem>> -> memref<32x128xf32, #tpu.memory_space<vmem>>
      %dma_wait3A_188 = arith.constant 0 : i32
      %dma_wait3A_189 = tpu.memref_slice %arg4[%select_n3A, %run_scoped3A_170, %mul3A_168, %dma_wait3A_188] : memref<16x32x64x128xf32, #tpu.memory_space<hbm>> -> memref<1x1x32x128xf32, #tpu.memory_space<hbm>>
      %dma_wait3A_190 = tpu.memref_squeeze %dma_wait3A_189 : memref<1x1x32x128xf32, #tpu.memory_space<hbm>> -> memref<32x128xf32, #tpu.memory_space<hbm>>
      %dma_wait3A_191 = arith.constant 0 : i32
      %dma_wait3A_192 = tpu.memref_slice %arg4[%select_n3A, %run_scoped3A_170, %mul3A_168, %dma_wait3A_191] : memref<16x32x64x128xf32, #tpu.memory_space<hbm>> -> memref<1x1x32x128xf32, #tpu.memory_space<hbm>>
      %dma_wait3A_193 = tpu.memref_squeeze %dma_wait3A_192 : memref<1x1x32x128xf32, #tpu.memory_space<hbm>> -> memref<32x128xf32, #tpu.memory_space<hbm>>
      %dma_wait3A_194 = arith.constant 0 : i32
      %dma_wait3A_195 = arith.constant 0 : i32
      %dma_wait3A_196 = tpu.memref_slice %arg7[%run_scoped3A_169, %dma_wait3A_194, %dma_wait3A_195] : memref<16x32x128xf32, #tpu.memory_space<vmem>> -> memref<1x32x128xf32, #tpu.memory_space<vmem>>
      %dma_wait3A_197 = tpu.memref_squeeze %dma_wait3A_196 : memref<1x32x128xf32, #tpu.memory_space<vmem>> -> memref<32x128xf32, #tpu.memory_space<vmem>>
      tpu.wait_dma2 semaphore(%run_scoped3A_171 : memref<!tpu.dma_semaphore, #tpu.memory_space<semaphore_mem>>) src(%dma_wait3A_197 : memref<32x128xf32, #tpu.memory_space<vmem>>) dst(%dma_wait3A_193 : memref<32x128xf32, #tpu.memory_space<hbm>>)
      tpu.yield
    }) : () -> ()
    return
  }
}

module attributes {stable_mosaic.version = 14 : i64} {
  func.func @_idx_body(%arg0: i32, %arg1: memref<1x32x64x64xf32, #tpu.memory_space<vmem>>, %arg2: memref<512x32xf32, #tpu.memory_space<vmem>>, %arg3: memref<32x128xi32, #tpu.memory_space<vmem>>) attributes {dimension_semantics = [#tpu.dimension_semantics<arbitrary>], iteration_bounds = array<i64: 16>, scalar_prefetch = 0 : i64, scratch_operands = 0 : i64, tpu.core_type = #tpu.core_type<tc>, window_params = [{transform_indices = @transform_0, window_bounds = array<i64: 1, 32, 64, 64>}, {pipeline_mode = #tpu.pipeline_mode<synchronous>, transform_indices = @transform_1, window_bounds = array<i64: 512, 32>}, {transform_indices = @transform_2, window_bounds = array<i64: 32, 128>}]} {
    %get3A = arith.constant 0 : index
    %get3A_0 = arith.constant 0 : index
    %get3A_1 = arith.constant 0 : index
    %get3A_2 = arith.constant 0 : index
    %get3A_3 = vector.load %arg1[%get3A, %get3A_0, %get3A_1, %get3A_2] : memref<1x32x64x64xf32, #tpu.memory_space<vmem>>, vector<1x32x64x64xf32>
    %get3A_4 = vector.shape_cast %get3A_3 : vector<1x32x64x64xf32> to vector<32x64x64xf32>
    %reshape3A = vector.shape_cast %get3A_4 : vector<32x64x64xf32> to vector<32x4096xf32>
    %get3A_5 = arith.constant 0 : index
    %get3A_6 = arith.constant 0 : index
    %get3A_7 = vector.load %arg2[%get3A_5, %get3A_6] : memref<512x32xf32, #tpu.memory_space<vmem>>, vector<512x32xf32>
    %mul3A = arith.mulf %get3A_7, %get3A_7 : vector<512x32xf32>
    %reduce_sum3A = arith.constant dense<0.000000e+00> : vector<512xf32>
    %reduce_sum3A_8 = vector.multi_reduction <add>, %mul3A, %reduce_sum3A [1] : vector<512x32xf32> to vector<512xf32>
    %mul3A_9 = arith.mulf %reshape3A, %reshape3A : vector<32x4096xf32>
    %reduce_sum3A_10 = arith.constant dense<0.000000e+00> : vector<4096xf32>
    %reduce_sum3A_11 = vector.multi_reduction <add>, %mul3A_9, %reduce_sum3A_10 [0] : vector<32x4096xf32> to vector<4096xf32>
    %add3A = arith.addf %get3A_7, %get3A_7 : vector<512x32xf32>
    %dot_general3A = arith.constant dense<0.000000e+00> : vector<512x4096xf32>
    %dot_general3A_12 = tpu.matmul %add3A, %reshape3A, %dot_general3A {dimension_numbers = #tpu.dot_dimension_numbers<[1], [0], [0], [1], [0, 0, 1, 1], [], []>, transpose_lhs_hint = false} : vector<512x32xf32>, vector<32x4096xf32>, vector<512x4096xf32> -> vector<512x4096xf32>
    %broadcast_in_dim3A = vector.shape_cast %reduce_sum3A_11 : vector<4096xf32> to vector<1x4096xf32>
    %broadcast_in_dim3A_13 = vector.shape_cast %reduce_sum3A_8 : vector<512xf32> to vector<512x1xf32>
    %add3A_14 = vector.broadcast %broadcast_in_dim3A : vector<1x4096xf32> to vector<512x4096xf32>
    %add3A_15 = vector.broadcast %broadcast_in_dim3A_13 : vector<512x1xf32> to vector<512x4096xf32>
    %add3A_16 = arith.addf %add3A_14, %add3A_15 : vector<512x4096xf32>
    %sub3A = arith.subf %add3A_16, %dot_general3A_12 : vector<512x4096xf32>
    %reduce_min3A = arith.constant dense<0x7F800000> : vector<4096xf32>
    %reduce_min3A_17 = vector.multi_reduction <minimumf>, %sub3A, %reduce_min3A [0] : vector<512x4096xf32> to vector<4096xf32>
    %broadcast_in_dim3A_18 = vector.shape_cast %reduce_min3A_17 : vector<4096xf32> to vector<1x4096xf32>
    %eq3A = vector.broadcast %broadcast_in_dim3A_18 : vector<1x4096xf32> to vector<512x4096xf32>
    %eq3A_19 = arith.cmpf oeq, %sub3A, %eq3A : vector<512x4096xf32>
    %convert_element_type3A = arith.extui %eq3A_19 : vector<512x4096xi1> to vector<512x4096xi32>
    %convert_element_type3A_20 = arith.sitofp %convert_element_type3A : vector<512x4096xi32> to vector<512x4096xf32>
    %iota3A = tpu.iota {dimensions = array<i32: 0>} : vector<8x512xi32>
    %iota3A_21 = tpu.iota {dimensions = array<i32: 1>} : vector<8x512xi32>
    %shift_right_arithmetic3A = arith.constant 4 : i32
    %shift_right_arithmetic3A_22 = vector.broadcast %shift_right_arithmetic3A : i32 to vector<8x512xi32>
    %shift_right_arithmetic3A_23 = arith.shrsi %iota3A_21, %shift_right_arithmetic3A_22 : vector<8x512xi32>
    %and3A = arith.constant 15 : i32
    %and3A_24 = vector.broadcast %and3A : i32 to vector<8x512xi32>
    %and3A_25 = arith.andi %iota3A_21, %and3A_24 : vector<8x512xi32>
    %mul3A_26 = arith.muli %shift_right_arithmetic3A_23, %shift_right_arithmetic3A_23 : vector<8x512xi32>
    %mul3A_27 = arith.muli %shift_right_arithmetic3A_23, %and3A_25 : vector<8x512xi32>
    %eq3A_28 = arith.constant 1 : i32
    %eq3A_29 = vector.broadcast %eq3A_28 : i32 to vector<8x512xi32>
    %eq3A_30 = arith.cmpi eq, %iota3A, %eq3A_29 : vector<8x512xi32>
    %eq3A_31 = arith.constant 2 : i32
    %eq3A_32 = vector.broadcast %eq3A_31 : i32 to vector<8x512xi32>
    %eq3A_33 = arith.cmpi eq, %iota3A, %eq3A_32 : vector<8x512xi32>
    %eq3A_34 = arith.constant 3 : i32
    %eq3A_35 = vector.broadcast %eq3A_34 : i32 to vector<8x512xi32>
    %eq3A_36 = arith.cmpi eq, %iota3A, %eq3A_35 : vector<8x512xi32>
    %shift_right_arithmetic3A_37 = arith.constant 2 : i32
    %shift_right_arithmetic3A_38 = vector.broadcast %shift_right_arithmetic3A_37 : i32 to vector<8x512xi32>
    %shift_right_arithmetic3A_39 = arith.shrsi %mul3A_26, %shift_right_arithmetic3A_38 : vector<8x512xi32>
    %eq3A_40 = arith.constant 4 : i32
    %eq3A_41 = vector.broadcast %eq3A_40 : i32 to vector<8x512xi32>
    %eq3A_42 = arith.cmpi eq, %iota3A, %eq3A_41 : vector<8x512xi32>
    %and3A_43 = arith.constant 3 : i32
    %and3A_44 = vector.broadcast %and3A_43 : i32 to vector<8x512xi32>
    %and3A_45 = arith.andi %mul3A_26, %and3A_44 : vector<8x512xi32>
    %eq3A_46 = arith.constant 5 : i32
    %eq3A_47 = vector.broadcast %eq3A_46 : i32 to vector<8x512xi32>
    %eq3A_48 = arith.cmpi eq, %iota3A, %eq3A_47 : vector<8x512xi32>
    %shift_right_arithmetic3A_49 = arith.constant 1 : i32
    %shift_right_arithmetic3A_50 = vector.broadcast %shift_right_arithmetic3A_49 : i32 to vector<8x512xi32>
    %shift_right_arithmetic3A_51 = arith.shrsi %mul3A_27, %shift_right_arithmetic3A_50 : vector<8x512xi32>
    %eq3A_52 = arith.constant 6 : i32
    %eq3A_53 = vector.broadcast %eq3A_52 : i32 to vector<8x512xi32>
    %eq3A_54 = arith.cmpi eq, %iota3A, %eq3A_53 : vector<8x512xi32>
    %and3A_55 = arith.constant 1 : i32
    %and3A_56 = vector.broadcast %and3A_55 : i32 to vector<8x512xi32>
    %and3A_57 = arith.andi %mul3A_27, %and3A_56 : vector<8x512xi32>
    %eq3A_58 = arith.constant 7 : i32
    %eq3A_59 = vector.broadcast %eq3A_58 : i32 to vector<8x512xi32>
    %eq3A_60 = arith.cmpi eq, %iota3A, %eq3A_59 : vector<8x512xi32>
    %mul3A_61 = arith.muli %and3A_25, %and3A_25 : vector<8x512xi32>
    %jit3A = arith.constant 1 : i32
    %broadcast_in_dim3A_62 = vector.broadcast %jit3A : i32 to vector<8x512xi32>
    %select_n3A = arith.select %eq3A_60, %mul3A_61, %broadcast_in_dim3A_62 : vector<8x512xi1>, vector<8x512xi32>
    %select_n3A_63 = arith.select %eq3A_54, %and3A_57, %select_n3A : vector<8x512xi1>, vector<8x512xi32>
    %select_n3A_64 = arith.select %eq3A_48, %shift_right_arithmetic3A_51, %select_n3A_63 : vector<8x512xi1>, vector<8x512xi32>
    %select_n3A_65 = arith.select %eq3A_42, %and3A_45, %select_n3A_64 : vector<8x512xi1>, vector<8x512xi32>
    %select_n3A_66 = arith.select %eq3A_36, %shift_right_arithmetic3A_39, %select_n3A_65 : vector<8x512xi1>, vector<8x512xi32>
    %select_n3A_67 = arith.select %eq3A_33, %and3A_25, %select_n3A_66 : vector<8x512xi1>, vector<8x512xi32>
    %select_n3A_68 = arith.select %eq3A_30, %shift_right_arithmetic3A_23, %select_n3A_67 : vector<8x512xi1>, vector<8x512xi32>
    %convert_element_type3A_69 = arith.sitofp %select_n3A_68 : vector<8x512xi32> to vector<8x512xf32>
    %dot_general3A_70 = arith.constant dense<0.000000e+00> : vector<8x4096xf32>
    %dot_general3A_71 = tpu.matmul %convert_element_type3A_69, %convert_element_type3A_20, %dot_general3A_70 {dimension_numbers = #tpu.dot_dimension_numbers<[1], [0], [0], [1], [0, 0, 1, 1], [], []>, transpose_lhs_hint = false} : vector<8x512xf32>, vector<512x4096xf32>, vector<8x4096xf32> -> vector<8x4096xf32>
    %slice3A = vector.extract_strided_slice %dot_general3A_71 {offsets = [0, 0], sizes = [1, 4096], strides = [1, 1]} : vector<8x4096xf32> to vector<1x4096xf32>
    %squeeze3A = vector.shape_cast %slice3A : vector<1x4096xf32> to vector<4096xf32>
    %slice3A_72 = vector.extract_strided_slice %dot_general3A_71 {offsets = [1, 0], sizes = [1, 4096], strides = [1, 1]} : vector<8x4096xf32> to vector<1x4096xf32>
    %squeeze3A_73 = vector.shape_cast %slice3A_72 : vector<1x4096xf32> to vector<4096xf32>
    %mul3A_74 = arith.constant 1.600000e+01 : f32
    %mul3A_75 = vector.broadcast %mul3A_74 : f32 to vector<4096xf32>
    %mul3A_76 = arith.mulf %mul3A_75, %squeeze3A_73 : vector<4096xf32>
    %slice3A_77 = vector.extract_strided_slice %dot_general3A_71 {offsets = [2, 0], sizes = [1, 4096], strides = [1, 1]} : vector<8x4096xf32> to vector<1x4096xf32>
    %squeeze3A_78 = vector.shape_cast %slice3A_77 : vector<1x4096xf32> to vector<4096xf32>
    %add3A_79 = arith.addf %mul3A_76, %squeeze3A_78 : vector<4096xf32>
    %slice3A_80 = vector.extract_strided_slice %dot_general3A_71 {offsets = [3, 0], sizes = [1, 4096], strides = [1, 1]} : vector<8x4096xf32> to vector<1x4096xf32>
    %squeeze3A_81 = vector.shape_cast %slice3A_80 : vector<1x4096xf32> to vector<4096xf32>
    %mul3A_82 = arith.constant 4.000000e+00 : f32
    %mul3A_83 = vector.broadcast %mul3A_82 : f32 to vector<4096xf32>
    %mul3A_84 = arith.mulf %mul3A_83, %squeeze3A_81 : vector<4096xf32>
    %slice3A_85 = vector.extract_strided_slice %dot_general3A_71 {offsets = [4, 0], sizes = [1, 4096], strides = [1, 1]} : vector<8x4096xf32> to vector<1x4096xf32>
    %squeeze3A_86 = vector.shape_cast %slice3A_85 : vector<1x4096xf32> to vector<4096xf32>
    %add3A_87 = arith.addf %mul3A_84, %squeeze3A_86 : vector<4096xf32>
    %mul3A_88 = arith.constant 2.560000e+02 : f32
    %mul3A_89 = vector.broadcast %mul3A_88 : f32 to vector<4096xf32>
    %mul3A_90 = arith.mulf %mul3A_89, %add3A_87 : vector<4096xf32>
    %slice3A_91 = vector.extract_strided_slice %dot_general3A_71 {offsets = [5, 0], sizes = [1, 4096], strides = [1, 1]} : vector<8x4096xf32> to vector<1x4096xf32>
    %squeeze3A_92 = vector.shape_cast %slice3A_91 : vector<1x4096xf32> to vector<4096xf32>
    %mul3A_93 = arith.constant 2.000000e+00 : f32
    %mul3A_94 = vector.broadcast %mul3A_93 : f32 to vector<4096xf32>
    %mul3A_95 = arith.mulf %mul3A_94, %squeeze3A_92 : vector<4096xf32>
    %slice3A_96 = vector.extract_strided_slice %dot_general3A_71 {offsets = [6, 0], sizes = [1, 4096], strides = [1, 1]} : vector<8x4096xf32> to vector<1x4096xf32>
    %squeeze3A_97 = vector.shape_cast %slice3A_96 : vector<1x4096xf32> to vector<4096xf32>
    %add3A_98 = arith.addf %mul3A_95, %squeeze3A_97 : vector<4096xf32>
    %mul3A_99 = arith.constant 3.200000e+01 : f32
    %mul3A_100 = vector.broadcast %mul3A_99 : f32 to vector<4096xf32>
    %mul3A_101 = arith.mulf %mul3A_100, %add3A_98 : vector<4096xf32>
    %add3A_102 = arith.addf %mul3A_90, %mul3A_101 : vector<4096xf32>
    %slice3A_103 = vector.extract_strided_slice %dot_general3A_71 {offsets = [7, 0], sizes = [1, 4096], strides = [1, 1]} : vector<8x4096xf32> to vector<1x4096xf32>
    %squeeze3A_104 = vector.shape_cast %slice3A_103 : vector<1x4096xf32> to vector<4096xf32>
    %add3A_105 = arith.addf %add3A_102, %squeeze3A_104 : vector<4096xf32>
    %add3A_106 = arith.addf %add3A_105, %add3A_105 : vector<4096xf32>
    %mul3A_107 = arith.mulf %add3A_79, %add3A_79 : vector<4096xf32>
    %sub3A_108 = arith.subf %add3A_106, %mul3A_107 : vector<4096xf32>
    %max3A = arith.constant 0.000000e+00 : f32
    %max3A_109 = vector.broadcast %max3A : f32 to vector<4096xf32>
    %max3A_110 = arith.maximumf %sub3A_108, %max3A_109 : vector<4096xf32>
    %sqrt3A = math.sqrt %max3A_110 : vector<4096xf32>
    %eq3A_111 = arith.constant 1.000000e+00 : f32
    %eq3A_112 = vector.broadcast %eq3A_111 : f32 to vector<4096xf32>
    %eq3A_113 = arith.cmpf oeq, %squeeze3A, %eq3A_112 : vector<4096xf32>
    %sub3A_114 = arith.subf %add3A_79, %sqrt3A : vector<4096xf32>
    %mul3A_115 = arith.constant 5.000000e-01 : f32
    %mul3A_116 = vector.broadcast %mul3A_115 : f32 to vector<4096xf32>
    %mul3A_117 = arith.mulf %sub3A_114, %mul3A_116 : vector<4096xf32>
    %select_n3A_118 = arith.select %eq3A_113, %add3A_79, %mul3A_117 : vector<4096xi1>, vector<4096xf32>
    %convert_element_type3A_119 = arith.fptosi %select_n3A_118 : vector<4096xf32> to vector<4096xi32>
    %reshape3A_120 = vector.shape_cast %convert_element_type3A_119 : vector<4096xi32> to vector<32x128xi32>
    %swap3A = arith.constant 0 : index
    %swap3A_121 = arith.constant 0 : index
    %swap3A_122 = vector.load %arg3[%swap3A, %swap3A_121] : memref<32x128xi32, #tpu.memory_space<vmem>>, vector<32x128xi32>
    tpu.vector_store %arg3[%swap3A, %swap3A_121], %reshape3A_120 {strides = array<i32>} : memref<32x128xi32, #tpu.memory_space<vmem>>, vector<32x128xi32>,
    return
  }
  func.func @transform_0(%arg0: i32) -> (i32, i32, i32, i32) {
    %c0_i32 = arith.constant 0 : i32
    %c0_i32_0 = arith.constant 0 : i32
    %c0_i32_1 = arith.constant 0 : i32
    %c0_i32_2 = arith.constant 0 : i32
    return %arg0, %c0_i32, %c0_i32_0, %c0_i32_1 : i32, i32, i32, i32
  }
  func.func @transform_1(%arg0: i32) -> (i32, i32) {
    %c0_i32 = arith.constant 0 : i32
    %c0_i32_0 = arith.constant 0 : i32
    %c0_i32_1 = arith.constant 0 : i32
    return %c0_i32, %c0_i32_0 : i32, i32
  }
  func.func @transform_2(%arg0: i32) -> (i32, i32) {
    %c0_i32 = arith.constant 0 : i32
    %c0_i32_0 = arith.constant 0 : i32
    return %arg0, %c0_i32 : i32, i32
  }
}

</mosaic_0001>

<sc_bundles>
// kernel: kernel.4.cloned.1.call-start
scs
__scs_entry_jumppad:
0x0: {  	(pc) =	sbr.rel $0x88, $3  }
0x1: {  	(tag) =	ssettag $0x0;
	lr =	simm.s32 $0x1  }
0x2: {  	[smem:$0x3F9F] =	sst lr;
	_ =	strace $0xD0000000  }
0x3: {  	_ = 	snop  }
0x4: {  	_ = 	snop  }
0x5: {  	_ = 	snop  }
0x6: {  	_ = 	snop  }
0x7: {  	_ = 	snop  }
__scs_overlays_trampoline_lowered:
0x8: {  	[smem:$0x3FAE] =	sst s0  }
0x9: {  	[smem:$0x3FAF] =	sst s1  }
0xa: {  	[smem:$0x3FB0] =	sst s2  }
0xb: {  	[smem:$0x3FB1] =	sst s3  }
0xc: {  	[smem:$0x3FB2] =	sst s4  }
0xd: {  	[smem:$0x3FB3] =	sst s5  }
0xe: {  	[smem:$0x3FB4] =	sst s6  }
0xf: {  	[smem:$0x3FB5] =	sst s7  }
0x10: {  	[smem:$0x3FB6] =	sst s8  }
0x11: {  	[smem:$0x3FB7] =	sst s9;
	s0 =	simm.s32 @!p0 $0x0  }
0x12: {  	s1 =	sld [smem:$0x3F9D];
	s0 =	simm.s32 @p0 $0x1  }
0x13: {  	[smem:$0x3FB8] =	sst s0;
	s0 =	simm.s32 @!p1 $0x0  }
0x14: {  	s2 =	sld [smem:$0x3F9C];
	s0 =	simm.s32 @p1 $0x1  }
0x15: {  	[smem:$0x3FB9] =	sst s0;
	s0 =	simm.s32 @!p2 $0x0  }
0x16: {  	s3 =	sld [smem:$0x3FDB];
	s0 =	simm.s32 @p2 $0x1  }
0x17: {  	s4 =	simm.s32 $0x1BF5;
	[smem:$0x3FBB] =	sst s0  }
0x18: {  	s0 =	sld [smem:$0x3F9E];
	_ =	swait.ge [sflag:s4], $0x0  }
0x19: {  	s7 =	sld [smem:$0x3F9F]  }
0x1a: {  	s8 =	sadd.s32 $0xFFFFE003, lr  }
0x1b: {  	s9 =	sadd.s32 $0xFFFFFEF7, lr;
	s5 =	simm.s32 $0xFFFFFFFF;
	p2 =	slt.u32 s8, $0xFFFFF086  }
0x1c: {  	p1 =	slt.u32 s9, $0xF7A;
	s5 =	simm.s32 @!p2 $0x0  }
0x1d: {  	s5 =	simm.s32 @p1 $0x1;
	p0 =	seq.s32 s7, s2  }
0x1e: {  	s7 =	smul.u32 @!p0 $0xF7A, s2;
	p2 =	seq.s32 @!p0 s5, $0x0  }
0x1f: {  	s9 =	smul.u32 $0xF7A, s1;
	s8 =	simm.s32 @!p0 $0x1BF5;
	p2 =	por !p2, p0  }
0x20: {  	[sflag:s8] =	ssyncset.s32 @!p0 $0xFFFFF086;
	s6 =	sadd.s32 @!p0 s3, s7;
	s7 =	simm.s32 @!p0 $0x108  }
0x21: {  	s3 =	sadd.s32 s3, s9;
	s6 =	sadd.s32 @!p0 $0x88, s6;
	s7 =	simm.s32 @p2 $0x1082  }
0x22: {  	[simem:s7], [sflag:s8] =	dma.local @!p0 [hbm:s6], $0xF7A  }
0x23: {  	s9 =	sor.u32 $0xD0000000, s2;
	s6 =	simm.s32 $0x108;
	_ =	swait.ge @!p0 [sflag:s8], $0x0  }
0x24: {  	s3 =	sadd.s32 $0x88, s3;
	s6 =	simm.s32 @!p1 $0x1082;
	[sflag:s4] =	ssyncset.s32 $0xFFFFF086  }
0x25: {  	[simem:s6], [sflag:s4] =	dma.local [hbm:s3], $0xF7A  }
0x26: {  	[smem:$0x3F9F] =	sst s1;
	(tag) =	ssettag s2;
	_ =	strace s9  }
0x27: {  	s1 =	sld [smem:$0x3FAF]  }
0x28: {  	s2 =	sld [smem:$0x3FB0]  }
0x29: {  	s4 =	sld [smem:$0x3FB2]  }
0x2a: {  	p0 =	seq.s32 s5, $0x0;
	s5 =	sld [smem:$0x3FB3]  }
0x2b: {  	s6 =	sld [smem:$0x3FB4]  }
0x2c: {  	s7 =	sld [smem:$0x3FB5]  }
0x2d: {  	s3 =	simm.s32 $0x108;
	s8 =	sld [smem:$0x3FB6]  }
0x2e: {  	s3 =	simm.s32 @!p0 $0x1082;
	s9 =	sld [smem:$0x3FB7]  }
0x2f: {  	lr =	sadd.s32 s0, s3;
	s0 =	sld [smem:$0x3FAE]  }
0x30: {  	s3 =	sld [smem:$0x3FB1]  }
0x31: {  	[smem:$0x3FBA] =	sst s10  }
0x32: {  	s10 =	sld [smem:$0x3FB8];
	_ =	sdelay $0x3  }
0x33: {  	p0 =	seq.s32 s10, $0x1;
	s10 =	sld [smem:$0x3FBA];
	_ =	sdelay $0x3  }
0x34: {  	[smem:$0x3FBA] =	sst s10  }
0x35: {  	s10 =	sld [smem:$0x3FB9];
	_ =	sdelay $0x3  }
0x36: {  	p1 =	seq.s32 s10, $0x1;
	s10 =	sld [smem:$0x3FBA];
	_ =	sdelay $0x3  }
0x37: {  	[smem:$0x3FBA] =	sst s10  }
0x38: {  	s10 =	sld [smem:$0x3FBB]  }
0x39: {  	_ = 	snop;
	(pc) =	sbr.ind lr, $3  }
0x3a: {  	_ = 	snop  }
0x3b: {  	_ = 	snop  }
0x3c: {  	p2 =	seq.s32 s10, $0x1;
	s10 =	sld [smem:$0x3FBA]  }
0x3d: {  	_ =	shalt  }
0x3e: {  	_ =	shalt  }
0x3f: {  	_ =	shalt  }
0x40: {  	_ =	shalt  }
0x41: {  	_ =	shalt  }
0x42: {  	_ =	shalt  }
0x43: {  	_ =	shalt  }
0x44: {  	_ =	shalt  }
0x45: {  	_ =	shalt  }
0x46: {  	_ =	shalt  }
0x47: {  	_ =	shalt  }
0x48: {  	_ =	shalt  }
0x49: {  	_ =	shalt  }
0x4a: {  	_ =	shalt  }
0x4b: {  	_ =	shalt  }
0x4c: {  	_ =	shalt  }
0x4d: {  	_ =	shalt  }
0x4e: {  	_ =	shalt  }
0x4f: {  	_ =	shalt  }
0x50: {  	_ =	shalt  }
0x51: {  	_ =	shalt  }
0x52: {  	_ =	shalt  }
0x53: {  	_ =	shalt  }
0x54: {  	_ =	shalt  }
0x55: {  	_ =	shalt  }
0x56: {  	_ =	shalt  }
0x57: {  	_ =	shalt  }
0x58: {  	_ =	shalt  }
0x59: {  	_ =	shalt  }
0x5a: {  	_ =	shalt  }
0x5b: {  	_ =	shalt  }
0x5c: {  	_ =	shalt  }
0x5d: {  	_ =	shalt  }
0x5e: {  	_ =	shalt  }
0x5f: {  	_ =	shalt  }
0x60: {  	_ =	shalt  }
0x61: {  	_ =	shalt  }
0x62: {  	_ =	shalt  }
0x63: {  	_ =	shalt  }
0x64: {  	_ =	shalt  }
0x65: {  	_ =	shalt  }
0x66: {  	_ =	shalt  }
0x67: {  	_ =	shalt  }
0x68: {  	_ =	shalt  }
0x69: {  	_ =	shalt  }
0x6a: {  	_ =	shalt  }
0x6b: {  	_ =	shalt  }
0x6c: {  	_ =	shalt  }
0x6d: {  	_ =	shalt  }
0x6e: {  	_ =	shalt  }
0x6f: {  	_ =	shalt  }
0x70: {  	_ =	shalt  }
0x71: {  	_ =	shalt  }
0x72: {  	_ =	shalt  }
0x73: {  	_ =	shalt  }
0x74: {  	_ =	shalt  }
0x75: {  	_ =	shalt  }
0x76: {  	_ =	shalt  }
0x77: {  	_ =	shalt  }
0x78: {  	_ =	shalt  }
0x79: {  	_ =	shalt  }
0x7a: {  	_ =	shalt  }
0x7b: {  	_ =	shalt  }
0x7c: {  	_ =	shalt  }
0x7d: {  	_ =	shalt  }
0x7e: {  	_ =	shalt  }
0x7f: {  	_ =	shalt  }
0x80: {  	_ =	shalt  }
0x81: {  	_ =	shalt  }
0x82: {  	_ =	shalt  }
0x83: {  	_ =	shalt  }
0x84: {  	_ =	shalt  }
0x85: {  	_ =	shalt  }
0x86: {  	_ =	shalt  }
0x87: {  	_ =	shalt  }
.Lfunc_end0:
.L_simem_size_0:
called_computation_lowered:
.L_overlay_start_0:
0x88: {  	s2 =	sld [smem:$0x3FD9]  }
0x89: {  	s3 =	sld [smem:$0x3FFE];
	_ =	sdelay $0x1  }
0x8a: {  	s1 =	srdreg.scid  }
0x8b: {  	s0 =	sand.u32 $0x1, s1  }
0x8c: {  	s17 =	sshll.u32 s0, $0xA;
	s2 =	sadd.s32 s3, s2  }
0x8d: {  	s2 =	sadd.s32 s2, s17  }
0x8e: {  	[smem:$0x3FC6] =	sst s2  }
0x8f: {  	_ = 	snop  }
0x90: {  	s2 =	sld [smem:$0x3FD0];
	(tm) =	ssettm $0x1  }
0x91: {  	s18 =	sld [smem:$0x3FFB];
	_ =	sdelay $0x3  }
0x92: {  	_ =	strace s18  }
0x93: {  	s3 =	sld [smem:$0x3FFC];
	_ =	sdelay $0x3  }
0x94: {  	_ =	strace s3  }
0x95: {  	s3 =	sld [smem:$0x3FFD];
	_ =	sdelay $0x3  }
0x96: {  	_ =	strace s3  }
0x97: {  	_ =	strace $0x8FFFFFFF  }
0x98: {  	s19 =	sld [smem:$0x3FDB];
	_ =	sdelay $0x1  }
0x99: {  	s4 =	simm.s32 $_scs_section_size  }
0x9a: {  	s5 =	simm.s32 $_size__tile_overlayer_lowered;
	s6 =	simm.s32 $_tile_overlayer_lowered  }
0x9b: {  	s22 =	simm.s32 $0x1BFF;
	s21 =	sshll.u32 s6, $0x1;
	s3 =	sadd.s32 s4, s19  }
0x9c: {  	s7 =	simm.s32 $0x0;
	s20 =	sshll.u32 s5, $0x1;
	s5 =	sadd.s32 s21, s3  }
0x9d: {  	[timem:s7], [sflag:s22] =	dma.local [hbm:s5], s20  }
0x9e: {  	_ =	swait.ge [sflag:s22], s20  }
0x9f: {  	s4 =	ssub.s32 $0x0, s20;
	[sflag:s22] =	ssyncset.done $0x0  }
0xa0: {  	[sflag:s22] =	ssyncadd.s32 s4;
	_ =	sdelay $0x1  }
0xa1: {  	s23 =	simm.s32 $0x1B8B  }
0xa2: {  	_ =	swait.ge [sflag:s23], $0x1  }
0xa3: {  	[sflag:s23] =	ssyncset.done $0x0  }
0xa4: {  	s25 =	simm.s32 $0x1B8E;
	s24 =	sld [smem:$0x3FFE];
	[sflag:s23] =	ssyncadd.s32 $0xFFFFFFFF  }
0xa5: {  	s26 =	simm.s32 $execute0_lowered;
	[smem:$0x3FD2] =	sst s25  }
0xa6: {  	s5 =	sshll.u32 s26, $0x1;
	_ =	strace $0x80000046;
	[dreg:$0x1] =	wrdreg $0xFFFFFFFF  }
0xa7: {  	s28 =	simm.s32 $_size_execute0_lowered;
	s3 =	sadd.s32 s3, s5;
	[dreg:$0x0] =	wrdreg $0x0  }
0xa8: {  	s5 =	sshll.u32 s28, $0x1;
	[dreg:$0x2] =	wrdreg s3  }
0xa9: {  	[dreg:$0x3] =	wrdreg s5  }
0xaa: {  	[dreg:$0x4] =	wrdreg $0xC0  }
0xab: {  	_ =	task [dreg:s7], $0x5FFFF  }
0xac: {  	[dreg:$0x1] =	wrdreg $0xFFFFFFFF  }
0xad: {  	[dreg:$0x0] =	wrdreg $0x60  }
0xae: {  	[dreg:$0x2] =	wrdreg s24  }
0xaf: {  	[dreg:$0x3] =	wrdreg s2  }
0xb0: {  	[dreg:$0x4] =	wrdreg $0x9  }
0xb1: {  	_ =	task.clear_ibuf [dreg:s7], $0x5FFFF;
	_ =	strace $0x90000046  }
0xb2: {  	s29 =	simm.s32 $0x9;
	_ =	strace $0x80000048  }
0xb3: {  	_ =	swait.ge [sflag:s29], $0x1  }
0xb4: {  	[sflag:s29] =	ssyncadd.s32 $0xFFFFFFFF  }
0xb5: {  	_ =	strace $0x90000048  }
0xb6: {  	_ =	sfence  }
0xb7: {  	s30 =	sld [smem:$0x0];
	_ =	sdelay $0x2  }
0xb8: {  	s31 =	sshll.u32 s1, $0xD;
	s1 =	sshrl.u32 s1, $0x2  }
0xb9: {  	s3 =	sand.u32 $0x4000, s31;
	s1 =	sadd.s32 s1, s30  }
0xba: {  	s0 =	sor.u32 s3, s0;
	s1 =	sshll.u32 s1, $0x11  }
0xbb: {  	s0 =	sor.u32 s1, s0  }
0xbc: {  	s0 =	sadd.s32 $0x8F2B, s0  }
0xbd: {  	[sflag:s0] =	ssyncadd.remote.s32 $0x1  }
0xbe: {  	_ =	sfence.sel $0xFFFF  }
0xbf: {  	[dreg:$0x0] =	wrdreg $0xFFFFFFFF;
	(pc) =	sbr.abs _section_cstart, $3  }
0xc0: {  	[dreg:$0x1] =	wrdreg $0xFFFFFFFF  }
0xc1: {  	_ =	task.clear_ibuf [dreg:s7], $0x2FFFF;
	_ =	strace $0x9FFFFFFF  }
0xc2: {  	(tm) =	ssettm $0x7FFFFFFF  }
0xc3: {  	_ =	shalt  }
tec
execute0_lowered:
.L_overlay_start_1:
0x0: {  	(tag) =	ssettag $0x1  }
0x1: {  	s0 =	srdreg.scid;
	s6 =	stileid.u32  }
0x2: {  	s0 =	sand.u32 $0x1, s0;
	s1 =	sshll.u32 s6, $0x1  }
0x3: {  	s1 =	sor.u32 s0, s1  }
0x4: {  	s3 =	rddreg [dreg:$0x0];
	p1 =	seq.s32 s0, $0x1;
	p0 =	seq.s32 s1, $0x0  }
0x5: {  	s5 =	rddreg [dreg:$0x1];
	s2 =	simm.s32 $0x0;
	p0 =	por !p0, !p1  }
0x6: {  	s4 =	simm.s32 $0x1;
	[smem:$0x7FF] =	sst s2;
	p0 =	por !p0, !p0  }
0x7: {  	_ =	strace $0x80000047;
	s30 =	sshll.u32 s0, $0xC;
	s4 =	simm.s32 @!p0 $0x0  }
0x8: {  	s0 =	ssub.s32 $0x2, s0;
	s1 =	sshll.u32 s1, $0x8;
	s4 =	ssub.s32 s6, s4  }
0x9: {  	s31 =	sshrl.u32 s0, $0x1;
	s1 =	sadd.s32 s1, s3;
	s4 =	sshll.u32 s4, $0x12  }
0xa: {  	s3 =	sadd.s32 $0x800, s3;
	s0 =	ssub.s32 s0, s31;
	s4 =	sor.u32 s30, s4  }
0xb: {  	[dreg:$0x3] =	wrdreg s3;
	s1 =	sadd.s32 $0x1000, s1;
	s6 =	sshrl.u32 s4, $0x3  }
0xc: {  	s0 =	smax.u32 s0, $0x1;
	[dreg:$0x4] =	wrdreg s1;
	s5 =	sadd.s32 s5, s6  }
0xd: {  	[dreg:$0x17] =	wrdreg s0;
	s3 =	sadd.s32 $0x400, s5  }
0xe: {  	s6 =	sadd.s32 $0x800, s5;
	[dreg:$0x5] =	wrdreg s3  }
0xf: {  	s7 =	sadd.s32 $0xC00, s5;
	[dreg:$0x6] =	wrdreg s6  }
0x10: {  	s8 =	sadd.s32 $0x1000, s5;
	[dreg:$0x7] =	wrdreg s7  }
0x11: {  	s9 =	sadd.s32 $0x1400, s5;
	[dreg:$0x8] =	wrdreg s8  }
0x12: {  	s10 =	sadd.s32 $0x1800, s5;
	[dreg:$0x9] =	wrdreg s9  }
0x13: {  	s11 =	sadd.s32 $0x1C00, s5;
	[dreg:$0xa] =	wrdreg s10  }
0x14: {  	s12 =	sadd.s32 $0x2000, s5;
	[dreg:$0xb] =	wrdreg s11  }
0x15: {  	s13 =	sadd.s32 $0x2400, s5;
	[dreg:$0xc] =	wrdreg s12  }
0x16: {  	s14 =	sadd.s32 $0x2800, s5;
	[dreg:$0xd] =	wrdreg s13  }
0x17: {  	s15 =	sadd.s32 $0x2C00, s5;
	[dreg:$0xe] =	wrdreg s14  }
0x18: {  	s16 =	sadd.s32 $0x3000, s5;
	[dreg:$0xf] =	wrdreg s15  }
0x19: {  	s17 =	sadd.s32 $0x3400, s5;
	[dreg:$0x10] =	wrdreg s16  }
0x1a: {  	s18 =	sadd.s32 $0x3800, s5;
	[dreg:$0x11] =	wrdreg s17  }
0x1b: {  	s19 =	sadd.s32 $0x3C00, s5;
	[dreg:$0x12] =	wrdreg s18  }
0x1c: {  	s20 =	sadd.s32 $0x4000, s5;
	[dreg:$0x13] =	wrdreg s19  }
0x1d: {  	s21 =	sadd.s32 $0x4400, s5;
	[dreg:$0x14] =	wrdreg s20  }
0x1e: {  	s22 =	sadd.s32 $0x4800, s5;
	[dreg:$0x15] =	wrdreg s21  }
0x1f: {  	s23 =	sadd.s32 $0x4C00, s5;
	[dreg:$0x16] =	wrdreg s22  }
0x20: {  	s24 =	sadd.s32 $0x5000, s5;
	[dreg:$0x18] =	wrdreg s23  }
0x21: {  	s28 =	simm.s32 $0x13800;
	s25 =	sadd.s32 $0x5400, s5;
	[dreg:$0x19] =	wrdreg s24  }
0x22: {  	s29 =	simm.s32 $0x0;
	s26 =	sadd.s32 $0x5800, s5;
	[dreg:$0x1a] =	wrdreg s25  }
0x23: {  	s4 =	simm.s32 $0x1;
	s30 =	sadd.s32 $0x5C00, s5;
	[dreg:$0x1b] =	wrdreg s26  }
0x24: {  	s31 =	sadd.s32 $0x6000, s5;
	s0 =	sadd.s32 $0x6400, s5;
	[dreg:$0x1c] =	wrdreg s30  }
0x25: {  	[dreg:$0x1d] =	wrdreg s31;
	s3 =	sadd.s32 $0x6800, s5;
	s6 =	sadd.s32 $0x6C00, s5  }
0x26: {  	s7 =	sadd.s32 $0x7000, s5;
	s8 =	sadd.s32 $0x7400, s5;
	s9 =	sadd.s32 $0x7800, s5  }
0x27: {  	s10 =	sadd.s32 $0x7C00, s5;
	s11 =	simm.s32 $0x800;
	s14 =	simm.s32 $0x6800  }
0x28: {  	s15 =	simm.s32 $0x7800;
	s16 =	simm.s32 $0x8800;
	s17 =	simm.s32 $0x9800  }
0x29: {  	s18 =	simm.s32 $0xA800;
	s19 =	simm.s32 $0xB800;
	s20 =	simm.s32 $0xC800  }
0x2a: {  	s21 =	simm.s32 $0xD800;
	s22 =	simm.s32 $0xE800;
	s23 =	simm.s32 $0xF800  }
0x2b: {  	s24 =	simm.s32 $0x10800;
	s25 =	simm.s32 $0x11800;
	s26 =	simm.s32 $0x12800  }
.LBB2_1:
0x2c: {  	s1 =	rddreg [dreg:$0x4]  }
0x2d: {  	[tilespmem:s2], [sflag:$0x1] =	stream.linear.gather [hbm4b:s1+s2], $0x800, $0x38;
	[tilespmem:$0x14800] =	vst v63  }
0x2e: {  	_ =	swait.ge [sflag:s4], $0x800  }
0x2f: {  	[sflag:s4] =	ssyncset.done $0x0  }
0x30: {  	s12 =	rddreg [dreg:$0x3];
	[sflag:s4] =	ssyncadd.s32 $0xFFFFF800  }
0x31: {  	[tilespmem:s11], [sflag:$0x1] =	stream.linear.gather [hbm4b:s12+s2], $0x4000, $0x38;
	[tilespmem:$0x14800] =	vst v63  }
0x32: {  	_ =	swait.ge [sflag:s4], $0x4000  }
0x33: {  	[sflag:s4] =	ssyncset.done $0x0  }
0x34: {  	[sflag:s4] =	ssyncadd.s32 $0xFFFFC000  }
0x35: {  	v0 =	vld [tilespmem:s2+$0x0];
	_ =	sdelay $0x7  }
0x36: {  	v1 =	vld.idx.msk [tilespmem:v0+s11+$0x0], $0xffff  }
0x37: {  	v2 =	vadd.s32 $0x200, v0;
	_ =	sdelay $0x1  }
0x38: {  	s13 =	sand.u32 $0x30, s2;
	s12 =	sand.u32 $0xF80, s2  }
0x39: {  	s30 =	sor.u32 s13, s12  }
0x3a: {  	[tilespmem:s30+$0x4800] =	vst v1  }
0x3b: {  	v1 =	vld.idx.msk [tilespmem:v2+s11+$0x0], $0xffff  }
0x3c: {  	v2 =	vadd.s32 $0x400, v0;
	_ =	sdelay $0x3  }
0x3d: {  	[tilespmem:s30+$0x5800] =	vst v1  }
0x3e: {  	v1 =	vld.idx.msk [tilespmem:v2+s11+$0x0], $0xffff  }
0x3f: {  	v2 =	vadd.s32 $0x600, v0;
	_ =	sdelay $0x3  }
0x40: {  	[tilespmem:s30+$0x6800] =	vst v1  }
0x41: {  	v1 =	vld.idx.msk [tilespmem:v2+s11+$0x0], $0xffff  }
0x42: {  	v2 =	vadd.s32 $0x800, v0;
	_ =	sdelay $0x3  }
0x43: {  	[tilespmem:s30+$0x7800] =	vst v1  }
0x44: {  	v1 =	vld.idx.msk [tilespmem:v2+s11+$0x0], $0xffff  }
0x45: {  	v2 =	vadd.s32 $0xA00, v0;
	_ =	sdelay $0x3  }
0x46: {  	[tilespmem:s30+$0x8800] =	vst v1  }
0x47: {  	v1 =	vld.idx.msk [tilespmem:v2+s11+$0x0], $0xffff  }
0x48: {  	v2 =	vadd.s32 $0xC00, v0;
	_ =	sdelay $0x3  }
0x49: {  	[tilespmem:s30+$0x9800] =	vst v1  }
0x4a: {  	v1 =	vld.idx.msk [tilespmem:v2+s11+$0x0], $0xffff  }
0x4b: {  	v2 =	vadd.s32 $0xE00, v0;
	_ =	sdelay $0x3  }
0x4c: {  	[tilespmem:s30+$0xA800] =	vst v1  }
0x4d: {  	v1 =	vld.idx.msk [tilespmem:v2+s11+$0x0], $0xffff  }
0x4e: {  	v2 =	vadd.s32 $0x1000, v0;
	_ =	sdelay $0x3  }
0x4f: {  	[tilespmem:s30+$0xB800] =	vst v1  }
0x50: {  	v1 =	vld.idx.msk [tilespmem:v2+s11+$0x0], $0xffff  }
0x51: {  	v2 =	vadd.s32 $0x1200, v0;
	_ =	sdelay $0x3  }
0x52: {  	[tilespmem:s30+$0xC800] =	vst v1  }
0x53: {  	v1 =	vld.idx.msk [tilespmem:v2+s11+$0x0], $0xffff  }
0x54: {  	v2 =	vadd.s32 $0x1400, v0;
	_ =	sdelay $0x3  }
0x55: {  	[tilespmem:s30+$0xD800] =	vst v1  }
0x56: {  	v1 =	vld.idx.msk [tilespmem:v2+s11+$0x0], $0xffff  }
0x57: {  	v2 =	vadd.s32 $0x1600, v0;
	_ =	sdelay $0x3  }
0x58: {  	[tilespmem:s30+$0xE800] =	vst v1  }
0x59: {  	v1 =	vld.idx.msk [tilespmem:v2+s11+$0x0], $0xffff  }
0x5a: {  	v2 =	vadd.s32 $0x1800, v0;
	_ =	sdelay $0x3  }
0x5b: {  	[tilespmem:s30+$0xF800] =	vst v1  }
0x5c: {  	v1 =	vld.idx.msk [tilespmem:v2+s11+$0x0], $0xffff  }
0x5d: {  	v2 =	vadd.s32 $0x1A00, v0;
	_ =	sdelay $0x3  }
0x5e: {  	[tilespmem:s30+$0x10800] =	vst v1  }
0x5f: {  	v1 =	vld.idx.msk [tilespmem:v2+s11+$0x0], $0xffff  }
0x60: {  	v2 =	vadd.s32 $0x1C00, v0;
	_ =	sdelay $0x3  }
0x61: {  	[tilespmem:s30+$0x11800] =	vst v1  }
0x62: {  	v1 =	vld.idx.msk [tilespmem:v2+s11+$0x0], $0xffff  }
0x63: {  	v0 =	vadd.s32 $0x1E00, v0;
	_ =	sdelay $0x3  }
0x64: {  	[tilespmem:s30+$0x12800] =	vst v1  }
0x65: {  	s31 =	simm.s32 $0x0;
	s1 =	simm.s32 $0x0;
	s12 =	simm.s32 $0x20;
	v0 =	vld.idx.msk [tilespmem:v0+s11+$0x0], $0xffff  }
.LBB2_2:
0x66: {  	_ =	sdelay $0x3  }
0x67: {  	p0 =	sne.s32 s12, $0xFE0;
	s1 =	sadd.s32 $0x10, s1;
	s31 =	sadd.s32 $0x10, s31;
	[tilespmem:s30+$0x13800] =	vst v0  }
0x68: {  	s30 =	smov.u32 s12;
	s12 =	sadd.s32 $0x20, s12;
	v0 =	vld [tilespmem:s1+$0x0];
	_ =	sdelay $0x7  }
0x69: {  	v1 =	vld.idx.msk [tilespmem:v0+s11+$0x0], $0xffff;
	_ =	sdelay $0x1  }
0x6a: {  	v2 =	vadd.s32 $0x200, v0;
	_ =	sdelay $0x1  }
0x6b: {  	s13 =	sand.u32 $0x30, s31;
	s30 =	sand.u32 $0xF80, s30  }
0x6c: {  	s30 =	sor.u32 s13, s30  }
0x6d: {  	[tilespmem:s30+$0x4800] =	vst v1  }
0x6e: {  	v1 =	vld.idx.msk [tilespmem:v2+s11+$0x0], $0xffff;
	_ =	sdelay $0x1  }
0x6f: {  	v2 =	vadd.s32 $0x400, v0;
	_ =	sdelay $0x3  }
0x70: {  	[tilespmem:s30+$0x5800] =	vst v1  }
0x71: {  	v1 =	vld.idx.msk [tilespmem:v2+s11+$0x0], $0xffff;
	_ =	sdelay $0x1  }
0x72: {  	v2 =	vadd.s32 $0x600, v0;
	_ =	sdelay $0x3  }
0x73: {  	[tilespmem:s30+$0x6800] =	vst v1  }
0x74: {  	v1 =	vld.idx.msk [tilespmem:v2+s11+$0x0], $0xffff;
	_ =	sdelay $0x1  }
0x75: {  	v2 =	vadd.s32 $0x800, v0;
	_ =	sdelay $0x3  }
0x76: {  	[tilespmem:s30+$0x7800] =	vst v1  }
0x77: {  	v1 =	vld.idx.msk [tilespmem:v2+s11+$0x0], $0xffff;
	_ =	sdelay $0x1  }
0x78: {  	v2 =	vadd.s32 $0xA00, v0;
	_ =	sdelay $0x3  }
0x79: {  	[tilespmem:s30+$0x8800] =	vst v1  }
0x7a: {  	v1 =	vld.idx.msk [tilespmem:v2+s11+$0x0], $0xffff;
	_ =	sdelay $0x1  }
0x7b: {  	v2 =	vadd.s32 $0xC00, v0;
	_ =	sdelay $0x3  }
0x7c: {  	[tilespmem:s30+$0x9800] =	vst v1  }
0x7d: {  	v1 =	vld.idx.msk [tilespmem:v2+s11+$0x0], $0xffff;
	_ =	sdelay $0x1  }
0x7e: {  	v2 =	vadd.s32 $0xE00, v0;
	_ =	sdelay $0x3  }
0x7f: {  	[tilespmem:s30+$0xA800] =	vst v1  }
0x80: {  	v1 =	vld.idx.msk [tilespmem:v2+s11+$0x0], $0xffff;
	_ =	sdelay $0x1  }
0x81: {  	v2 =	vadd.s32 $0x1000, v0;
	_ =	sdelay $0x3  }
0x82: {  	[tilespmem:s30+$0xB800] =	vst v1  }
0x83: {  	v1 =	vld.idx.msk [tilespmem:v2+s11+$0x0], $0xffff;
	_ =	sdelay $0x1  }
0x84: {  	v2 =	vadd.s32 $0x1200, v0;
	_ =	sdelay $0x3  }
0x85: {  	[tilespmem:s30+$0xC800] =	vst v1  }
0x86: {  	v1 =	vld.idx.msk [tilespmem:v2+s11+$0x0], $0xffff;
	_ =	sdelay $0x1  }
0x87: {  	v2 =	vadd.s32 $0x1400, v0;
	_ =	sdelay $0x3  }
0x88: {  	[tilespmem:s30+$0xD800] =	vst v1  }
0x89: {  	v1 =	vld.idx.msk [tilespmem:v2+s11+$0x0], $0xffff;
	_ =	sdelay $0x1  }
0x8a: {  	v2 =	vadd.s32 $0x1600, v0;
	_ =	sdelay $0x3  }
0x8b: {  	[tilespmem:s30+$0xE800] =	vst v1  }
0x8c: {  	v1 =	vld.idx.msk [tilespmem:v2+s11+$0x0], $0xffff;
	_ =	sdelay $0x1  }
0x8d: {  	v2 =	vadd.s32 $0x1800, v0;
	_ =	sdelay $0x3  }
0x8e: {  	[tilespmem:s30+$0xF800] =	vst v1  }
0x8f: {  	v1 =	vld.idx.msk [tilespmem:v2+s11+$0x0], $0xffff;
	_ =	sdelay $0x1  }
0x90: {  	v2 =	vadd.s32 $0x1A00, v0;
	_ =	sdelay $0x3  }
0x91: {  	[tilespmem:s30+$0x10800] =	vst v1  }
0x92: {  	v1 =	vld.idx.msk [tilespmem:v2+s11+$0x0], $0xffff;
	_ =	sdelay $0x1  }
0x93: {  	v2 =	vadd.s32 $0x1C00, v0;
	_ =	sdelay $0x3  }
0x94: {  	[tilespmem:s30+$0x11800] =	vst v1  }
0x95: {  	v1 =	vld.idx.msk [tilespmem:v2+s11+$0x0], $0xffff;
	_ =	sdelay $0x1  }
0x96: {  	v0 =	vadd.s32 $0x1E00, v0  }
.Ltmp0:
0x97: {  	(pc) =	sbr.rel @p0 .LBB2_2-.Ltmp0, $3  }
0x98: {  	_ =	sdelay $0x1  }
0x99: {  	[tilespmem:s30+$0x12800] =	vst v1  }
0x9a: {  	v0 =	vld.idx.msk [tilespmem:v0+s11+$0x0], $0xffff  }
0x9b: {  	_ =	sdelay $0x3  }
0x9c: {  	s1 =	simm.s32 $0x4800;
	[tilespmem:s30+$0x13800] =	vst v0;
	s30 =	simm.s32 $0x0  }
0x9d: {  	[hbm4b:s5+s30] =	stream.linear.scatter [tilespmem:s1], [sflag:$0x1], $0x1000, $0x38;
	[tilespmem:$0x14800] =	vst v63  }
0x9e: {  	_ =	swait.ge [sflag:s4], $0x1000  }
0x9f: {  	[sflag:s4] =	ssyncset.done $0x0  }
0xa0: {  	s12 =	simm.s32 $0x5800;
	s13 =	rddreg [dreg:$0x5];
	[sflag:s4] =	ssyncadd.s32 $0xFFFFF000  }
0xa1: {  	[hbm4b:s13+s30] =	stream.linear.scatter [tilespmem:s12], [sflag:$0x1], $0x1000, $0x38;
	[tilespmem:$0x14800] =	vst v63  }
0xa2: {  	_ =	swait.ge [sflag:s4], $0x1000  }
0xa3: {  	[sflag:s4] =	ssyncset.done $0x0  }
0xa4: {  	s12 =	rddreg [dreg:$0x6];
	[sflag:s4] =	ssyncadd.s32 $0xFFFFF000  }
0xa5: {  	[hbm4b:s12+s30] =	stream.linear.scatter [tilespmem:s14], [sflag:$0x1], $0x1000, $0x38;
	[tilespmem:$0x14800] =	vst v63  }
0xa6: {  	_ =	swait.ge [sflag:s4], $0x1000  }
0xa7: {  	[sflag:s4] =	ssyncset.done $0x0  }
0xa8: {  	s13 =	rddreg [dreg:$0x7];
	[sflag:s4] =	ssyncadd.s32 $0xFFFFF000  }
0xa9: {  	[hbm4b:s13+s30] =	stream.linear.scatter [tilespmem:s15], [sflag:$0x1], $0x1000, $0x38;
	[tilespmem:$0x14800] =	vst v63  }
0xaa: {  	_ =	swait.ge [sflag:s4], $0x1000  }
0xab: {  	[sflag:s4] =	ssyncset.done $0x0  }
0xac: {  	s12 =	rddreg [dreg:$0x8];
	[sflag:s4] =	ssyncadd.s32 $0xFFFFF000  }
0xad: {  	[hbm4b:s12+s30] =	stream.linear.scatter [tilespmem:s16], [sflag:$0x1], $0x1000, $0x38;
	[tilespmem:$0x14800] =	vst v63  }
0xae: {  	_ =	swait.ge [sflag:s4], $0x1000  }
0xaf: {  	[sflag:s4] =	ssyncset.done $0x0  }
0xb0: {  	s13 =	rddreg [dreg:$0x9];
	[sflag:s4] =	ssyncadd.s32 $0xFFFFF000  }
0xb1: {  	[hbm4b:s13+s30] =	stream.linear.scatter [tilespmem:s17], [sflag:$0x1], $0x1000, $0x38;
	[tilespmem:$0x14800] =	vst v63  }
0xb2: {  	_ =	swait.ge [sflag:s4], $0x1000  }
0xb3: {  	[sflag:s4] =	ssyncset.done $0x0  }
0xb4: {  	s12 =	rddreg [dreg:$0xa];
	[sflag:s4] =	ssyncadd.s32 $0xFFFFF000  }
0xb5: {  	[hbm4b:s12+s30] =	stream.linear.scatter [tilespmem:s18], [sflag:$0x1], $0x1000, $0x38;
	[tilespmem:$0x14800] =	vst v63  }
0xb6: {  	_ =	swait.ge [sflag:s4], $0x1000  }
0xb7: {  	[sflag:s4] =	ssyncset.done $0x0  }
0xb8: {  	s13 =	rddreg [dreg:$0xb];
	[sflag:s4] =	ssyncadd.s32 $0xFFFFF000  }
0xb9: {  	[hbm4b:s13+s30] =	stream.linear.scatter [tilespmem:s19], [sflag:$0x1], $0x1000, $0x38;
	[tilespmem:$0x14800] =	vst v63  }
0xba: {  	_ =	swait.ge [sflag:s4], $0x1000  }
0xbb: {  	[sflag:s4] =	ssyncset.done $0x0  }
0xbc: {  	s12 =	rddreg [dreg:$0xc];
	[sflag:s4] =	ssyncadd.s32 $0xFFFFF000  }
0xbd: {  	[hbm4b:s12+s30] =	stream.linear.scatter [tilespmem:s20], [sflag:$0x1], $0x1000, $0x38;
	[tilespmem:$0x14800] =	vst v63  }
0xbe: {  	_ =	swait.ge [sflag:s4], $0x1000  }
0xbf: {  	[sflag:s4] =	ssyncset.done $0x0  }
0xc0: {  	s13 =	rddreg [dreg:$0xd];
	[sflag:s4] =	ssyncadd.s32 $0xFFFFF000  }
0xc1: {  	[hbm4b:s13+s30] =	stream.linear.scatter [tilespmem:s21], [sflag:$0x1], $0x1000, $0x38;
	[tilespmem:$0x14800] =	vst v63  }
0xc2: {  	_ =	swait.ge [sflag:s4], $0x1000  }
0xc3: {  	[sflag:s4] =	ssyncset.done $0x0  }
0xc4: {  	s12 =	rddreg [dreg:$0xe];
	[sflag:s4] =	ssyncadd.s32 $0xFFFFF000  }
0xc5: {  	[hbm4b:s12+s30] =	stream.linear.scatter [tilespmem:s22], [sflag:$0x1], $0x1000, $0x38;
	[tilespmem:$0x14800] =	vst v63  }
0xc6: {  	_ =	swait.ge [sflag:s4], $0x1000  }
0xc7: {  	[sflag:s4] =	ssyncset.done $0x0  }
0xc8: {  	s13 =	rddreg [dreg:$0xf];
	[sflag:s4] =	ssyncadd.s32 $0xFFFFF000  }
0xc9: {  	[hbm4b:s13+s30] =	stream.linear.scatter [tilespmem:s23], [sflag:$0x1], $0x1000, $0x38;
	[tilespmem:$0x14800] =	vst v63  }
0xca: {  	_ =	swait.ge [sflag:s4], $0x1000  }
0xcb: {  	[sflag:s4] =	ssyncset.done $0x0  }
0xcc: {  	s12 =	rddreg [dreg:$0x10];
	[sflag:s4] =	ssyncadd.s32 $0xFFFFF000  }
0xcd: {  	[hbm4b:s12+s30] =	stream.linear.scatter [tilespmem:s24], [sflag:$0x1], $0x1000, $0x38;
	[tilespmem:$0x14800] =	vst v63  }
0xce: {  	_ =	swait.ge [sflag:s4], $0x1000  }
0xcf: {  	[sflag:s4] =	ssyncset.done $0x0  }
0xd0: {  	s13 =	rddreg [dreg:$0x11];
	[sflag:s4] =	ssyncadd.s32 $0xFFFFF000  }
0xd1: {  	[hbm4b:s13+s30] =	stream.linear.scatter [tilespmem:s25], [sflag:$0x1], $0x1000, $0x38;
	[tilespmem:$0x14800] =	vst v63  }
0xd2: {  	_ =	swait.ge [sflag:s4], $0x1000  }
0xd3: {  	[sflag:s4] =	ssyncset.done $0x0  }
0xd4: {  	s12 =	rddreg [dreg:$0x12];
	[sflag:s4] =	ssyncadd.s32 $0xFFFFF000  }
0xd5: {  	[hbm4b:s12+s30] =	stream.linear.scatter [tilespmem:s26], [sflag:$0x1], $0x1000, $0x38;
	[tilespmem:$0x14800] =	vst v63  }
0xd6: {  	_ =	swait.ge [sflag:s4], $0x1000  }
0xd7: {  	[sflag:s4] =	ssyncset.done $0x0  }
0xd8: {  	s13 =	rddreg [dreg:$0x13];
	[sflag:s4] =	ssyncadd.s32 $0xFFFFF000  }
0xd9: {  	[hbm4b:s13+s30] =	stream.linear.scatter [tilespmem:s28], [sflag:$0x1], $0x1000, $0x38;
	[tilespmem:$0x14800] =	vst v63  }
0xda: {  	_ =	swait.ge [sflag:s4], $0x1000  }
0xdb: {  	[sflag:s4] =	ssyncset.done $0x0  }
0xdc: {  	[sflag:s4] =	ssyncadd.s32 $0xFFFFF000  }
0xdd: {  	v0 =	vld [tilespmem:s30+$0x0];
	_ =	sdelay $0x4  }
0xde: {  	v1 =	vadd.s32 $0x2000, v0;
	_ =	sdelay $0x4  }
0xdf: {  	v1 =	vld.idx.msk [tilespmem:v1+s11+$0x0], $0xffff  }
0xe0: {  	v2 =	vadd.s32 $0x2200, v0;
	_ =	sdelay $0x1  }
0xe1: {  	s12 =	sand.u32 $0x30, s30;
	s13 =	sand.u32 $0xF80, s30  }
0xe2: {  	s31 =	sor.u32 s12, s13  }
0xe3: {  	[tilespmem:s31+$0x4800] =	vst v1  }
0xe4: {  	v1 =	vld.idx.msk [tilespmem:v2+s11+$0x0], $0xffff  }
0xe5: {  	v2 =	vadd.s32 $0x2400, v0;
	_ =	sdelay $0x3  }
0xe6: {  	[tilespmem:s31+$0x5800] =	vst v1  }
0xe7: {  	v1 =	vld.idx.msk [tilespmem:v2+s11+$0x0], $0xffff  }
0xe8: {  	v2 =	vadd.s32 $0x2600, v0;
	_ =	sdelay $0x3  }
0xe9: {  	[tilespmem:s31+$0x6800] =	vst v1  }
0xea: {  	v1 =	vld.idx.msk [tilespmem:v2+s11+$0x0], $0xffff  }
0xeb: {  	v2 =	vadd.s32 $0x2800, v0;
	_ =	sdelay $0x3  }
0xec: {  	[tilespmem:s31+$0x7800] =	vst v1  }
0xed: {  	v1 =	vld.idx.msk [tilespmem:v2+s11+$0x0], $0xffff  }
0xee: {  	v2 =	vadd.s32 $0x2A00, v0;
	_ =	sdelay $0x3  }
0xef: {  	[tilespmem:s31+$0x8800] =	vst v1  }
0xf0: {  	v1 =	vld.idx.msk [tilespmem:v2+s11+$0x0], $0xffff  }
0xf1: {  	v2 =	vadd.s32 $0x2C00, v0;
	_ =	sdelay $0x3  }
0xf2: {  	[tilespmem:s31+$0x9800] =	vst v1  }
0xf3: {  	v1 =	vld.idx.msk [tilespmem:v2+s11+$0x0], $0xffff  }
0xf4: {  	v2 =	vadd.s32 $0x2E00, v0;
	_ =	sdelay $0x3  }
0xf5: {  	[tilespmem:s31+$0xA800] =	vst v1  }
0xf6: {  	v1 =	vld.idx.msk [tilespmem:v2+s11+$0x0], $0xffff  }
0xf7: {  	v2 =	vadd.s32 $0x3000, v0;
	_ =	sdelay $0x3  }
0xf8: {  	[tilespmem:s31+$0xB800] =	vst v1  }
0xf9: {  	v1 =	vld.idx.msk [tilespmem:v2+s11+$0x0], $0xffff  }
0xfa: {  	v2 =	vadd.s32 $0x3200, v0;
	_ =	sdelay $0x3  }
0xfb: {  	[tilespmem:s31+$0xC800] =	vst v1  }
0xfc: {  	v1 =	vld.idx.msk [tilespmem:v2+s11+$0x0], $0xffff  }
0xfd: {  	v2 =	vadd.s32 $0x3400, v0;
	_ =	sdelay $0x3  }
0xfe: {  	[tilespmem:s31+$0xD800] =	vst v1  }
0xff: {  	v1 =	vld.idx.msk [tilespmem:v2+s11+$0x0], $0xffff  }
0x100: {  	v2 =	vadd.s32 $0x3600, v0;
	_ =	sdelay $0x3  }
0x101: {  	[tilespmem:s31+$0xE800] =	vst v1  }
0x102: {  	v1 =	vld.idx.msk [tilespmem:v2+s11+$0x0], $0xffff  }
0x103: {  	v2 =	vadd.s32 $0x3800, v0;
	_ =	sdelay $0x3  }
0x104: {  	[tilespmem:s31+$0xF800] =	vst v1  }
0x105: {  	v1 =	vld.idx.msk [tilespmem:v2+s11+$0x0], $0xffff  }
0x106: {  	v2 =	vadd.s32 $0x3A00, v0;
	_ =	sdelay $0x3  }
0x107: {  	[tilespmem:s31+$0x10800] =	vst v1  }
0x108: {  	v1 =	vld.idx.msk [tilespmem:v2+s11+$0x0], $0xffff  }
0x109: {  	v2 =	vadd.s32 $0x3C00, v0;
	_ =	sdelay $0x3  }
0x10a: {  	[tilespmem:s31+$0x11800] =	vst v1  }
0x10b: {  	v1 =	vld.idx.msk [tilespmem:v2+s11+$0x0], $0xffff  }
0x10c: {  	v0 =	vadd.s32 $0x3E00, v0;
	_ =	sdelay $0x3  }
0x10d: {  	[tilespmem:s31+$0x12800] =	vst v1  }
0x10e: {  	s1 =	simm.s32 $0x0;
	s12 =	simm.s32 $0x20;
	v0 =	vld.idx.msk [tilespmem:v0+s11+$0x0], $0xffff  }
.LBB2_4:
0x10f: {  	_ =	sdelay $0x3  }
0x110: {  	p0 =	sne.s32 s12, $0xFE0;
	s30 =	sadd.s32 $0x10, s30;
	s1 =	sadd.s32 $0x10, s1;
	[tilespmem:s31+$0x13800] =	vst v0  }
0x111: {  	s13 =	smov.u32 s12;
	s12 =	sadd.s32 $0x20, s12;
	v0 =	vld [tilespmem:s30+$0x0];
	_ =	sdelay $0x4  }
0x112: {  	v1 =	vadd.s32 $0x2000, v0;
	_ =	sdelay $0x4  }
0x113: {  	v1 =	vld.idx.msk [tilespmem:v1+s11+$0x0], $0xffff;
	_ =	sdelay $0x1  }
0x114: {  	v2 =	vadd.s32 $0x2200, v0;
	_ =	sdelay $0x1  }
0x115: {  	s13 =	sand.u32 $0xF80, s13;
	s31 =	sand.u32 $0x30, s1  }
0x116: {  	s31 =	sor.u32 s31, s13  }
0x117: {  	[tilespmem:s31+$0x4800] =	vst v1  }
0x118: {  	v1 =	vld.idx.msk [tilespmem:v2+s11+$0x0], $0xffff;
	_ =	sdelay $0x1  }
0x119: {  	v2 =	vadd.s32 $0x2400, v0;
	_ =	sdelay $0x3  }
0x11a: {  	[tilespmem:s31+$0x5800] =	vst v1  }
0x11b: {  	v1 =	vld.idx.msk [tilespmem:v2+s11+$0x0], $0xffff;
	_ =	sdelay $0x1  }
0x11c: {  	v2 =	vadd.s32 $0x2600, v0;
	_ =	sdelay $0x3  }
0x11d: {  	[tilespmem:s31+$0x6800] =	vst v1  }
0x11e: {  	v1 =	vld.idx.msk [tilespmem:v2+s11+$0x0], $0xffff;
	_ =	sdelay $0x1  }
0x11f: {  	v2 =	vadd.s32 $0x2800, v0;
	_ =	sdelay $0x3  }
0x120: {  	[tilespmem:s31+$0x7800] =	vst v1  }
0x121: {  	v1 =	vld.idx.msk [tilespmem:v2+s11+$0x0], $0xffff;
	_ =	sdelay $0x1  }
0x122: {  	v2 =	vadd.s32 $0x2A00, v0;
	_ =	sdelay $0x3  }
0x123: {  	[tilespmem:s31+$0x8800] =	vst v1  }
0x124: {  	v1 =	vld.idx.msk [tilespmem:v2+s11+$0x0], $0xffff;
	_ =	sdelay $0x1  }
0x125: {  	v2 =	vadd.s32 $0x2C00, v0;
	_ =	sdelay $0x3  }
0x126: {  	[tilespmem:s31+$0x9800] =	vst v1  }
0x127: {  	v1 =	vld.idx.msk [tilespmem:v2+s11+$0x0], $0xffff;
	_ =	sdelay $0x1  }
0x128: {  	v2 =	vadd.s32 $0x2E00, v0;
	_ =	sdelay $0x3  }
0x129: {  	[tilespmem:s31+$0xA800] =	vst v1  }
0x12a: {  	v1 =	vld.idx.msk [tilespmem:v2+s11+$0x0], $0xffff;
	_ =	sdelay $0x1  }
0x12b: {  	v2 =	vadd.s32 $0x3000, v0;
	_ =	sdelay $0x3  }
0x12c: {  	[tilespmem:s31+$0xB800] =	vst v1  }
0x12d: {  	v1 =	vld.idx.msk [tilespmem:v2+s11+$0x0], $0xffff;
	_ =	sdelay $0x1  }
0x12e: {  	v2 =	vadd.s32 $0x3200, v0;
	_ =	sdelay $0x3  }
0x12f: {  	[tilespmem:s31+$0xC800] =	vst v1  }
0x130: {  	v1 =	vld.idx.msk [tilespmem:v2+s11+$0x0], $0xffff;
	_ =	sdelay $0x1  }
0x131: {  	v2 =	vadd.s32 $0x3400, v0;
	_ =	sdelay $0x3  }
0x132: {  	[tilespmem:s31+$0xD800] =	vst v1  }
0x133: {  	v1 =	vld.idx.msk [tilespmem:v2+s11+$0x0], $0xffff;
	_ =	sdelay $0x1  }
0x134: {  	v2 =	vadd.s32 $0x3600, v0;
	_ =	sdelay $0x3  }
0x135: {  	[tilespmem:s31+$0xE800] =	vst v1  }
0x136: {  	v1 =	vld.idx.msk [tilespmem:v2+s11+$0x0], $0xffff;
	_ =	sdelay $0x1  }
0x137: {  	v2 =	vadd.s32 $0x3800, v0;
	_ =	sdelay $0x3  }
0x138: {  	[tilespmem:s31+$0xF800] =	vst v1  }
0x139: {  	v1 =	vld.idx.msk [tilespmem:v2+s11+$0x0], $0xffff;
	_ =	sdelay $0x1  }
0x13a: {  	v2 =	vadd.s32 $0x3A00, v0;
	_ =	sdelay $0x3  }
0x13b: {  	[tilespmem:s31+$0x10800] =	vst v1  }
0x13c: {  	v1 =	vld.idx.msk [tilespmem:v2+s11+$0x0], $0xffff;
	_ =	sdelay $0x1  }
0x13d: {  	v2 =	vadd.s32 $0x3C00, v0;
	_ =	sdelay $0x3  }
0x13e: {  	[tilespmem:s31+$0x11800] =	vst v1  }
0x13f: {  	v1 =	vld.idx.msk [tilespmem:v2+s11+$0x0], $0xffff;
	_ =	sdelay $0x1  }
0x140: {  	v0 =	vadd.s32 $0x3E00, v0  }
.Ltmp1:
0x141: {  	(pc) =	sbr.rel @p0 .LBB2_4-.Ltmp1, $3  }
0x142: {  	_ =	sdelay $0x1  }
0x143: {  	[tilespmem:s31+$0x12800] =	vst v1  }
0x144: {  	v0 =	vld.idx.msk [tilespmem:v0+s11+$0x0], $0xffff  }
0x145: {  	_ =	sdelay $0x3  }
0x146: {  	s1 =	rddreg [dreg:$0x14];
	s12 =	simm.s32 $0x4800;
	[tilespmem:s31+$0x13800] =	vst v0  }
0x147: {  	[hbm4b:s1+s2] =	stream.linear.scatter [tilespmem:s12], [sflag:$0x1], $0x1000, $0x38;
	[tilespmem:$0x14800] =	vst v63  }
0x148: {  	_ =	swait.ge [sflag:s4], $0x1000  }
0x149: {  	[sflag:s4] =	ssyncset.done $0x0  }
0x14a: {  	s31 =	simm.s32 $0x5800;
	s30 =	rddreg [dreg:$0x15];
	[sflag:s4] =	ssyncadd.s32 $0xFFFFF000  }
0x14b: {  	[hbm4b:s30+s2] =	stream.linear.scatter [tilespmem:s31], [sflag:$0x1], $0x1000, $0x38;
	[tilespmem:$0x14800] =	vst v63  }
0x14c: {  	_ =	swait.ge [sflag:s4], $0x1000  }
0x14d: {  	[sflag:s4] =	ssyncset.done $0x0  }
0x14e: {  	s12 =	rddreg [dreg:$0x16];
	[sflag:s4] =	ssyncadd.s32 $0xFFFFF000  }
0x14f: {  	[hbm4b:s12+s2] =	stream.linear.scatter [tilespmem:s14], [sflag:$0x1], $0x1000, $0x38;
	[tilespmem:$0x14800] =	vst v63  }
0x150: {  	_ =	swait.ge [sflag:s4], $0x1000  }
0x151: {  	[sflag:s4] =	ssyncset.done $0x0  }
0x152: {  	s13 =	rddreg [dreg:$0x18];
	[sflag:s4] =	ssyncadd.s32 $0xFFFFF000  }
0x153: {  	[hbm4b:s13+s2] =	stream.linear.scatter [tilespmem:s15], [sflag:$0x1], $0x1000, $0x38;
	[tilespmem:$0x14800] =	vst v63  }
0x154: {  	_ =	swait.ge [sflag:s4], $0x1000  }
0x155: {  	[sflag:s4] =	ssyncset.done $0x0  }
0x156: {  	s30 =	rddreg [dreg:$0x19];
	[sflag:s4] =	ssyncadd.s32 $0xFFFFF000  }
0x157: {  	[hbm4b:s30+s2] =	stream.linear.scatter [tilespmem:s16], [sflag:$0x1], $0x1000, $0x38;
	[tilespmem:$0x14800] =	vst v63  }
0x158: {  	_ =	swait.ge [sflag:s4], $0x1000  }
0x159: {  	[sflag:s4] =	ssyncset.done $0x0  }
0x15a: {  	s31 =	rddreg [dreg:$0x1a];
	[sflag:s4] =	ssyncadd.s32 $0xFFFFF000  }
0x15b: {  	[hbm4b:s31+s2] =	stream.linear.scatter [tilespmem:s17], [sflag:$0x1], $0x1000, $0x38;
	[tilespmem:$0x14800] =	vst v63  }
0x15c: {  	_ =	swait.ge [sflag:s4], $0x1000  }
0x15d: {  	[sflag:s4] =	ssyncset.done $0x0  }
0x15e: {  	s12 =	rddreg [dreg:$0x1b];
	[sflag:s4] =	ssyncadd.s32 $0xFFFFF000  }
0x15f: {  	[hbm4b:s12+s2] =	stream.linear.scatter [tilespmem:s18], [sflag:$0x1], $0x1000, $0x38;
	[tilespmem:$0x14800] =	vst v63  }
0x160: {  	_ =	swait.ge [sflag:s4], $0x1000  }
0x161: {  	[sflag:s4] =	ssyncset.done $0x0  }
0x162: {  	s13 =	rddreg [dreg:$0x1c];
	[sflag:s4] =	ssyncadd.s32 $0xFFFFF000  }
0x163: {  	[hbm4b:s13+s2] =	stream.linear.scatter [tilespmem:s19], [sflag:$0x1], $0x1000, $0x38;
	[tilespmem:$0x14800] =	vst v63  }
0x164: {  	_ =	swait.ge [sflag:s4], $0x1000  }
0x165: {  	[sflag:s4] =	ssyncset.done $0x0  }
0x166: {  	s30 =	rddreg [dreg:$0x1d];
	[sflag:s4] =	ssyncadd.s32 $0xFFFFF000  }
0x167: {  	[hbm4b:s30+s2] =	stream.linear.scatter [tilespmem:s20], [sflag:$0x1], $0x1000, $0x38;
	[tilespmem:$0x14800] =	vst v63  }
0x168: {  	_ =	swait.ge [sflag:s4], $0x1000  }
0x169: {  	[sflag:s4] =	ssyncset.done $0x0  }
0x16a: {  	[sflag:s4] =	ssyncadd.s32 $0xFFFFF000  }
0x16b: {  	[hbm4b:s0+s2] =	stream.linear.scatter [tilespmem:s21], [sflag:$0x1], $0x1000, $0x38;
	[tilespmem:$0x14800] =	vst v63  }
0x16c: {  	_ =	swait.ge [sflag:s4], $0x1000  }
0x16d: {  	[sflag:s4] =	ssyncset.done $0x0  }
0x16e: {  	[sflag:s4] =	ssyncadd.s32 $0xFFFFF000  }
0x16f: {  	[hbm4b:s3+s2] =	stream.linear.scatter [tilespmem:s22], [sflag:$0x1], $0x1000, $0x38;
	[tilespmem:$0x14800] =	vst v63  }
0x170: {  	_ =	swait.ge [sflag:s4], $0x1000  }
0x171: {  	[sflag:s4] =	ssyncset.done $0x0  }
0x172: {  	[sflag:s4] =	ssyncadd.s32 $0xFFFFF000  }
0x173: {  	[hbm4b:s6+s2] =	stream.linear.scatter [tilespmem:s23], [sflag:$0x1], $0x1000, $0x38;
	[tilespmem:$0x14800] =	vst v63  }
0x174: {  	_ =	swait.ge [sflag:s4], $0x1000  }
0x175: {  	[sflag:s4] =	ssyncset.done $0x0  }
0x176: {  	[sflag:s4] =	ssyncadd.s32 $0xFFFFF000  }
0x177: {  	[hbm4b:s7+s2] =	stream.linear.scatter [tilespmem:s24], [sflag:$0x1], $0x1000, $0x38;
	[tilespmem:$0x14800] =	vst v63  }
0x178: {  	_ =	swait.ge [sflag:s4], $0x1000  }
0x179: {  	[sflag:s4] =	ssyncset.done $0x0  }
0x17a: {  	[sflag:s4] =	ssyncadd.s32 $0xFFFFF000  }
0x17b: {  	[hbm4b:s8+s2] =	stream.linear.scatter [tilespmem:s25], [sflag:$0x1], $0x1000, $0x38;
	[tilespmem:$0x14800] =	vst v63  }
0x17c: {  	_ =	swait.ge [sflag:s4], $0x1000  }
0x17d: {  	[sflag:s4] =	ssyncset.done $0x0  }
0x17e: {  	[sflag:s4] =	ssyncadd.s32 $0xFFFFF000  }
0x17f: {  	[hbm4b:s9+s2] =	stream.linear.scatter [tilespmem:s26], [sflag:$0x1], $0x1000, $0x38;
	[tilespmem:$0x14800] =	vst v63  }
0x180: {  	_ =	swait.ge [sflag:s4], $0x1000  }
0x181: {  	[sflag:s4] =	ssyncset.done $0x0  }
0x182: {  	[sflag:s4] =	ssyncadd.s32 $0xFFFFF000  }
0x183: {  	[hbm4b:s10+s2] =	stream.linear.scatter [tilespmem:s28], [sflag:$0x1], $0x1000, $0x38;
	[tilespmem:$0x14800] =	vst v63  }
0x184: {  	_ =	swait.ge [sflag:s4], $0x1000  }
0x185: {  	s29 =	sadd.s32 $0x1, s29;
	s31 =	rddreg [dreg:$0x17]  }
0x186: {  	p0 =	sne.s32 s29, s31  }
.Ltmp2:
0x187: {  	_ = 	snop;
	(pc) =	sbr.rel @p0 .LBB2_1-.Ltmp2, $3  }
0x188: {  	_ =	sdelay $0x1  }
0x189: {  	[sflag:s4] =	ssyncset.done $0x0  }
0x18a: {  	[sflag:s4] =	ssyncadd.s32 $0xFFFFF000  }
0x18b: {  	_ =	sfence.sel $0x180000  }
0x18c: {  	[bflag:$0x0] =	sbarrier.arrive $0xFFFF  }
0x18d: {  	_ =	strace $0x90000047  }
0x18e: {  	s0 =	stileid.u32;
	[bflag:$0x2] =	sbarrier.arrive $0xFFFF  }
0x18f: {  	p0 =	sne.s32 s0, $0x0;
	s0 =	rddreg [dreg:$0x2]  }
0x190: {  	s0 =	sadd.s32 @!p0 $0x100000, s0  }
0x191: {  	[sflag:s0] =	ssyncadd.tile.s32 @!p0 $0x1;
	_ =	shalt  }
.Lfunc_end2:
_tile_overlayer_lowered:
.L_overlay_start_2:
0x192: {  	(tag) =	ssettag $0x2  }
0x193: {  	s0 =	rddreg [dreg:$0x0];
	s2 =	stileid.u32  }
0x194: {  	s1 =	rddreg [dreg:$0x1];
	p0 =	sne.s32 s2, $0x0  }
0x195: {  	s3 =	rddreg [dreg:$0x2];
	[bflag:$0x3] =	sbarrier.arrive $0xFFFF;
	s2 =	simm.s32 @!p0 $0x1C01  }
0x196: {  	[timem:s3], [sflag:s2] =	dma.local @!p0 [hbm:s0], s1  }
0x197: {  	s0 =	simm.s32 @!p0 $0x1  }
0x198: {  	_ =	swait.ge @!p0 [sflag:s0], s1  }
0x199: {  	s1 =	ssub.s32 @!p0 $0x0, s1;
	[sflag:s0] =	ssyncset.done @!p0 $0x0  }
0x19a: {  	[sflag:s0] =	ssyncadd.s32 @!p0 s1  }
0x19b: {  	[bflag:$0x3] =	sbarrier.arrive $0xFFFF  }
0x19c: {  	_ =	shalt  }

</sc_bundles>
